<compile_context>
chip_gen: v7x
topology: tpu7x:2x2x1
jax: 0.10.2.dev20260603
libtpu: 0.0.44.dev20260713+nightly
codegen_flags: <defaults>
</compile_context>

<pallas_src>
import jax
import jax.numpy as jnp
from jax import lax
from jax.experimental import pallas as pl
from jax.experimental.pallas import tpu as pltpu
from jax.experimental.pallas import tpu_sc as plsc

N1 = 1500
D = 128
P = 262144
NC = 2
NS = 16
NW = NC * NS
BPW = P // NW
C = 128
NCH = BPW // C
L = 16
KD = D // 32
NP = 1536
RPS = NP // NS


def _lane_sum(v):
  lanes = jnp.arange(L, dtype=jnp.int32)
  for k in (1, 2, 4, 8):
    perm = lanes ^ k
    v = v + jnp.take_along_axis(v, perm, axis=0, mode="promise_in_bounds")
  return v


def _bf16_split(w):
  a = lax.bitcast_convert_type(jnp.left_shift(w, 16), jnp.float32)
  b = lax.bitcast_convert_type(w, jnp.float32)
  return a, b


def _vrsqrt(x):
  i = lax.bitcast_convert_type(x, jnp.int32)
  i = jnp.int32(0x5F3759DF) - lax.shift_right_logical(i, 1)
  y = lax.bitcast_convert_type(i, jnp.float32)
  xh = x * jnp.float32(0.5)
  for _ in range(2):
    y = y * (jnp.float32(1.5) - xh * y * y)
  return y


def _sc_body(t1, t2, i1, i2, out, sh1, sh2, i1v, i2v, r1, r2, ov,
             g0, g1, s0, s1, ix0, ix1):
  c = lax.axis_index("c")
  s = lax.axis_index("s")
  wid = s * NC + c
  base = wid * BPW

  pltpu.sync_copy(t1.at[pl.ds(s * RPS, RPS)], sh1.at[pl.ds(s * RPS, RPS)])
  pltpu.sync_copy(t2.at[pl.ds(s * RPS, RPS)], sh2.at[pl.ds(s * RPS, RPS)])
  plsc.subcore_barrier()

  gsems = (g0, g1)
  ssems = (s0, s1)
  isems = (ix0, ix1)

  def issue_idx(j, b):
    pltpu.async_copy(i1.at[wid, j], i1v.at[b], isems[b])
    pltpu.async_copy(i2.at[wid, j], i2v.at[b], isems[b])

  def wait_idx(j, b):
    pltpu.make_async_copy(i1.at[wid, j], i1v.at[b], isems[b]).wait()
    pltpu.make_async_copy(i2.at[wid, j], i2v.at[b], isems[b]).wait()

  def issue_gathers(b):
    pltpu.async_copy(sh1.at[i1v.at[b]], r1.at[b], gsems[b])
    pltpu.async_copy(sh2.at[i2v.at[b]], r2.at[b], gsems[b])

  def wait_gathers(b):
    pltpu.make_async_copy(sh1.at[i1v.at[b]], r1.at[b], gsems[b]).wait()
    pltpu.make_async_copy(sh2.at[i2v.at[b]], r2.at[b], gsems[b]).wait()

  def issue_store(j, b):
    pltpu.async_copy(ov.at[b], out.at[pl.ds(base + j * C, C)], ssems[b])

  def wait_store(j, b):
    pltpu.make_async_copy(ov.at[b], out.at[pl.ds(base + j * C, C)],
                          ssems[b]).wait()

  def compute(b):
    def one_pair(p):
      prods = []
      acc = jnp.zeros((L,), jnp.float32)
      for k in range(KD):
        a1, b1 = _bf16_split(r1[b, p, pl.ds(k * L, L)])
        a2, b2 = _bf16_split(r2[b, p, pl.ds(k * L, L)])
        pa = a1 * a2
        pb = b1 * b2
        prods.append(pa)
        prods.append(pb)
        acc = acc + pa * pa
        acc = acc + pb * pb
      r = _vrsqrt(_lane_sum(acc))
      for k in range(2 * KD):
        ov[b, p, pl.ds(k * L, L)] = prods[k] * r

    def pair_body(q, pcarry):
      one_pair(2 * q)
      one_pair(2 * q + 1)
      return pcarry

    lax.fori_loop(0, C // 2, pair_body, 0)

  issue_idx(0, 0)
  issue_idx(1, 1)
  wait_idx(0, 0)
  issue_gathers(0)
  wait_idx(1, 1)
  issue_gathers(1)

  def step(t, carry):
    for b in (0, 1):
      j = 2 * t + b
      wait_gathers(b)

      @pl.when(t < NCH // 2 - 1)
      def _():
        issue_idx(j + 2, b)

      @pl.when(t > 0)
      def _():
        wait_store(j - 2, b)

      compute(b)
      issue_store(j, b)

      @pl.when(t < NCH // 2 - 1)
      def _():
        wait_idx(j + 2, b)
        issue_gathers(b)

    return carry

  lax.fori_loop(0, NCH // 2, step, 0)
  wait_store(NCH - 2, 0)
  wait_store(NCH - 1, 1)


def _shuffle_table(w):
  t = jnp.pad(w.T, ((0, NP - w.shape[1]), (0, 0)))
  t = t.reshape(NP, KD, 2, L).swapaxes(2, 3).astype(jnp.bfloat16)
  return lax.bitcast_convert_type(t, jnp.int32).reshape(NP, D // 2)


@jax.jit
def kernel(association_pairs, drug_embedding1, drug_embedding2, W1, W2):
  del drug_embedding1, drug_embedding2
  t1 = _shuffle_table(W1)
  t2 = _shuffle_table(W2)
  i1 = association_pairs[0].astype(jnp.int32).reshape(NW, NCH, C)
  i2 = association_pairs[1].astype(jnp.int32).reshape(NW, NCH, C)

  mesh = plsc.VectorSubcoreMesh(
      core_axis_name="c", subcore_axis_name="s", num_cores=NC, num_subcores=NS)
  sc_call = pl.kernel(
      _sc_body,
      out_type=jax.ShapeDtypeStruct((P, D), jnp.float32),
      mesh=mesh,
      scratch_types=[
          pltpu.VMEM_SHARED((NP, D // 2), jnp.int32),
          pltpu.VMEM_SHARED((NP, D // 2), jnp.int32),
          pltpu.VMEM((2, C), jnp.int32),
          pltpu.VMEM((2, C), jnp.int32),
          pltpu.VMEM((2, C, D // 2), jnp.int32),
          pltpu.VMEM((2, C, D // 2), jnp.int32),
          pltpu.VMEM((2, C, D), jnp.float32),
      ] + [pltpu.SemaphoreType.DMA] * 6,
  )
  return sc_call(t1, t2, i1, i2)

# --- scband reference (transcript-rebuilt; emitter-appended) ---
"""Pipeline reference for scband-interaction-embedding-15375982920237 (READ-ONLY COPY).

The authoritative reference and input builder live on the scoring server;
editing this copy changes nothing except your own understanding.
"""

import jax, jax.numpy as jnp
import numpy as np

N1 = 1500
N2 = 1500
D = 128
P = 262144

def setup_inputs(seed: int = 0) -> dict:
    key = jax.random.key(seed)
    k1, k2, k3, k4, k5 = jax.random.split(key, 5)
    association_pairs = jax.random.randint(k1, (2, P), 0, N1)
    drug_embedding1 = jax.random.normal(k2, (N1, D), dtype=jnp.float32)
    drug_embedding2 = jax.random.normal(k3, (N2, D), dtype=jnp.float32)
    # Linear(n_drug, embedding_dim, bias=False) weights: [embedding_dim, n_drug]
    W1 = jax.random.normal(k4, (D, N1), dtype=jnp.float32) * (1.0 / np.sqrt(N1))
    W2 = jax.random.normal(k5, (D, N2), dtype=jnp.float32) * (1.0 / np.sqrt(N2))
    return {
        'association_pairs': association_pairs,
        'drug_embedding1': drug_embedding1,
        'drug_embedding2': drug_embedding2,
        'W1': W1,
        'W2': W2,
    }

def reference(association_pairs, drug_embedding1, drug_embedding2, W1, W2):
    # Faithful translation: inputs drug_embedding1/2 are replaced by identity matrices
    eye1 = jnp.eye(drug_embedding1.shape[0], dtype=jnp.float32)
    eye2 = jnp.eye(drug_embedding2.shape[0], dtype=jnp.float32)
    # Linear projection (no bias): x @ W^T
    proj1 = eye1 @ W1.T  # [N1, D]
    proj2 = eye2 @ W2.T  # [N2, D]
    # Embedding lookups
    e1 = jnp.take(proj1, association_pairs[0, :], axis=0)  # [P, D]
    e2 = jnp.take(proj2, association_pairs[1, :], axis=0)  # [P, D]
    associations = e1 * e2
    # F.normalize: L2 along dim=1, eps=1e-12 (clamp_min on the norm)
    norm = jnp.linalg.norm(associations, ord=2, axis=1, keepdims=True)
    associations = associations / jnp.maximum(norm, 1e-12)
    # dropout is identity in eval mode
    return associations

if __name__ == "__main__":
    import jax
    _d = setup_inputs()
    print(jax.jit(kernel)(*tuple(_d.values())))

</pallas_src>

<mosaic_0001>
#map = affine_map<(d0, d1) -> (0, 0)>
#map1 = affine_map<(d0, d1) -> (0, 0, 0)>
module attributes {stable_mosaic.version = 14 : i64} {
  func.func @_sc_body(%arg0: i32, %arg1: i32, %arg2: memref<1536x64xi32, #tpu.memory_space<hbm>>, %arg3: memref<1536x64xi32, #tpu.memory_space<hbm>>, %arg4: memref<32x64x128xi32, #tpu.memory_space<hbm>>, %arg5: memref<32x64x128xi32, #tpu.memory_space<hbm>>, %arg6: memref<262144x128xf32, #tpu.memory_space<hbm>>, %arg7: memref<1536x64xi32, #tpu.memory_space<vmem_shared>>, %arg8: memref<1536x64xi32, #tpu.memory_space<vmem_shared>>, %arg9: memref<2x128xi32, #tpu.memory_space<vmem>>, %arg10: memref<2x128xi32, #tpu.memory_space<vmem>>, %arg11: memref<2x128x64xi32, #tpu.memory_space<vmem>>, %arg12: memref<2x128x64xi32, #tpu.memory_space<vmem>>, %arg13: memref<2x128x128xf32, #tpu.memory_space<vmem>>, %arg14: memref<!tpu.dma_semaphore, #tpu.memory_space<semaphore_mem>>, %arg15: memref<!tpu.dma_semaphore, #tpu.memory_space<semaphore_mem>>, %arg16: memref<!tpu.dma_semaphore, #tpu.memory_space<semaphore_mem>>, %arg17: memref<!tpu.dma_semaphore, #tpu.memory_space<semaphore_mem>>, %arg18: memref<!tpu.dma_semaphore, #tpu.memory_space<semaphore_mem>>, %arg19: memref<!tpu.dma_semaphore, #tpu.memory_space<semaphore_mem>>) attributes {dimension_semantics = [#tpu.dimension_semantics<core_parallel>, #tpu.dimension_semantics<subcore_parallel>], iteration_bounds = array<i64: 2, 16>, scalar_prefetch = 0 : i64, scratch_operands = 13 : i64, tpu.core_type = #tpu.core_type<sc_vector_subcore>, window_params = [{transform_indices = #map}, {transform_indices = #map}, {transform_indices = #map1}, {transform_indices = #map1}, {transform_indices = #map}]} {
    %mul3A = arith.constant 2 : i32
    %mul3A_0 = arith.muli %arg1, %mul3A : i32
    %add3A = arith.addi %mul3A_0, %arg0 : i32
    %mul3A_1 = arith.constant 8192 : i32
    %mul3A_2 = arith.muli %add3A, %mul3A_1 : i32
    %mul3A_3 = arith.constant 96 : i32
    %mul3A_4 = arith.muli %arg1, %mul3A_3 : i32
    %mul3A_5 = arith.constant 96 : i32
    %mul3A_6 = arith.muli %arg1, %mul3A_5 : i32
    "tpu.region"() ({
      %run_scoped3A = tpu.sem_alloc : memref<!tpu.dma_semaphore, #tpu.memory_space<semaphore_mem>>
      %dma_start3A_204 = arith.constant 0 : i32
      %dma_start3A_205 = tpu.memref_slice %arg7[%mul3A_6, %dma_start3A_204] : memref<1536x64xi32, #tpu.memory_space<vmem_shared>> -> memref<96x64xi32, #tpu.memory_space<vmem_shared>>
      %dma_start3A_206 = arith.constant 0 : i32
      %dma_start3A_207 = tpu.memref_slice %arg2[%mul3A_4, %dma_start3A_206] : memref<1536x64xi32, #tpu.memory_space<hbm>> -> memref<96x64xi32, #tpu.memory_space<hbm>>
      tpu.enqueue_dma source(%dma_start3A_207 : memref<96x64xi32, #tpu.memory_space<hbm>>) target(%dma_start3A_205 : memref<96x64xi32, #tpu.memory_space<vmem_shared>>) target_semaphore(%run_scoped3A : memref<!tpu.dma_semaphore, #tpu.memory_space<semaphore_mem>>)
      %dma_wait3A_208 = arith.constant 0 : i32
      %dma_wait3A_209 = tpu.memref_slice %arg7[%mul3A_6, %dma_wait3A_208] : memref<1536x64xi32, #tpu.memory_space<vmem_shared>> -> memref<96x64xi32, #tpu.memory_space<vmem_shared>>
      %dma_wait3A_210 = arith.constant 0 : i32
      %dma_wait3A_211 = tpu.memref_slice %arg2[%mul3A_4, %dma_wait3A_210] : memref<1536x64xi32, #tpu.memory_space<hbm>> -> memref<96x64xi32, #tpu.memory_space<hbm>>
      tpu.wait_dma2 semaphore(%run_scoped3A : memref<!tpu.dma_semaphore, #tpu.memory_space<semaphore_mem>>) src(%dma_wait3A_211 : memref<96x64xi32, #tpu.memory_space<hbm>>) dst(%dma_wait3A_209 : memref<96x64xi32, #tpu.memory_space<vmem_shared>>)
      tpu.yield
    }) : () -> ()
    %mul3A_7 = arith.constant 96 : i32
    %mul3A_8 = arith.muli %arg1, %mul3A_7 : i32
    %mul3A_9 = arith.constant 96 : i32
    %mul3A_10 = arith.muli %arg1, %mul3A_9 : i32
    "tpu.region"() ({
      %run_scoped3A = tpu.sem_alloc : memref<!tpu.dma_semaphore, #tpu.memory_space<semaphore_mem>>
      %dma_start3A_204 = arith.constant 0 : i32
      %dma_start3A_205 = tpu.memref_slice %arg8[%mul3A_10, %dma_start3A_204] : memref<1536x64xi32, #tpu.memory_space<vmem_shared>> -> memref<96x64xi32, #tpu.memory_space<vmem_shared>>
      %dma_start3A_206 = arith.constant 0 : i32
      %dma_start3A_207 = tpu.memref_slice %arg3[%mul3A_8, %dma_start3A_206] : memref<1536x64xi32, #tpu.memory_space<hbm>> -> memref<96x64xi32, #tpu.memory_space<hbm>>
      tpu.enqueue_dma source(%dma_start3A_207 : memref<96x64xi32, #tpu.memory_space<hbm>>) target(%dma_start3A_205 : memref<96x64xi32, #tpu.memory_space<vmem_shared>>) target_semaphore(%run_scoped3A : memref<!tpu.dma_semaphore, #tpu.memory_space<semaphore_mem>>)
      %dma_wait3A_208 = arith.constant 0 : i32
      %dma_wait3A_209 = tpu.memref_slice %arg8[%mul3A_10, %dma_wait3A_208] : memref<1536x64xi32, #tpu.memory_space<vmem_shared>> -> memref<96x64xi32, #tpu.memory_space<vmem_shared>>
      %dma_wait3A_210 = arith.constant 0 : i32
      %dma_wait3A_211 = tpu.memref_slice %arg3[%mul3A_8, %dma_wait3A_210] : memref<1536x64xi32, #tpu.memory_space<hbm>> -> memref<96x64xi32, #tpu.memory_space<hbm>>
      tpu.wait_dma2 semaphore(%run_scoped3A : memref<!tpu.dma_semaphore, #tpu.memory_space<semaphore_mem>>) src(%dma_wait3A_211 : memref<96x64xi32, #tpu.memory_space<hbm>>) dst(%dma_wait3A_209 : memref<96x64xi32, #tpu.memory_space<vmem_shared>>)
      tpu.yield
    }) : () -> ()
    %barrier3A = arith.constant 0 : index
    tpu.barrier barrier_id(%barrier3A)
    %dma_start3A = arith.constant 0 : i32
    %dma_start3A_11 = arith.constant 0 : i32
    %dma_start3A_12 = arith.constant 0 : i32
    %dma_start3A_13 = tpu.memref_slice %arg9[%dma_start3A_11, %dma_start3A_12] : memref<2x128xi32, #tpu.memory_space<vmem>> -> memref<1x128xi32, #tpu.memory_space<vmem>>
    %dma_start3A_14 = tpu.memref_squeeze %dma_start3A_13 : memref<1x128xi32, #tpu.memory_space<vmem>> -> memref<128xi32, #tpu.memory_space<vmem>>
    %dma_start3A_15 = arith.constant 0 : i32
    %dma_start3A_16 = tpu.memref_slice %arg4[%add3A, %dma_start3A, %dma_start3A_15] : memref<32x64x128xi32, #tpu.memory_space<hbm>> -> memref<1x1x128xi32, #tpu.memory_space<hbm>>
    %dma_start3A_17 = tpu.memref_squeeze %dma_start3A_16 : memref<1x1x128xi32, #tpu.memory_space<hbm>> -> memref<128xi32, #tpu.memory_space<hbm>>
    %dma_start3A_18 = arith.constant 0 : i32
    %dma_start3A_19 = tpu.memref_slice %arg9[%dma_start3A_11, %dma_start3A_18] : memref<2x128xi32, #tpu.memory_space<vmem>> -> memref<1x128xi32, #tpu.memory_space<vmem>>
    %dma_start3A_20 = tpu.memref_squeeze %dma_start3A_19 : memref<1x128xi32, #tpu.memory_space<vmem>> -> memref<128xi32, #tpu.memory_space<vmem>>
    %dma_start3A_21 = arith.constant 0 : i32
    %dma_start3A_22 = tpu.memref_slice %arg4[%add3A, %dma_start3A, %dma_start3A_21] : memref<32x64x128xi32, #tpu.memory_space<hbm>> -> memref<1x1x128xi32, #tpu.memory_space<hbm>>
    %dma_start3A_23 = tpu.memref_squeeze %dma_start3A_22 : memref<1x1x128xi32, #tpu.memory_space<hbm>> -> memref<128xi32, #tpu.memory_space<hbm>>
    tpu.enqueue_dma source(%dma_start3A_23 : memref<128xi32, #tpu.memory_space<hbm>>) target(%dma_start3A_20 : memref<128xi32, #tpu.memory_space<vmem>>) target_semaphore(%arg18 : memref<!tpu.dma_semaphore, #tpu.memory_space<semaphore_mem>>)
    %dma_start3A_24 = arith.constant 0 : i32
    %dma_start3A_25 = arith.constant 0 : i32
    %dma_start3A_26 = arith.constant 0 : i32
    %dma_start3A_27 = tpu.memref_slice %arg10[%dma_start3A_25, %dma_start3A_26] : memref<2x128xi32, #tpu.memory_space<vmem>> -> memref<1x128xi32, #tpu.memory_space<vmem>>
    %dma_start3A_28 = tpu.memref_squeeze %dma_start3A_27 : memref<1x128xi32, #tpu.memory_space<vmem>> -> memref<128xi32, #tpu.memory_space<vmem>>
    %dma_start3A_29 = arith.constant 0 : i32
    %dma_start3A_30 = tpu.memref_slice %arg5[%add3A, %dma_start3A_24, %dma_start3A_29] : memref<32x64x128xi32, #tpu.memory_space<hbm>> -> memref<1x1x128xi32, #tpu.memory_space<hbm>>
    %dma_start3A_31 = tpu.memref_squeeze %dma_start3A_30 : memref<1x1x128xi32, #tpu.memory_space<hbm>> -> memref<128xi32, #tpu.memory_space<hbm>>
    %dma_start3A_32 = arith.constant 0 : i32
    %dma_start3A_33 = tpu.memref_slice %arg10[%dma_start3A_25, %dma_start3A_32] : memref<2x128xi32, #tpu.memory_space<vmem>> -> memref<1x128xi32, #tpu.memory_space<vmem>>
    %dma_start3A_34 = tpu.memref_squeeze %dma_start3A_33 : memref<1x128xi32, #tpu.memory_space<vmem>> -> memref<128xi32, #tpu.memory_space<vmem>>
    %dma_start3A_35 = arith.constant 0 : i32
    %dma_start3A_36 = tpu.memref_slice %arg5[%add3A, %dma_start3A_24, %dma_start3A_35] : memref<32x64x128xi32, #tpu.memory_space<hbm>> -> memref<1x1x128xi32, #tpu.memory_space<hbm>>
    %dma_start3A_37 = tpu.memref_squeeze %dma_start3A_36 : memref<1x1x128xi32, #tpu.memory_space<hbm>> -> memref<128xi32, #tpu.memory_space<hbm>>
    tpu.enqueue_dma source(%dma_start3A_37 : memref<128xi32, #tpu.memory_space<hbm>>) target(%dma_start3A_34 : memref<128xi32, #tpu.memory_space<vmem>>) target_semaphore(%arg18 : memref<!tpu.dma_semaphore, #tpu.memory_space<semaphore_mem>>)
    %dma_start3A_38 = arith.constant 1 : i32
    %dma_start3A_39 = arith.constant 1 : i32
    %dma_start3A_40 = arith.constant 0 : i32
    %dma_start3A_41 = tpu.memref_slice %arg9[%dma_start3A_39, %dma_start3A_40] : memref<2x128xi32, #tpu.memory_space<vmem>> -> memref<1x128xi32, #tpu.memory_space<vmem>>
    %dma_start3A_42 = tpu.memref_squeeze %dma_start3A_41 : memref<1x128xi32, #tpu.memory_space<vmem>> -> memref<128xi32, #tpu.memory_space<vmem>>
    %dma_start3A_43 = arith.constant 0 : i32
    %dma_start3A_44 = tpu.memref_slice %arg4[%add3A, %dma_start3A_38, %dma_start3A_43] : memref<32x64x128xi32, #tpu.memory_space<hbm>> -> memref<1x1x128xi32, #tpu.memory_space<hbm>>
    %dma_start3A_45 = tpu.memref_squeeze %dma_start3A_44 : memref<1x1x128xi32, #tpu.memory_space<hbm>> -> memref<128xi32, #tpu.memory_space<hbm>>
    %dma_start3A_46 = arith.constant 0 : i32
    %dma_start3A_47 = tpu.memref_slice %arg9[%dma_start3A_39, %dma_start3A_46] : memref<2x128xi32, #tpu.memory_space<vmem>> -> memref<1x128xi32, #tpu.memory_space<vmem>>
    %dma_start3A_48 = tpu.memref_squeeze %dma_start3A_47 : memref<1x128xi32, #tpu.memory_space<vmem>> -> memref<128xi32, #tpu.memory_space<vmem>>
    %dma_start3A_49 = arith.constant 0 : i32
    %dma_start3A_50 = tpu.memref_slice %arg4[%add3A, %dma_start3A_38, %dma_start3A_49] : memref<32x64x128xi32, #tpu.memory_space<hbm>> -> memref<1x1x128xi32, #tpu.memory_space<hbm>>
    %dma_start3A_51 = tpu.memref_squeeze %dma_start3A_50 : memref<1x1x128xi32, #tpu.memory_space<hbm>> -> memref<128xi32, #tpu.memory_space<hbm>>
    tpu.enqueue_dma source(%dma_start3A_51 : memref<128xi32, #tpu.memory_space<hbm>>) target(%dma_start3A_48 : memref<128xi32, #tpu.memory_space<vmem>>) target_semaphore(%arg19 : memref<!tpu.dma_semaphore, #tpu.memory_space<semaphore_mem>>)
    %dma_start3A_52 = arith.constant 1 : i32
    %dma_start3A_53 = arith.constant 1 : i32
    %dma_start3A_54 = arith.constant 0 : i32
    %dma_start3A_55 = tpu.memref_slice %arg10[%dma_start3A_53, %dma_start3A_54] : memref<2x128xi32, #tpu.memory_space<vmem>> -> memref<1x128xi32, #tpu.memory_space<vmem>>
    %dma_start3A_56 = tpu.memref_squeeze %dma_start3A_55 : memref<1x128xi32, #tpu.memory_space<vmem>> -> memref<128xi32, #tpu.memory_space<vmem>>
    %dma_start3A_57 = arith.constant 0 : i32
    %dma_start3A_58 = tpu.memref_slice %arg5[%add3A, %dma_start3A_52, %dma_start3A_57] : memref<32x64x128xi32, #tpu.memory_space<hbm>> -> memref<1x1x128xi32, #tpu.memory_space<hbm>>
    %dma_start3A_59 = tpu.memref_squeeze %dma_start3A_58 : memref<1x1x128xi32, #tpu.memory_space<hbm>> -> memref<128xi32, #tpu.memory_space<hbm>>
    %dma_start3A_60 = arith.constant 0 : i32
    %dma_start3A_61 = tpu.memref_slice %arg10[%dma_start3A_53, %dma_start3A_60] : memref<2x128xi32, #tpu.memory_space<vmem>> -> memref<1x128xi32, #tpu.memory_space<vmem>>
    %dma_start3A_62 = tpu.memref_squeeze %dma_start3A_61 : memref<1x128xi32, #tpu.memory_space<vmem>> -> memref<128xi32, #tpu.memory_space<vmem>>
    %dma_start3A_63 = arith.constant 0 : i32
    %dma_start3A_64 = tpu.memref_slice %arg5[%add3A, %dma_start3A_52, %dma_start3A_63] : memref<32x64x128xi32, #tpu.memory_space<hbm>> -> memref<1x1x128xi32, #tpu.memory_space<hbm>>
    %dma_start3A_65 = tpu.memref_squeeze %dma_start3A_64 : memref<1x1x128xi32, #tpu.memory_space<hbm>> -> memref<128xi32, #tpu.memory_space<hbm>>
    tpu.enqueue_dma source(%dma_start3A_65 : memref<128xi32, #tpu.memory_space<hbm>>) target(%dma_start3A_62 : memref<128xi32, #tpu.memory_space<vmem>>) target_semaphore(%arg19 : memref<!tpu.dma_semaphore, #tpu.memory_space<semaphore_mem>>)
    %dma_wait3A = arith.constant 0 : i32
    %dma_wait3A_66 = arith.constant 0 : i32
    %dma_wait3A_67 = arith.constant 0 : i32
    %dma_wait3A_68 = tpu.memref_slice %arg9[%dma_wait3A_66, %dma_wait3A_67] : memref<2x128xi32, #tpu.memory_space<vmem>> -> memref<1x128xi32, #tpu.memory_space<vmem>>
    %dma_wait3A_69 = tpu.memref_squeeze %dma_wait3A_68 : memref<1x128xi32, #tpu.memory_space<vmem>> -> memref<128xi32, #tpu.memory_space<vmem>>
    %dma_wait3A_70 = arith.constant 0 : i32
    %dma_wait3A_71 = tpu.memref_slice %arg4[%add3A, %dma_wait3A, %dma_wait3A_70] : memref<32x64x128xi32, #tpu.memory_space<hbm>> -> memref<1x1x128xi32, #tpu.memory_space<hbm>>
    %dma_wait3A_72 = tpu.memref_squeeze %dma_wait3A_71 : memref<1x1x128xi32, #tpu.memory_space<hbm>> -> memref<128xi32, #tpu.memory_space<hbm>>
    %dma_wait3A_73 = arith.constant 0 : i32
    %dma_wait3A_74 = tpu.memref_slice %arg9[%dma_wait3A_66, %dma_wait3A_73] : memref<2x128xi32, #tpu.memory_space<vmem>> -> memref<1x128xi32, #tpu.memory_space<vmem>>
    %dma_wait3A_75 = tpu.memref_squeeze %dma_wait3A_74 : memref<1x128xi32, #tpu.memory_space<vmem>> -> memref<128xi32, #tpu.memory_space<vmem>>
    %dma_wait3A_76 = arith.constant 0 : i32
    %dma_wait3A_77 = tpu.memref_slice %arg4[%add3A, %dma_wait3A, %dma_wait3A_76] : memref<32x64x128xi32, #tpu.memory_space<hbm>> -> memref<1x1x128xi32, #tpu.memory_space<hbm>>
    %dma_wait3A_78 = tpu.memref_squeeze %dma_wait3A_77 : memref<1x1x128xi32, #tpu.memory_space<hbm>> -> memref<128xi32, #tpu.memory_space<hbm>>
    tpu.wait_dma2 semaphore(%arg18 : memref<!tpu.dma_semaphore, #tpu.memory_space<semaphore_mem>>) src(%dma_wait3A_78 : memref<128xi32, #tpu.memory_space<hbm>>) dst(%dma_wait3A_75 : memref<128xi32, #tpu.memory_space<vmem>>)
    %dma_wait3A_79 = arith.constant 0 : i32
    %dma_wait3A_80 = arith.constant 0 : i32
    %dma_wait3A_81 = arith.constant 0 : i32
    %dma_wait3A_82 = tpu.memref_slice %arg10[%dma_wait3A_80, %dma_wait3A_81] : memref<2x128xi32, #tpu.memory_space<vmem>> -> memref<1x128xi32, #tpu.memory_space<vmem>>
    %dma_wait3A_83 = tpu.memref_squeeze %dma_wait3A_82 : memref<1x128xi32, #tpu.memory_space<vmem>> -> memref<128xi32, #tpu.memory_space<vmem>>
    %dma_wait3A_84 = arith.constant 0 : i32
    %dma_wait3A_85 = tpu.memref_slice %arg5[%add3A, %dma_wait3A_79, %dma_wait3A_84] : memref<32x64x128xi32, #tpu.memory_space<hbm>> -> memref<1x1x128xi32, #tpu.memory_space<hbm>>
    %dma_wait3A_86 = tpu.memref_squeeze %dma_wait3A_85 : memref<1x1x128xi32, #tpu.memory_space<hbm>> -> memref<128xi32, #tpu.memory_space<hbm>>
    %dma_wait3A_87 = arith.constant 0 : i32
    %dma_wait3A_88 = tpu.memref_slice %arg10[%dma_wait3A_80, %dma_wait3A_87] : memref<2x128xi32, #tpu.memory_space<vmem>> -> memref<1x128xi32, #tpu.memory_space<vmem>>
    %dma_wait3A_89 = tpu.memref_squeeze %dma_wait3A_88 : memref<1x128xi32, #tpu.memory_space<vmem>> -> memref<128xi32, #tpu.memory_space<vmem>>
    %dma_wait3A_90 = arith.constant 0 : i32
    %dma_wait3A_91 = tpu.memref_slice %arg5[%add3A, %dma_wait3A_79, %dma_wait3A_90] : memref<32x64x128xi32, #tpu.memory_space<hbm>> -> memref<1x1x128xi32, #tpu.memory_space<hbm>>
    %dma_wait3A_92 = tpu.memref_squeeze %dma_wait3A_91 : memref<1x1x128xi32, #tpu.memory_space<hbm>> -> memref<128xi32, #tpu.memory_space<hbm>>
    tpu.wait_dma2 semaphore(%arg18 : memref<!tpu.dma_semaphore, #tpu.memory_space<semaphore_mem>>) src(%dma_wait3A_92 : memref<128xi32, #tpu.memory_space<hbm>>) dst(%dma_wait3A_89 : memref<128xi32, #tpu.memory_space<vmem>>)
    %dma_start3A_93 = arith.constant 0 : i32
    %dma_start3A_94 = arith.constant 0 : i32
    %dma_start3A_95 = arith.constant 0 : i32
    %dma_start3A_96 = arith.constant 0 : i32
    %dma_start3A_97 = tpu.memref_slice %arg11[%dma_start3A_94, %dma_start3A_95, %dma_start3A_96] : memref<2x128x64xi32, #tpu.memory_space<vmem>> -> memref<1x128x64xi32, #tpu.memory_space<vmem>>
    %dma_start3A_98 = tpu.memref_squeeze %dma_start3A_97 : memref<1x128x64xi32, #tpu.memory_space<vmem>> -> memref<128x64xi32, #tpu.memory_space<vmem>>
    %dma_start3A_99 = arith.constant 0 : i32
    %dma_start3A_100 = tpu.memref_slice %arg9[%dma_start3A_93, %dma_start3A_99] : memref<2x128xi32, #tpu.memory_space<vmem>> -> memref<1x128xi32, #tpu.memory_space<vmem>>
    %dma_start3A_101 = tpu.memref_squeeze %dma_start3A_100 : memref<1x128xi32, #tpu.memory_space<vmem>> -> memref<128xi32, #tpu.memory_space<vmem>>
    %dma_start3A_102 = arith.constant 0 : i32
    %dma_start3A_103 = arith.constant 0 : i32
    %dma_start3A_104 = tpu.memref_slice %arg7[%dma_start3A_102, %dma_start3A_103] : memref<1536x64xi32, #tpu.memory_space<vmem_shared>> -> memref<1536x64xi32, #tpu.memory_space<vmem_shared>>
    tpu.enqueue_indirect_dma source(%dma_start3A_104 : memref<1536x64xi32, #tpu.memory_space<vmem_shared>>) target(%dma_start3A_98 : memref<128x64xi32, #tpu.memory_space<vmem>>) offsets(%dma_start3A_101 : memref<128xi32, #tpu.memory_space<vmem>>) semaphore(%arg14 : memref<!tpu.dma_semaphore, #tpu.memory_space<semaphore_mem>>)
    %dma_start3A_105 = arith.constant 0 : i32
    %dma_start3A_106 = arith.constant 0 : i32
    %dma_start3A_107 = arith.constant 0 : i32
    %dma_start3A_108 = arith.constant 0 : i32
    %dma_start3A_109 = tpu.memref_slice %arg12[%dma_start3A_106, %dma_start3A_107, %dma_start3A_108] : memref<2x128x64xi32, #tpu.memory_space<vmem>> -> memref<1x128x64xi32, #tpu.memory_space<vmem>>
    %dma_start3A_110 = tpu.memref_squeeze %dma_start3A_109 : memref<1x128x64xi32, #tpu.memory_space<vmem>> -> memref<128x64xi32, #tpu.memory_space<vmem>>
    %dma_start3A_111 = arith.constant 0 : i32
    %dma_start3A_112 = tpu.memref_slice %arg10[%dma_start3A_105, %dma_start3A_111] : memref<2x128xi32, #tpu.memory_space<vmem>> -> memref<1x128xi32, #tpu.memory_space<vmem>>
    %dma_start3A_113 = tpu.memref_squeeze %dma_start3A_112 : memref<1x128xi32, #tpu.memory_space<vmem>> -> memref<128xi32, #tpu.memory_space<vmem>>
    %dma_start3A_114 = arith.constant 0 : i32
    %dma_start3A_115 = arith.constant 0 : i32
    %dma_start3A_116 = tpu.memref_slice %arg8[%dma_start3A_114, %dma_start3A_115] : memref<1536x64xi32, #tpu.memory_space<vmem_shared>> -> memref<1536x64xi32, #tpu.memory_space<vmem_shared>>
    tpu.enqueue_indirect_dma source(%dma_start3A_116 : memref<1536x64xi32, #tpu.memory_space<vmem_shared>>) target(%dma_start3A_110 : memref<128x64xi32, #tpu.memory_space<vmem>>) offsets(%dma_start3A_113 : memref<128xi32, #tpu.memory_space<vmem>>) semaphore(%arg14 : memref<!tpu.dma_semaphore, #tpu.memory_space<semaphore_mem>>)
    %dma_wait3A_117 = arith.constant 1 : i32
    %dma_wait3A_118 = arith.constant 1 : i32
    %dma_wait3A_119 = arith.constant 0 : i32
    %dma_wait3A_120 = tpu.memref_slice %arg9[%dma_wait3A_118, %dma_wait3A_119] : memref<2x128xi32, #tpu.memory_space<vmem>> -> memref<1x128xi32, #tpu.memory_space<vmem>>
    %dma_wait3A_121 = tpu.memref_squeeze %dma_wait3A_120 : memref<1x128xi32, #tpu.memory_space<vmem>> -> memref<128xi32, #tpu.memory_space<vmem>>
    %dma_wait3A_122 = arith.constant 0 : i32
    %dma_wait3A_123 = tpu.memref_slice %arg4[%add3A, %dma_wait3A_117, %dma_wait3A_122] : memref<32x64x128xi32, #tpu.memory_space<hbm>> -> memref<1x1x128xi32, #tpu.memory_space<hbm>>
    %dma_wait3A_124 = tpu.memref_squeeze %dma_wait3A_123 : memref<1x1x128xi32, #tpu.memory_space<hbm>> -> memref<128xi32, #tpu.memory_space<hbm>>
    %dma_wait3A_125 = arith.constant 0 : i32
    %dma_wait3A_126 = tpu.memref_slice %arg9[%dma_wait3A_118, %dma_wait3A_125] : memref<2x128xi32, #tpu.memory_space<vmem>> -> memref<1x128xi32, #tpu.memory_space<vmem>>
    %dma_wait3A_127 = tpu.memref_squeeze %dma_wait3A_126 : memref<1x128xi32, #tpu.memory_space<vmem>> -> memref<128xi32, #tpu.memory_space<vmem>>
    %dma_wait3A_128 = arith.constant 0 : i32
    %dma_wait3A_129 = tpu.memref_slice %arg4[%add3A, %dma_wait3A_117, %dma_wait3A_128] : memref<32x64x128xi32, #tpu.memory_space<hbm>> -> memref<1x1x128xi32, #tpu.memory_space<hbm>>
    %dma_wait3A_130 = tpu.memref_squeeze %dma_wait3A_129 : memref<1x1x128xi32, #tpu.memory_space<hbm>> -> memref<128xi32, #tpu.memory_space<hbm>>
    tpu.wait_dma2 semaphore(%arg19 : memref<!tpu.dma_semaphore, #tpu.memory_space<semaphore_mem>>) src(%dma_wait3A_130 : memref<128xi32, #tpu.memory_space<hbm>>) dst(%dma_wait3A_127 : memref<128xi32, #tpu.memory_space<vmem>>)
    %dma_wait3A_131 = arith.constant 1 : i32
    %dma_wait3A_132 = arith.constant 1 : i32
    %dma_wait3A_133 = arith.constant 0 : i32
    %dma_wait3A_134 = tpu.memref_slice %arg10[%dma_wait3A_132, %dma_wait3A_133] : memref<2x128xi32, #tpu.memory_space<vmem>> -> memref<1x128xi32, #tpu.memory_space<vmem>>
    %dma_wait3A_135 = tpu.memref_squeeze %dma_wait3A_134 : memref<1x128xi32, #tpu.memory_space<vmem>> -> memref<128xi32, #tpu.memory_space<vmem>>
    %dma_wait3A_136 = arith.constant 0 : i32
    %dma_wait3A_137 = tpu.memref_slice %arg5[%add3A, %dma_wait3A_131, %dma_wait3A_136] : memref<32x64x128xi32, #tpu.memory_space<hbm>> -> memref<1x1x128xi32, #tpu.memory_space<hbm>>
    %dma_wait3A_138 = tpu.memref_squeeze %dma_wait3A_137 : memref<1x1x128xi32, #tpu.memory_space<hbm>> -> memref<128xi32, #tpu.memory_space<hbm>>
    %dma_wait3A_139 = arith.constant 0 : i32
    %dma_wait3A_140 = tpu.memref_slice %arg10[%dma_wait3A_132, %dma_wait3A_139] : memref<2x128xi32, #tpu.memory_space<vmem>> -> memref<1x128xi32, #tpu.memory_space<vmem>>
    %dma_wait3A_141 = tpu.memref_squeeze %dma_wait3A_140 : memref<1x128xi32, #tpu.memory_space<vmem>> -> memref<128xi32, #tpu.memory_space<vmem>>
    %dma_wait3A_142 = arith.constant 0 : i32
    %dma_wait3A_143 = tpu.memref_slice %arg5[%add3A, %dma_wait3A_131, %dma_wait3A_142] : memref<32x64x128xi32, #tpu.memory_space<hbm>> -> memref<1x1x128xi32, #tpu.memory_space<hbm>>
    %dma_wait3A_144 = tpu.memref_squeeze %dma_wait3A_143 : memref<1x1x128xi32, #tpu.memory_space<hbm>> -> memref<128xi32, #tpu.memory_space<hbm>>
    tpu.wait_dma2 semaphore(%arg19 : memref<!tpu.dma_semaphore, #tpu.memory_space<semaphore_mem>>) src(%dma_wait3A_144 : memref<128xi32, #tpu.memory_space<hbm>>) dst(%dma_wait3A_141 : memref<128xi32, #tpu.memory_space<vmem>>)
    %dma_start3A_145 = arith.constant 1 : i32
    %dma_start3A_146 = arith.constant 1 : i32
    %dma_start3A_147 = arith.constant 0 : i32
    %dma_start3A_148 = arith.constant 0 : i32
    %dma_start3A_149 = tpu.memref_slice %arg11[%dma_start3A_146, %dma_start3A_147, %dma_start3A_148] : memref<2x128x64xi32, #tpu.memory_space<vmem>> -> memref<1x128x64xi32, #tpu.memory_space<vmem>>
    %dma_start3A_150 = tpu.memref_squeeze %dma_start3A_149 : memref<1x128x64xi32, #tpu.memory_space<vmem>> -> memref<128x64xi32, #tpu.memory_space<vmem>>
    %dma_start3A_151 = arith.constant 0 : i32
    %dma_start3A_152 = tpu.memref_slice %arg9[%dma_start3A_145, %dma_start3A_151] : memref<2x128xi32, #tpu.memory_space<vmem>> -> memref<1x128xi32, #tpu.memory_space<vmem>>
    %dma_start3A_153 = tpu.memref_squeeze %dma_start3A_152 : memref<1x128xi32, #tpu.memory_space<vmem>> -> memref<128xi32, #tpu.memory_space<vmem>>
    %dma_start3A_154 = arith.constant 0 : i32
    %dma_start3A_155 = arith.constant 0 : i32
    %dma_start3A_156 = tpu.memref_slice %arg7[%dma_start3A_154, %dma_start3A_155] : memref<1536x64xi32, #tpu.memory_space<vmem_shared>> -> memref<1536x64xi32, #tpu.memory_space<vmem_shared>>
    tpu.enqueue_indirect_dma source(%dma_start3A_156 : memref<1536x64xi32, #tpu.memory_space<vmem_shared>>) target(%dma_start3A_150 : memref<128x64xi32, #tpu.memory_space<vmem>>) offsets(%dma_start3A_153 : memref<128xi32, #tpu.memory_space<vmem>>) semaphore(%arg15 : memref<!tpu.dma_semaphore, #tpu.memory_space<semaphore_mem>>)
    %dma_start3A_157 = arith.constant 1 : i32
    %dma_start3A_158 = arith.constant 1 : i32
    %dma_start3A_159 = arith.constant 0 : i32
    %dma_start3A_160 = arith.constant 0 : i32
    %dma_start3A_161 = tpu.memref_slice %arg12[%dma_start3A_158, %dma_start3A_159, %dma_start3A_160] : memref<2x128x64xi32, #tpu.memory_space<vmem>> -> memref<1x128x64xi32, #tpu.memory_space<vmem>>
    %dma_start3A_162 = tpu.memref_squeeze %dma_start3A_161 : memref<1x128x64xi32, #tpu.memory_space<vmem>> -> memref<128x64xi32, #tpu.memory_space<vmem>>
    %dma_start3A_163 = arith.constant 0 : i32
    %dma_start3A_164 = tpu.memref_slice %arg10[%dma_start3A_157, %dma_start3A_163] : memref<2x128xi32, #tpu.memory_space<vmem>> -> memref<1x128xi32, #tpu.memory_space<vmem>>
    %dma_start3A_165 = tpu.memref_squeeze %dma_start3A_164 : memref<1x128xi32, #tpu.memory_space<vmem>> -> memref<128xi32, #tpu.memory_space<vmem>>
    %dma_start3A_166 = arith.constant 0 : i32
    %dma_start3A_167 = arith.constant 0 : i32
    %dma_start3A_168 = tpu.memref_slice %arg8[%dma_start3A_166, %dma_start3A_167] : memref<1536x64xi32, #tpu.memory_space<vmem_shared>> -> memref<1536x64xi32, #tpu.memory_space<vmem_shared>>
    tpu.enqueue_indirect_dma source(%dma_start3A_168 : memref<1536x64xi32, #tpu.memory_space<vmem_shared>>) target(%dma_start3A_162 : memref<128x64xi32, #tpu.memory_space<vmem>>) offsets(%dma_start3A_165 : memref<128xi32, #tpu.memory_space<vmem>>) semaphore(%arg15 : memref<!tpu.dma_semaphore, #tpu.memory_space<semaphore_mem>>)
    %scan3A = arith.constant 0 : i32
    %scan3A_169 = arith.constant 0 : i32
    %scan3A_170 = arith.constant 32 : i32
    %scan3A_171 = arith.addi %scan3A_169, %scan3A_170 : i32
    %scan3A_172 = arith.constant 1 : i32
    scf.for %scan3A_204 = %scan3A_169 to %scan3A_171 step %scan3A_172  : i32 {
      %mul3A_205 = arith.constant 2 : i32
      %mul3A_206 = arith.muli %mul3A_205, %scan3A_204 : i32
      %add3A_207 = arith.constant 0 : i32
      %add3A_208 = arith.addi %mul3A_206, %add3A_207 : i32
      %dma_wait3A_209 = arith.constant 0 : i32
      %dma_wait3A_210 = arith.constant 0 : i32
      %dma_wait3A_211 = arith.constant 0 : i32
      %dma_wait3A_212 = arith.constant 0 : i32
      %dma_wait3A_213 = tpu.memref_slice %arg11[%dma_wait3A_210, %dma_wait3A_211, %dma_wait3A_212] : memref<2x128x64xi32, #tpu.memory_space<vmem>> -> memref<1x128x64xi32, #tpu.memory_space<vmem>>
      %dma_wait3A_214 = tpu.memref_squeeze %dma_wait3A_213 : memref<1x128x64xi32, #tpu.memory_space<vmem>> -> memref<128x64xi32, #tpu.memory_space<vmem>>
      %dma_wait3A_215 = arith.constant 0 : i32
      %dma_wait3A_216 = tpu.memref_slice %arg9[%dma_wait3A_209, %dma_wait3A_215] : memref<2x128xi32, #tpu.memory_space<vmem>> -> memref<1x128xi32, #tpu.memory_space<vmem>>
      %dma_wait3A_217 = tpu.memref_squeeze %dma_wait3A_216 : memref<1x128xi32, #tpu.memory_space<vmem>> -> memref<128xi32, #tpu.memory_space<vmem>>
      %dma_wait3A_218 = arith.constant 0 : i32
      %dma_wait3A_219 = arith.constant 0 : i32
      %dma_wait3A_220 = tpu.memref_slice %arg7[%dma_wait3A_218, %dma_wait3A_219] : memref<1536x64xi32, #tpu.memory_space<vmem_shared>> -> memref<1536x64xi32, #tpu.memory_space<vmem_shared>>
      tpu.wait_indirect_dma semaphore(%arg14 : memref<!tpu.dma_semaphore, #tpu.memory_space<semaphore_mem>>) src(%dma_wait3A_220 : memref<1536x64xi32, #tpu.memory_space<vmem_shared>>) dst(%dma_wait3A_214 : memref<128x64xi32, #tpu.memory_space<vmem>>)
      %dma_wait3A_221 = arith.constant 0 : i32
      %dma_wait3A_222 = arith.constant 0 : i32
      %dma_wait3A_223 = arith.constant 0 : i32
      %dma_wait3A_224 = arith.constant 0 : i32
      %dma_wait3A_225 = tpu.memref_slice %arg12[%dma_wait3A_222, %dma_wait3A_223, %dma_wait3A_224] : memref<2x128x64xi32, #tpu.memory_space<vmem>> -> memref<1x128x64xi32, #tpu.memory_space<vmem>>
      %dma_wait3A_226 = tpu.memref_squeeze %dma_wait3A_225 : memref<1x128x64xi32, #tpu.memory_space<vmem>> -> memref<128x64xi32, #tpu.memory_space<vmem>>
      %dma_wait3A_227 = arith.constant 0 : i32
      %dma_wait3A_228 = tpu.memref_slice %arg10[%dma_wait3A_221, %dma_wait3A_227] : memref<2x128xi32, #tpu.memory_space<vmem>> -> memref<1x128xi32, #tpu.memory_space<vmem>>
      %dma_wait3A_229 = tpu.memref_squeeze %dma_wait3A_228 : memref<1x128xi32, #tpu.memory_space<vmem>> -> memref<128xi32, #tpu.memory_space<vmem>>
      %dma_wait3A_230 = arith.constant 0 : i32
      %dma_wait3A_231 = arith.constant 0 : i32
      %dma_wait3A_232 = tpu.memref_slice %arg8[%dma_wait3A_230, %dma_wait3A_231] : memref<1536x64xi32, #tpu.memory_space<vmem_shared>> -> memref<1536x64xi32, #tpu.memory_space<vmem_shared>>
      tpu.wait_indirect_dma semaphore(%arg14 : memref<!tpu.dma_semaphore, #tpu.memory_space<semaphore_mem>>) src(%dma_wait3A_232 : memref<1536x64xi32, #tpu.memory_space<vmem_shared>>) dst(%dma_wait3A_226 : memref<128x64xi32, #tpu.memory_space<vmem>>)
      %lt3A = arith.constant 31 : i32
      %lt3A_233 = arith.cmpi slt, %scan3A_204, %lt3A : i32
      %convert_element_type3A = arith.extui %lt3A_233 : i1 to i32
      %cond3A = arith.constant 0 : i32
      %cond3A_234 = arith.cmpi ne, %convert_element_type3A, %cond3A : i32
      scf.if %cond3A_234 {
        %add3A_331 = arith.constant 2 : i32
        %add3A_332 = arith.addi %add3A_208, %add3A_331 : i32
        %dma_start3A_333 = arith.constant 0 : i32
        %dma_start3A_334 = arith.constant 0 : i32
        %dma_start3A_335 = tpu.memref_slice %arg9[%dma_start3A_333, %dma_start3A_334] : memref<2x128xi32, #tpu.memory_space<vmem>> -> memref<1x128xi32, #tpu.memory_space<vmem>>
        %dma_start3A_336 = tpu.memref_squeeze %dma_start3A_335 : memref<1x128xi32, #tpu.memory_space<vmem>> -> memref<128xi32, #tpu.memory_space<vmem>>
        %dma_start3A_337 = arith.constant 0 : i32
        %dma_start3A_338 = tpu.memref_slice %arg4[%add3A, %add3A_332, %dma_start3A_337] : memref<32x64x128xi32, #tpu.memory_space<hbm>> -> memref<1x1x128xi32, #tpu.memory_space<hbm>>
        %dma_start3A_339 = tpu.memref_squeeze %dma_start3A_338 : memref<1x1x128xi32, #tpu.memory_space<hbm>> -> memref<128xi32, #tpu.memory_space<hbm>>
        %dma_start3A_340 = arith.constant 0 : i32
        %dma_start3A_341 = tpu.memref_slice %arg9[%dma_start3A_333, %dma_start3A_340] : memref<2x128xi32, #tpu.memory_space<vmem>> -> memref<1x128xi32, #tpu.memory_space<vmem>>
        %dma_start3A_342 = tpu.memref_squeeze %dma_start3A_341 : memref<1x128xi32, #tpu.memory_space<vmem>> -> memref<128xi32, #tpu.memory_space<vmem>>
        %dma_start3A_343 = arith.constant 0 : i32
        %dma_start3A_344 = tpu.memref_slice %arg4[%add3A, %add3A_332, %dma_start3A_343] : memref<32x64x128xi32, #tpu.memory_space<hbm>> -> memref<1x1x128xi32, #tpu.memory_space<hbm>>
        %dma_start3A_345 = tpu.memref_squeeze %dma_start3A_344 : memref<1x1x128xi32, #tpu.memory_space<hbm>> -> memref<128xi32, #tpu.memory_space<hbm>>
        tpu.enqueue_dma source(%dma_start3A_345 : memref<128xi32, #tpu.memory_space<hbm>>) target(%dma_start3A_342 : memref<128xi32, #tpu.memory_space<vmem>>) target_semaphore(%arg18 : memref<!tpu.dma_semaphore, #tpu.memory_space<semaphore_mem>>)
        %dma_start3A_346 = arith.constant 0 : i32
        %dma_start3A_347 = arith.constant 0 : i32
        %dma_start3A_348 = tpu.memref_slice %arg10[%dma_start3A_346, %dma_start3A_347] : memref<2x128xi32, #tpu.memory_space<vmem>> -> memref<1x128xi32, #tpu.memory_space<vmem>>
        %dma_start3A_349 = tpu.memref_squeeze %dma_start3A_348 : memref<1x128xi32, #tpu.memory_space<vmem>> -> memref<128xi32, #tpu.memory_space<vmem>>
        %dma_start3A_350 = arith.constant 0 : i32
        %dma_start3A_351 = tpu.memref_slice %arg5[%add3A, %add3A_332, %dma_start3A_350] : memref<32x64x128xi32, #tpu.memory_space<hbm>> -> memref<1x1x128xi32, #tpu.memory_space<hbm>>
        %dma_start3A_352 = tpu.memref_squeeze %dma_start3A_351 : memref<1x1x128xi32, #tpu.memory_space<hbm>> -> memref<128xi32, #tpu.memory_space<hbm>>
        %dma_start3A_353 = arith.constant 0 : i32
        %dma_start3A_354 = tpu.memref_slice %arg10[%dma_start3A_346, %dma_start3A_353] : memref<2x128xi32, #tpu.memory_space<vmem>> -> memref<1x128xi32, #tpu.memory_space<vmem>>
        %dma_start3A_355 = tpu.memref_squeeze %dma_start3A_354 : memref<1x128xi32, #tpu.memory_space<vmem>> -> memref<128xi32, #tpu.memory_space<vmem>>
        %dma_start3A_356 = arith.constant 0 : i32
        %dma_start3A_357 = tpu.memref_slice %arg5[%add3A, %add3A_332, %dma_start3A_356] : memref<32x64x128xi32, #tpu.memory_space<hbm>> -> memref<1x1x128xi32, #tpu.memory_space<hbm>>
        %dma_start3A_358 = tpu.memref_squeeze %dma_start3A_357 : memref<1x1x128xi32, #tpu.memory_space<hbm>> -> memref<128xi32, #tpu.memory_space<hbm>>
        tpu.enqueue_dma source(%dma_start3A_358 : memref<128xi32, #tpu.memory_space<hbm>>) target(%dma_start3A_355 : memref<128xi32, #tpu.memory_space<vmem>>) target_semaphore(%arg18 : memref<!tpu.dma_semaphore, #tpu.memory_space<semaphore_mem>>)
      } else {
      }
      %gt3A = arith.constant 0 : i32
      %gt3A_235 = arith.cmpi sgt, %scan3A_204, %gt3A : i32
      %convert_element_type3A_236 = arith.extui %gt3A_235 : i1 to i32
      %cond3A_237 = arith.constant 0 : i32
      %cond3A_238 = arith.cmpi ne, %convert_element_type3A_236, %cond3A_237 : i32
      scf.if %cond3A_238 {
        %sub3A = arith.constant 2 : i32
        %sub3A_331 = arith.subi %add3A_208, %sub3A : i32
        %mul3A_332 = arith.constant 128 : i32
        %mul3A_333 = arith.muli %sub3A_331, %mul3A_332 : i32
        %add3A_334 = arith.addi %mul3A_2, %mul3A_333 : i32
        %dma_wait3A_335 = arith.constant 0 : i32
        %dma_wait3A_336 = arith.constant 0 : i32
        %dma_wait3A_337 = arith.constant 0 : i32
        %dma_wait3A_338 = tpu.memref_slice %arg13[%dma_wait3A_335, %dma_wait3A_336, %dma_wait3A_337] : memref<2x128x128xf32, #tpu.memory_space<vmem>> -> memref<1x128x128xf32, #tpu.memory_space<vmem>>
        %dma_wait3A_339 = tpu.memref_squeeze %dma_wait3A_338 : memref<1x128x128xf32, #tpu.memory_space<vmem>> -> memref<128x128xf32, #tpu.memory_space<vmem>>
        %dma_wait3A_340 = arith.constant 0 : i32
        %dma_wait3A_341 = tpu.memref_slice %arg6[%add3A_334, %dma_wait3A_340] : memref<262144x128xf32, #tpu.memory_space<hbm>> -> memref<128x128xf32, #tpu.memory_space<hbm>>
        %dma_wait3A_342 = arith.constant 0 : i32
        %dma_wait3A_343 = tpu.memref_slice %arg6[%add3A_334, %dma_wait3A_342] : memref<262144x128xf32, #tpu.memory_space<hbm>> -> memref<128x128xf32, #tpu.memory_space<hbm>>
        %dma_wait3A_344 = arith.constant 0 : i32
        %dma_wait3A_345 = arith.constant 0 : i32
        %dma_wait3A_346 = tpu.memref_slice %arg13[%dma_wait3A_335, %dma_wait3A_344, %dma_wait3A_345] : memref<2x128x128xf32, #tpu.memory_space<vmem>> -> memref<1x128x128xf32, #tpu.memory_space<vmem>>
        %dma_wait3A_347 = tpu.memref_squeeze %dma_wait3A_346 : memref<1x128x128xf32, #tpu.memory_space<vmem>> -> memref<128x128xf32, #tpu.memory_space<vmem>>
        tpu.wait_dma2 semaphore(%arg16 : memref<!tpu.dma_semaphore, #tpu.memory_space<semaphore_mem>>) src(%dma_wait3A_347 : memref<128x128xf32, #tpu.memory_space<vmem>>) dst(%dma_wait3A_343 : memref<128x128xf32, #tpu.memory_space<hbm>>)
      } else {
      }
      %scan3A_239 = arith.constant 0 : i32
      %scan3A_240 = arith.constant 0 : i32
      %scan3A_241 = arith.constant 64 : i32
      %scan3A_242 = arith.addi %scan3A_240, %scan3A_241 : i32
      %scan3A_243 = arith.constant 1 : i32
      scf.for %scan3A_331 = %scan3A_240 to %scan3A_242 step %scan3A_243  : i32 {
        %mul3A_332 = arith.constant 2 : i32
        %mul3A_333 = arith.muli %mul3A_332, %scan3A_331 : i32
        %broadcast_in_dim3A = arith.constant 0.000000e+00 : f32
        %broadcast_in_dim3A_334 = vector.broadcast %broadcast_in_dim3A : f32 to vector<16xf32>
        %get3A = arith.constant 0 : i32
        %get3A_335 = arith.index_cast %get3A : i32 to index
        %get3A_336 = arith.index_cast %mul3A_333 : i32 to index
        %get3A_337 = arith.constant 0 : index
        %get3A_338 = tpu.vector_load %arg11[%get3A_335, %get3A_336, %get3A_337] {strides = array<i32>} : memref<2x128x64xi32, #tpu.memory_space<vmem>>, vector<1x1x16xi32>,
        %get3A_339 = vector.shape_cast %get3A_338 : vector<1x1x16xi32> to vector<16xi32>
        %shift_left3A = arith.constant 16 : i32
        %shift_left3A_340 = vector.broadcast %shift_left3A : i32 to vector<16xi32>
        %shift_left3A_341 = arith.shli %get3A_339, %shift_left3A_340 : vector<16xi32>
        %bitcast_convert_type3A = tpu.bitcast %shift_left3A_341 : vector<16xi32> -> vector<16xf32>
        %bitcast_convert_type3A_342 = tpu.bitcast %get3A_339 : vector<16xi32> -> vector<16xf32>
        %get3A_343 = arith.constant 0 : i32
        %get3A_344 = arith.index_cast %get3A_343 : i32 to index
        %get3A_345 = arith.index_cast %mul3A_333 : i32 to index
        %get3A_346 = arith.constant 0 : index
        %get3A_347 = tpu.vector_load %arg12[%get3A_344, %get3A_345, %get3A_346] {strides = array<i32>} : memref<2x128x64xi32, #tpu.memory_space<vmem>>, vector<1x1x16xi32>,
        %get3A_348 = vector.shape_cast %get3A_347 : vector<1x1x16xi32> to vector<16xi32>
        %shift_left3A_349 = arith.constant 16 : i32
        %shift_left3A_350 = vector.broadcast %shift_left3A_349 : i32 to vector<16xi32>
        %shift_left3A_351 = arith.shli %get3A_348, %shift_left3A_350 : vector<16xi32>
        %bitcast_convert_type3A_352 = tpu.bitcast %shift_left3A_351 : vector<16xi32> -> vector<16xf32>
        %bitcast_convert_type3A_353 = tpu.bitcast %get3A_348 : vector<16xi32> -> vector<16xf32>
        %mul3A_354 = arith.mulf %bitcast_convert_type3A, %bitcast_convert_type3A_352 : vector<16xf32>
        %mul3A_355 = arith.mulf %bitcast_convert_type3A_342, %bitcast_convert_type3A_353 : vector<16xf32>
        %mul3A_356 = arith.mulf %mul3A_354, %mul3A_354 : vector<16xf32>
        %add3A_357 = arith.addf %broadcast_in_dim3A_334, %mul3A_356 : vector<16xf32>
        %mul3A_358 = arith.mulf %mul3A_355, %mul3A_355 : vector<16xf32>
        %add3A_359 = arith.addf %add3A_357, %mul3A_358 : vector<16xf32>
        %get3A_360 = arith.constant 0 : i32
        %get3A_361 = arith.index_cast %get3A_360 : i32 to index
        %get3A_362 = arith.index_cast %mul3A_333 : i32 to index
        %get3A_363 = arith.constant 16 : index
        %get3A_364 = tpu.vector_load %arg11[%get3A_361, %get3A_362, %get3A_363] {strides = array<i32>} : memref<2x128x64xi32, #tpu.memory_space<vmem>>, vector<1x1x16xi32>,
        %get3A_365 = vector.shape_cast %get3A_364 : vector<1x1x16xi32> to vector<16xi32>
        %shift_left3A_366 = arith.constant 16 : i32
        %shift_left3A_367 = vector.broadcast %shift_left3A_366 : i32 to vector<16xi32>
        %shift_left3A_368 = arith.shli %get3A_365, %shift_left3A_367 : vector<16xi32>
        %bitcast_convert_type3A_369 = tpu.bitcast %shift_left3A_368 : vector<16xi32> -> vector<16xf32>
        %bitcast_convert_type3A_370 = tpu.bitcast %get3A_365 : vector<16xi32> -> vector<16xf32>
        %get3A_371 = arith.constant 0 : i32
        %get3A_372 = arith.index_cast %get3A_371 : i32 to index
        %get3A_373 = arith.index_cast %mul3A_333 : i32 to index
        %get3A_374 = arith.constant 16 : index
        %get3A_375 = tpu.vector_load %arg12[%get3A_372, %get3A_373, %get3A_374] {strides = array<i32>} : memref<2x128x64xi32, #tpu.memory_space<vmem>>, vector<1x1x16xi32>,
        %get3A_376 = vector.shape_cast %get3A_375 : vector<1x1x16xi32> to vector<16xi32>
        %shift_left3A_377 = arith.constant 16 : i32
        %shift_left3A_378 = vector.broadcast %shift_left3A_377 : i32 to vector<16xi32>
        %shift_left3A_379 = arith.shli %get3A_376, %shift_left3A_378 : vector<16xi32>
        %bitcast_convert_type3A_380 = tpu.bitcast %shift_left3A_379 : vector<16xi32> -> vector<16xf32>
        %bitcast_convert_type3A_381 = tpu.bitcast %get3A_376 : vector<16xi32> -> vector<16xf32>
        %mul3A_382 = arith.mulf %bitcast_convert_type3A_369, %bitcast_convert_type3A_380 : vector<16xf32>
        %mul3A_383 = arith.mulf %bitcast_convert_type3A_370, %bitcast_convert_type3A_381 : vector<16xf32>
        %mul3A_384 = arith.mulf %mul3A_382, %mul3A_382 : vector<16xf32>
        %add3A_385 = arith.addf %add3A_359, %mul3A_384 : vector<16xf32>
        %mul3A_386 = arith.mulf %mul3A_383, %mul3A_383 : vector<16xf32>
        %add3A_387 = arith.addf %add3A_385, %mul3A_386 : vector<16xf32>
        %get3A_388 = arith.constant 0 : i32
        %get3A_389 = arith.index_cast %get3A_388 : i32 to index
        %get3A_390 = arith.index_cast %mul3A_333 : i32 to index
        %get3A_391 = arith.constant 32 : index
        %get3A_392 = tpu.vector_load %arg11[%get3A_389, %get3A_390, %get3A_391] {strides = array<i32>} : memref<2x128x64xi32, #tpu.memory_space<vmem>>, vector<1x1x16xi32>,
        %get3A_393 = vector.shape_cast %get3A_392 : vector<1x1x16xi32> to vector<16xi32>
        %shift_left3A_394 = arith.constant 16 : i32
        %shift_left3A_395 = vector.broadcast %shift_left3A_394 : i32 to vector<16xi32>
        %shift_left3A_396 = arith.shli %get3A_393, %shift_left3A_395 : vector<16xi32>
        %bitcast_convert_type3A_397 = tpu.bitcast %shift_left3A_396 : vector<16xi32> -> vector<16xf32>
        %bitcast_convert_type3A_398 = tpu.bitcast %get3A_393 : vector<16xi32> -> vector<16xf32>
        %get3A_399 = arith.constant 0 : i32
        %get3A_400 = arith.index_cast %get3A_399 : i32 to index
        %get3A_401 = arith.index_cast %mul3A_333 : i32 to index
        %get3A_402 = arith.constant 32 : index
        %get3A_403 = tpu.vector_load %arg12[%get3A_400, %get3A_401, %get3A_402] {strides = array<i32>} : memref<2x128x64xi32, #tpu.memory_space<vmem>>, vector<1x1x16xi32>,
        %get3A_404 = vector.shape_cast %get3A_403 : vector<1x1x16xi32> to vector<16xi32>
        %shift_left3A_405 = arith.constant 16 : i32
        %shift_left3A_406 = vector.broadcast %shift_left3A_405 : i32 to vector<16xi32>
        %shift_left3A_407 = arith.shli %get3A_404, %shift_left3A_406 : vector<16xi32>
        %bitcast_convert_type3A_408 = tpu.bitcast %shift_left3A_407 : vector<16xi32> -> vector<16xf32>
        %bitcast_convert_type3A_409 = tpu.bitcast %get3A_404 : vector<16xi32> -> vector<16xf32>
        %mul3A_410 = arith.mulf %bitcast_convert_type3A_397, %bitcast_convert_type3A_408 : vector<16xf32>
        %mul3A_411 = arith.mulf %bitcast_convert_type3A_398, %bitcast_convert_type3A_409 : vector<16xf32>
        %mul3A_412 = arith.mulf %mul3A_410, %mul3A_410 : vector<16xf32>
        %add3A_413 = arith.addf %add3A_387, %mul3A_412 : vector<16xf32>
        %mul3A_414 = arith.mulf %mul3A_411, %mul3A_411 : vector<16xf32>
        %add3A_415 = arith.addf %add3A_413, %mul3A_414 : vector<16xf32>
        %get3A_416 = arith.constant 0 : i32
        %get3A_417 = arith.index_cast %get3A_416 : i32 to index
        %get3A_418 = arith.index_cast %mul3A_333 : i32 to index
        %get3A_419 = arith.constant 48 : index
        %get3A_420 = tpu.vector_load %arg11[%get3A_417, %get3A_418, %get3A_419] {strides = array<i32>} : memref<2x128x64xi32, #tpu.memory_space<vmem>>, vector<1x1x16xi32>,
        %get3A_421 = vector.shape_cast %get3A_420 : vector<1x1x16xi32> to vector<16xi32>
        %shift_left3A_422 = arith.constant 16 : i32
        %shift_left3A_423 = vector.broadcast %shift_left3A_422 : i32 to vector<16xi32>
        %shift_left3A_424 = arith.shli %get3A_421, %shift_left3A_423 : vector<16xi32>
        %bitcast_convert_type3A_425 = tpu.bitcast %shift_left3A_424 : vector<16xi32> -> vector<16xf32>
        %bitcast_convert_type3A_426 = tpu.bitcast %get3A_421 : vector<16xi32> -> vector<16xf32>
        %get3A_427 = arith.constant 0 : i32
        %get3A_428 = arith.index_cast %get3A_427 : i32 to index
        %get3A_429 = arith.index_cast %mul3A_333 : i32 to index
        %get3A_430 = arith.constant 48 : index
        %get3A_431 = tpu.vector_load %arg12[%get3A_428, %get3A_429, %get3A_430] {strides = array<i32>} : memref<2x128x64xi32, #tpu.memory_space<vmem>>, vector<1x1x16xi32>,
        %get3A_432 = vector.shape_cast %get3A_431 : vector<1x1x16xi32> to vector<16xi32>
        %shift_left3A_433 = arith.constant 16 : i32
        %shift_left3A_434 = vector.broadcast %shift_left3A_433 : i32 to vector<16xi32>
        %shift_left3A_435 = arith.shli %get3A_432, %shift_left3A_434 : vector<16xi32>
        %bitcast_convert_type3A_436 = tpu.bitcast %shift_left3A_435 : vector<16xi32> -> vector<16xf32>
        %bitcast_convert_type3A_437 = tpu.bitcast %get3A_432 : vector<16xi32> -> vector<16xf32>
        %mul3A_438 = arith.mulf %bitcast_convert_type3A_425, %bitcast_convert_type3A_436 : vector<16xf32>
        %mul3A_439 = arith.mulf %bitcast_convert_type3A_426, %bitcast_convert_type3A_437 : vector<16xf32>
        %mul3A_440 = arith.mulf %mul3A_438, %mul3A_438 : vector<16xf32>
        %add3A_441 = arith.addf %add3A_415, %mul3A_440 : vector<16xf32>
        %mul3A_442 = arith.mulf %mul3A_439, %mul3A_439 : vector<16xf32>
        %add3A_443 = arith.addf %add3A_441, %mul3A_442 : vector<16xf32>
        %iota3A = tpu.iota {dimensions = array<i32: 0>} : vector<16xi32>
        %xor3A = arith.constant 1 : i32
        %xor3A_444 = vector.broadcast %xor3A : i32 to vector<16xi32>
        %xor3A_445 = arith.xori %iota3A, %xor3A_444 : vector<16xi32>
        %reshape3A = vector.shape_cast %xor3A_445 : vector<16xi32> to vector<16x1xi32>
        %gather3A = vector.shape_cast %reshape3A : vector<16x1xi32> to vector<16xi32>
        %gather3A_446 = tpu.dynamic_gather %add3A_443[%gather3A] in [0] : vector<16xf32>, vector<16xi32> -> vector<16xf32>
        %add3A_447 = arith.addf %add3A_443, %gather3A_446 : vector<16xf32>
        %xor3A_448 = arith.constant 2 : i32
        %xor3A_449 = vector.broadcast %xor3A_448 : i32 to vector<16xi32>
        %xor3A_450 = arith.xori %iota3A, %xor3A_449 : vector<16xi32>
        %reshape3A_451 = vector.shape_cast %xor3A_450 : vector<16xi32> to vector<16x1xi32>
        %gather3A_452 = vector.shape_cast %reshape3A_451 : vector<16x1xi32> to vector<16xi32>
        %gather3A_453 = tpu.dynamic_gather %add3A_447[%gather3A_452] in [0] : vector<16xf32>, vector<16xi32> -> vector<16xf32>
        %add3A_454 = arith.addf %add3A_447, %gather3A_453 : vector<16xf32>
        %xor3A_455 = arith.constant 4 : i32
        %xor3A_456 = vector.broadcast %xor3A_455 : i32 to vector<16xi32>
        %xor3A_457 = arith.xori %iota3A, %xor3A_456 : vector<16xi32>
        %reshape3A_458 = vector.shape_cast %xor3A_457 : vector<16xi32> to vector<16x1xi32>
        %gather3A_459 = vector.shape_cast %reshape3A_458 : vector<16x1xi32> to vector<16xi32>
        %gather3A_460 = tpu.dynamic_gather %add3A_454[%gather3A_459] in [0] : vector<16xf32>, vector<16xi32> -> vector<16xf32>
        %add3A_461 = arith.addf %add3A_454, %gather3A_460 : vector<16xf32>
        %xor3A_462 = arith.constant 8 : i32
        %xor3A_463 = vector.broadcast %xor3A_462 : i32 to vector<16xi32>
        %xor3A_464 = arith.xori %iota3A, %xor3A_463 : vector<16xi32>
        %reshape3A_465 = vector.shape_cast %xor3A_464 : vector<16xi32> to vector<16x1xi32>
        %gather3A_466 = vector.shape_cast %reshape3A_465 : vector<16x1xi32> to vector<16xi32>
        %gather3A_467 = tpu.dynamic_gather %add3A_461[%gather3A_466] in [0] : vector<16xf32>, vector<16xi32> -> vector<16xf32>
        %add3A_468 = arith.addf %add3A_461, %gather3A_467 : vector<16xf32>
        %bitcast_convert_type3A_469 = tpu.bitcast %add3A_468 : vector<16xf32> -> vector<16xi32>
        %shift_right_logical3A = arith.constant 1 : i32
        %shift_right_logical3A_470 = vector.broadcast %shift_right_logical3A : i32 to vector<16xi32>
        %shift_right_logical3A_471 = arith.shrui %bitcast_convert_type3A_469, %shift_right_logical3A_470 : vector<16xi32>
        %sub3A = arith.constant 1597463007 : i32
        %sub3A_472 = vector.broadcast %sub3A : i32 to vector<16xi32>
        %sub3A_473 = arith.subi %sub3A_472, %shift_right_logical3A_471 : vector<16xi32>
        %bitcast_convert_type3A_474 = tpu.bitcast %sub3A_473 : vector<16xi32> -> vector<16xf32>
        %mul3A_475 = arith.constant 5.000000e-01 : f32
        %mul3A_476 = vector.broadcast %mul3A_475 : f32 to vector<16xf32>
        %mul3A_477 = arith.mulf %add3A_468, %mul3A_476 : vector<16xf32>
        %mul3A_478 = arith.mulf %mul3A_477, %bitcast_convert_type3A_474 : vector<16xf32>
        %mul3A_479 = arith.mulf %mul3A_478, %bitcast_convert_type3A_474 : vector<16xf32>
        %sub3A_480 = arith.constant 1.500000e+00 : f32
        %sub3A_481 = vector.broadcast %sub3A_480 : f32 to vector<16xf32>
        %sub3A_482 = arith.subf %sub3A_481, %mul3A_479 : vector<16xf32>
        %mul3A_483 = arith.mulf %bitcast_convert_type3A_474, %sub3A_482 : vector<16xf32>
        %mul3A_484 = arith.mulf %mul3A_477, %mul3A_483 : vector<16xf32>
        %mul3A_485 = arith.mulf %mul3A_484, %mul3A_483 : vector<16xf32>
        %sub3A_486 = arith.constant 1.500000e+00 : f32
        %sub3A_487 = vector.broadcast %sub3A_486 : f32 to vector<16xf32>
        %sub3A_488 = arith.subf %sub3A_487, %mul3A_485 : vector<16xf32>
        %mul3A_489 = arith.mulf %mul3A_483, %sub3A_488 : vector<16xf32>
        %mul3A_490 = arith.mulf %mul3A_354, %mul3A_489 : vector<16xf32>
        %swap3A = arith.constant 0 : i32
        %swap3A_491 = arith.index_cast %swap3A : i32 to index
        %swap3A_492 = arith.index_cast %mul3A_333 : i32 to index
        %swap3A_493 = arith.constant 0 : index
        %swap3A_494 = tpu.vector_load %arg13[%swap3A_491, %swap3A_492, %swap3A_493] {strides = array<i32>} : memref<2x128x128xf32, #tpu.memory_space<vmem>>, vector<1x1x16xf32>,
        %swap3A_495 = vector.shape_cast %swap3A_494 : vector<1x1x16xf32> to vector<16xf32>
        %swap3A_496 = vector.shape_cast %mul3A_490 : vector<16xf32> to vector<1x1x16xf32>
        tpu.vector_store %arg13[%swap3A_491, %swap3A_492, %swap3A_493], %swap3A_496 {strides = array<i32>} : memref<2x128x128xf32, #tpu.memory_space<vmem>>, vector<1x1x16xf32>,
        %mul3A_497 = arith.mulf %mul3A_355, %mul3A_489 : vector<16xf32>
        %swap3A_498 = arith.constant 0 : i32
        %swap3A_499 = arith.index_cast %swap3A_498 : i32 to index
        %swap3A_500 = arith.index_cast %mul3A_333 : i32 to index
        %swap3A_501 = arith.constant 16 : index
        %swap3A_502 = tpu.vector_load %arg13[%swap3A_499, %swap3A_500, %swap3A_501] {strides = array<i32>} : memref<2x128x128xf32, #tpu.memory_space<vmem>>, vector<1x1x16xf32>,
        %swap3A_503 = vector.shape_cast %swap3A_502 : vector<1x1x16xf32> to vector<16xf32>
        %swap3A_504 = vector.shape_cast %mul3A_497 : vector<16xf32> to vector<1x1x16xf32>
        tpu.vector_store %arg13[%swap3A_499, %swap3A_500, %swap3A_501], %swap3A_504 {strides = array<i32>} : memref<2x128x128xf32, #tpu.memory_space<vmem>>, vector<1x1x16xf32>,
        %mul3A_505 = arith.mulf %mul3A_382, %mul3A_489 : vector<16xf32>
        %swap3A_506 = arith.constant 0 : i32
        %swap3A_507 = arith.index_cast %swap3A_506 : i32 to index
        %swap3A_508 = arith.index_cast %mul3A_333 : i32 to index
        %swap3A_509 = arith.constant 32 : index
        %swap3A_510 = tpu.vector_load %arg13[%swap3A_507, %swap3A_508, %swap3A_509] {strides = array<i32>} : memref<2x128x128xf32, #tpu.memory_space<vmem>>, vector<1x1x16xf32>,
        %swap3A_511 = vector.shape_cast %swap3A_510 : vector<1x1x16xf32> to vector<16xf32>
        %swap3A_512 = vector.shape_cast %mul3A_505 : vector<16xf32> to vector<1x1x16xf32>
        tpu.vector_store %arg13[%swap3A_507, %swap3A_508, %swap3A_509], %swap3A_512 {strides = array<i32>} : memref<2x128x128xf32, #tpu.memory_space<vmem>>, vector<1x1x16xf32>,
        %mul3A_513 = arith.mulf %mul3A_383, %mul3A_489 : vector<16xf32>
        %swap3A_514 = arith.constant 0 : i32
        %swap3A_515 = arith.index_cast %swap3A_514 : i32 to index
        %swap3A_516 = arith.index_cast %mul3A_333 : i32 to index
        %swap3A_517 = arith.constant 48 : index
        %swap3A_518 = tpu.vector_load %arg13[%swap3A_515, %swap3A_516, %swap3A_517] {strides = array<i32>} : memref<2x128x128xf32, #tpu.memory_space<vmem>>, vector<1x1x16xf32>,
        %swap3A_519 = vector.shape_cast %swap3A_518 : vector<1x1x16xf32> to vector<16xf32>
        %swap3A_520 = vector.shape_cast %mul3A_513 : vector<16xf32> to vector<1x1x16xf32>
        tpu.vector_store %arg13[%swap3A_515, %swap3A_516, %swap3A_517], %swap3A_520 {strides = array<i32>} : memref<2x128x128xf32, #tpu.memory_space<vmem>>, vector<1x1x16xf32>,
        %mul3A_521 = arith.mulf %mul3A_410, %mul3A_489 : vector<16xf32>
        %swap3A_522 = arith.constant 0 : i32
        %swap3A_523 = arith.index_cast %swap3A_522 : i32 to index
        %swap3A_524 = arith.index_cast %mul3A_333 : i32 to index
        %swap3A_525 = arith.constant 64 : index
        %swap3A_526 = tpu.vector_load %arg13[%swap3A_523, %swap3A_524, %swap3A_525] {strides = array<i32>} : memref<2x128x128xf32, #tpu.memory_space<vmem>>, vector<1x1x16xf32>,
        %swap3A_527 = vector.shape_cast %swap3A_526 : vector<1x1x16xf32> to vector<16xf32>
        %swap3A_528 = vector.shape_cast %mul3A_521 : vector<16xf32> to vector<1x1x16xf32>
        tpu.vector_store %arg13[%swap3A_523, %swap3A_524, %swap3A_525], %swap3A_528 {strides = array<i32>} : memref<2x128x128xf32, #tpu.memory_space<vmem>>, vector<1x1x16xf32>,
        %mul3A_529 = arith.mulf %mul3A_411, %mul3A_489 : vector<16xf32>
        %swap3A_530 = arith.constant 0 : i32
        %swap3A_531 = arith.index_cast %swap3A_530 : i32 to index
        %swap3A_532 = arith.index_cast %mul3A_333 : i32 to index
        %swap3A_533 = arith.constant 80 : index
        %swap3A_534 = tpu.vector_load %arg13[%swap3A_531, %swap3A_532, %swap3A_533] {strides = array<i32>} : memref<2x128x128xf32, #tpu.memory_space<vmem>>, vector<1x1x16xf32>,
        %swap3A_535 = vector.shape_cast %swap3A_534 : vector<1x1x16xf32> to vector<16xf32>
        %swap3A_536 = vector.shape_cast %mul3A_529 : vector<16xf32> to vector<1x1x16xf32>
        tpu.vector_store %arg13[%swap3A_531, %swap3A_532, %swap3A_533], %swap3A_536 {strides = array<i32>} : memref<2x128x128xf32, #tpu.memory_space<vmem>>, vector<1x1x16xf32>,
        %mul3A_537 = arith.mulf %mul3A_438, %mul3A_489 : vector<16xf32>
        %swap3A_538 = arith.constant 0 : i32
        %swap3A_539 = arith.index_cast %swap3A_538 : i32 to index
        %swap3A_540 = arith.index_cast %mul3A_333 : i32 to index
        %swap3A_541 = arith.constant 96 : index
        %swap3A_542 = tpu.vector_load %arg13[%swap3A_539, %swap3A_540, %swap3A_541] {strides = array<i32>} : memref<2x128x128xf32, #tpu.memory_space<vmem>>, vector<1x1x16xf32>,
        %swap3A_543 = vector.shape_cast %swap3A_542 : vector<1x1x16xf32> to vector<16xf32>
        %swap3A_544 = vector.shape_cast %mul3A_537 : vector<16xf32> to vector<1x1x16xf32>
        tpu.vector_store %arg13[%swap3A_539, %swap3A_540, %swap3A_541], %swap3A_544 {strides = array<i32>} : memref<2x128x128xf32, #tpu.memory_space<vmem>>, vector<1x1x16xf32>,
        %mul3A_545 = arith.mulf %mul3A_439, %mul3A_489 : vector<16xf32>
        %swap3A_546 = arith.constant 0 : i32
        %swap3A_547 = arith.index_cast %swap3A_546 : i32 to index
        %swap3A_548 = arith.index_cast %mul3A_333 : i32 to index
        %swap3A_549 = arith.constant 112 : index
        %swap3A_550 = tpu.vector_load %arg13[%swap3A_547, %swap3A_548, %swap3A_549] {strides = array<i32>} : memref<2x128x128xf32, #tpu.memory_space<vmem>>, vector<1x1x16xf32>,
        %swap3A_551 = vector.shape_cast %swap3A_550 : vector<1x1x16xf32> to vector<16xf32>
        %swap3A_552 = vector.shape_cast %mul3A_545 : vector<16xf32> to vector<1x1x16xf32>
        tpu.vector_store %arg13[%swap3A_547, %swap3A_548, %swap3A_549], %swap3A_552 {strides = array<i32>} : memref<2x128x128xf32, #tpu.memory_space<vmem>>, vector<1x1x16xf32>,
        %mul3A_553 = arith.constant 2 : i32
        %mul3A_554 = arith.muli %mul3A_553, %scan3A_331 : i32
        %add3A_555 = arith.constant 1 : i32
        %add3A_556 = arith.addi %mul3A_554, %add3A_555 : i32
        %broadcast_in_dim3A_557 = arith.constant 0.000000e+00 : f32
        %broadcast_in_dim3A_558 = vector.broadcast %broadcast_in_dim3A_557 : f32 to vector<16xf32>
        %get3A_559 = arith.constant 0 : i32
        %get3A_560 = arith.index_cast %get3A_559 : i32 to index
        %get3A_561 = arith.index_cast %add3A_556 : i32 to index
        %get3A_562 = arith.constant 0 : index
        %get3A_563 = tpu.vector_load %arg11[%get3A_560, %get3A_561, %get3A_562] {strides = array<i32>} : memref<2x128x64xi32, #tpu.memory_space<vmem>>, vector<1x1x16xi32>,
        %get3A_564 = vector.shape_cast %get3A_563 : vector<1x1x16xi32> to vector<16xi32>
        %shift_left3A_565 = arith.constant 16 : i32
        %shift_left3A_566 = vector.broadcast %shift_left3A_565 : i32 to vector<16xi32>
        %shift_left3A_567 = arith.shli %get3A_564, %shift_left3A_566 : vector<16xi32>
        %bitcast_convert_type3A_568 = tpu.bitcast %shift_left3A_567 : vector<16xi32> -> vector<16xf32>
        %bitcast_convert_type3A_569 = tpu.bitcast %get3A_564 : vector<16xi32> -> vector<16xf32>
        %get3A_570 = arith.constant 0 : i32
        %get3A_571 = arith.index_cast %get3A_570 : i32 to index
        %get3A_572 = arith.index_cast %add3A_556 : i32 to index
        %get3A_573 = arith.constant 0 : index
        %get3A_574 = tpu.vector_load %arg12[%get3A_571, %get3A_572, %get3A_573] {strides = array<i32>} : memref<2x128x64xi32, #tpu.memory_space<vmem>>, vector<1x1x16xi32>,
        %get3A_575 = vector.shape_cast %get3A_574 : vector<1x1x16xi32> to vector<16xi32>
        %shift_left3A_576 = arith.constant 16 : i32
        %shift_left3A_577 = vector.broadcast %shift_left3A_576 : i32 to vector<16xi32>
        %shift_left3A_578 = arith.shli %get3A_575, %shift_left3A_577 : vector<16xi32>
        %bitcast_convert_type3A_579 = tpu.bitcast %shift_left3A_578 : vector<16xi32> -> vector<16xf32>
        %bitcast_convert_type3A_580 = tpu.bitcast %get3A_575 : vector<16xi32> -> vector<16xf32>
        %mul3A_581 = arith.mulf %bitcast_convert_type3A_568, %bitcast_convert_type3A_579 : vector<16xf32>
        %mul3A_582 = arith.mulf %bitcast_convert_type3A_569, %bitcast_convert_type3A_580 : vector<16xf32>
        %mul3A_583 = arith.mulf %mul3A_581, %mul3A_581 : vector<16xf32>
        %add3A_584 = arith.addf %broadcast_in_dim3A_558, %mul3A_583 : vector<16xf32>
        %mul3A_585 = arith.mulf %mul3A_582, %mul3A_582 : vector<16xf32>
        %add3A_586 = arith.addf %add3A_584, %mul3A_585 : vector<16xf32>
        %get3A_587 = arith.constant 0 : i32
        %get3A_588 = arith.index_cast %get3A_587 : i32 to index
        %get3A_589 = arith.index_cast %add3A_556 : i32 to index
        %get3A_590 = arith.constant 16 : index
        %get3A_591 = tpu.vector_load %arg11[%get3A_588, %get3A_589, %get3A_590] {strides = array<i32>} : memref<2x128x64xi32, #tpu.memory_space<vmem>>, vector<1x1x16xi32>,
        %get3A_592 = vector.shape_cast %get3A_591 : vector<1x1x16xi32> to vector<16xi32>
        %shift_left3A_593 = arith.constant 16 : i32
        %shift_left3A_594 = vector.broadcast %shift_left3A_593 : i32 to vector<16xi32>
        %shift_left3A_595 = arith.shli %get3A_592, %shift_left3A_594 : vector<16xi32>
        %bitcast_convert_type3A_596 = tpu.bitcast %shift_left3A_595 : vector<16xi32> -> vector<16xf32>
        %bitcast_convert_type3A_597 = tpu.bitcast %get3A_592 : vector<16xi32> -> vector<16xf32>
        %get3A_598 = arith.constant 0 : i32
        %get3A_599 = arith.index_cast %get3A_598 : i32 to index
        %get3A_600 = arith.index_cast %add3A_556 : i32 to index
        %get3A_601 = arith.constant 16 : index
        %get3A_602 = tpu.vector_load %arg12[%get3A_599, %get3A_600, %get3A_601] {strides = array<i32>} : memref<2x128x64xi32, #tpu.memory_space<vmem>>, vector<1x1x16xi32>,
        %get3A_603 = vector.shape_cast %get3A_602 : vector<1x1x16xi32> to vector<16xi32>
        %shift_left3A_604 = arith.constant 16 : i32
        %shift_left3A_605 = vector.broadcast %shift_left3A_604 : i32 to vector<16xi32>
        %shift_left3A_606 = arith.shli %get3A_603, %shift_left3A_605 : vector<16xi32>
        %bitcast_convert_type3A_607 = tpu.bitcast %shift_left3A_606 : vector<16xi32> -> vector<16xf32>
        %bitcast_convert_type3A_608 = tpu.bitcast %get3A_603 : vector<16xi32> -> vector<16xf32>
        %mul3A_609 = arith.mulf %bitcast_convert_type3A_596, %bitcast_convert_type3A_607 : vector<16xf32>
        %mul3A_610 = arith.mulf %bitcast_convert_type3A_597, %bitcast_convert_type3A_608 : vector<16xf32>
        %mul3A_611 = arith.mulf %mul3A_609, %mul3A_609 : vector<16xf32>
        %add3A_612 = arith.addf %add3A_586, %mul3A_611 : vector<16xf32>
        %mul3A_613 = arith.mulf %mul3A_610, %mul3A_610 : vector<16xf32>
        %add3A_614 = arith.addf %add3A_612, %mul3A_613 : vector<16xf32>
        %get3A_615 = arith.constant 0 : i32
        %get3A_616 = arith.index_cast %get3A_615 : i32 to index
        %get3A_617 = arith.index_cast %add3A_556 : i32 to index
        %get3A_618 = arith.constant 32 : index
        %get3A_619 = tpu.vector_load %arg11[%get3A_616, %get3A_617, %get3A_618] {strides = array<i32>} : memref<2x128x64xi32, #tpu.memory_space<vmem>>, vector<1x1x16xi32>,
        %get3A_620 = vector.shape_cast %get3A_619 : vector<1x1x16xi32> to vector<16xi32>
        %shift_left3A_621 = arith.constant 16 : i32
        %shift_left3A_622 = vector.broadcast %shift_left3A_621 : i32 to vector<16xi32>
        %shift_left3A_623 = arith.shli %get3A_620, %shift_left3A_622 : vector<16xi32>
        %bitcast_convert_type3A_624 = tpu.bitcast %shift_left3A_623 : vector<16xi32> -> vector<16xf32>
        %bitcast_convert_type3A_625 = tpu.bitcast %get3A_620 : vector<16xi32> -> vector<16xf32>
        %get3A_626 = arith.constant 0 : i32
        %get3A_627 = arith.index_cast %get3A_626 : i32 to index
        %get3A_628 = arith.index_cast %add3A_556 : i32 to index
        %get3A_629 = arith.constant 32 : index
        %get3A_630 = tpu.vector_load %arg12[%get3A_627, %get3A_628, %get3A_629] {strides = array<i32>} : memref<2x128x64xi32, #tpu.memory_space<vmem>>, vector<1x1x16xi32>,
        %get3A_631 = vector.shape_cast %get3A_630 : vector<1x1x16xi32> to vector<16xi32>
        %shift_left3A_632 = arith.constant 16 : i32
        %shift_left3A_633 = vector.broadcast %shift_left3A_632 : i32 to vector<16xi32>
        %shift_left3A_634 = arith.shli %get3A_631, %shift_left3A_633 : vector<16xi32>
        %bitcast_convert_type3A_635 = tpu.bitcast %shift_left3A_634 : vector<16xi32> -> vector<16xf32>
        %bitcast_convert_type3A_636 = tpu.bitcast %get3A_631 : vector<16xi32> -> vector<16xf32>
        %mul3A_637 = arith.mulf %bitcast_convert_type3A_624, %bitcast_convert_type3A_635 : vector<16xf32>
        %mul3A_638 = arith.mulf %bitcast_convert_type3A_625, %bitcast_convert_type3A_636 : vector<16xf32>
        %mul3A_639 = arith.mulf %mul3A_637, %mul3A_637 : vector<16xf32>
        %add3A_640 = arith.addf %add3A_614, %mul3A_639 : vector<16xf32>
        %mul3A_641 = arith.mulf %mul3A_638, %mul3A_638 : vector<16xf32>
        %add3A_642 = arith.addf %add3A_640, %mul3A_641 : vector<16xf32>
        %get3A_643 = arith.constant 0 : i32
        %get3A_644 = arith.index_cast %get3A_643 : i32 to index
        %get3A_645 = arith.index_cast %add3A_556 : i32 to index
        %get3A_646 = arith.constant 48 : index
        %get3A_647 = tpu.vector_load %arg11[%get3A_644, %get3A_645, %get3A_646] {strides = array<i32>} : memref<2x128x64xi32, #tpu.memory_space<vmem>>, vector<1x1x16xi32>,
        %get3A_648 = vector.shape_cast %get3A_647 : vector<1x1x16xi32> to vector<16xi32>
        %shift_left3A_649 = arith.constant 16 : i32
        %shift_left3A_650 = vector.broadcast %shift_left3A_649 : i32 to vector<16xi32>
        %shift_left3A_651 = arith.shli %get3A_648, %shift_left3A_650 : vector<16xi32>
        %bitcast_convert_type3A_652 = tpu.bitcast %shift_left3A_651 : vector<16xi32> -> vector<16xf32>
        %bitcast_convert_type3A_653 = tpu.bitcast %get3A_648 : vector<16xi32> -> vector<16xf32>
        %get3A_654 = arith.constant 0 : i32
        %get3A_655 = arith.index_cast %get3A_654 : i32 to index
        %get3A_656 = arith.index_cast %add3A_556 : i32 to index
        %get3A_657 = arith.constant 48 : index
        %get3A_658 = tpu.vector_load %arg12[%get3A_655, %get3A_656, %get3A_657] {strides = array<i32>} : memref<2x128x64xi32, #tpu.memory_space<vmem>>, vector<1x1x16xi32>,
        %get3A_659 = vector.shape_cast %get3A_658 : vector<1x1x16xi32> to vector<16xi32>
        %shift_left3A_660 = arith.constant 16 : i32
        %shift_left3A_661 = vector.broadcast %shift_left3A_660 : i32 to vector<16xi32>
        %shift_left3A_662 = arith.shli %get3A_659, %shift_left3A_661 : vector<16xi32>
        %bitcast_convert_type3A_663 = tpu.bitcast %shift_left3A_662 : vector<16xi32> -> vector<16xf32>
        %bitcast_convert_type3A_664 = tpu.bitcast %get3A_659 : vector<16xi32> -> vector<16xf32>
        %mul3A_665 = arith.mulf %bitcast_convert_type3A_652, %bitcast_convert_type3A_663 : vector<16xf32>
        %mul3A_666 = arith.mulf %bitcast_convert_type3A_653, %bitcast_convert_type3A_664 : vector<16xf32>
        %mul3A_667 = arith.mulf %mul3A_665, %mul3A_665 : vector<16xf32>
        %add3A_668 = arith.addf %add3A_642, %mul3A_667 : vector<16xf32>
        %mul3A_669 = arith.mulf %mul3A_666, %mul3A_666 : vector<16xf32>
        %add3A_670 = arith.addf %add3A_668, %mul3A_669 : vector<16xf32>
        %iota3A_671 = tpu.iota {dimensions = array<i32: 0>} : vector<16xi32>
        %xor3A_672 = arith.constant 1 : i32
        %xor3A_673 = vector.broadcast %xor3A_672 : i32 to vector<16xi32>
        %xor3A_674 = arith.xori %iota3A_671, %xor3A_673 : vector<16xi32>
        %reshape3A_675 = vector.shape_cast %xor3A_674 : vector<16xi32> to vector<16x1xi32>
        %gather3A_676 = vector.shape_cast %reshape3A_675 : vector<16x1xi32> to vector<16xi32>
        %gather3A_677 = tpu.dynamic_gather %add3A_670[%gather3A_676] in [0] : vector<16xf32>, vector<16xi32> -> vector<16xf32>
        %add3A_678 = arith.addf %add3A_670, %gather3A_677 : vector<16xf32>
        %xor3A_679 = arith.constant 2 : i32
        %xor3A_680 = vector.broadcast %xor3A_679 : i32 to vector<16xi32>
        %xor3A_681 = arith.xori %iota3A_671, %xor3A_680 : vector<16xi32>
        %reshape3A_682 = vector.shape_cast %xor3A_681 : vector<16xi32> to vector<16x1xi32>
        %gather3A_683 = vector.shape_cast %reshape3A_682 : vector<16x1xi32> to vector<16xi32>
        %gather3A_684 = tpu.dynamic_gather %add3A_678[%gather3A_683] in [0] : vector<16xf32>, vector<16xi32> -> vector<16xf32>
        %add3A_685 = arith.addf %add3A_678, %gather3A_684 : vector<16xf32>
        %xor3A_686 = arith.constant 4 : i32
        %xor3A_687 = vector.broadcast %xor3A_686 : i32 to vector<16xi32>
        %xor3A_688 = arith.xori %iota3A_671, %xor3A_687 : vector<16xi32>
        %reshape3A_689 = vector.shape_cast %xor3A_688 : vector<16xi32> to vector<16x1xi32>
        %gather3A_690 = vector.shape_cast %reshape3A_689 : vector<16x1xi32> to vector<16xi32>
        %gather3A_691 = tpu.dynamic_gather %add3A_685[%gather3A_690] in [0] : vector<16xf32>, vector<16xi32> -> vector<16xf32>
        %add3A_692 = arith.addf %add3A_685, %gather3A_691 : vector<16xf32>
        %xor3A_693 = arith.constant 8 : i32
        %xor3A_694 = vector.broadcast %xor3A_693 : i32 to vector<16xi32>
        %xor3A_695 = arith.xori %iota3A_671, %xor3A_694 : vector<16xi32>
        %reshape3A_696 = vector.shape_cast %xor3A_695 : vector<16xi32> to vector<16x1xi32>
        %gather3A_697 = vector.shape_cast %reshape3A_696 : vector<16x1xi32> to vector<16xi32>
        %gather3A_698 = tpu.dynamic_gather %add3A_692[%gather3A_697] in [0] : vector<16xf32>, vector<16xi32> -> vector<16xf32>
        %add3A_699 = arith.addf %add3A_692, %gather3A_698 : vector<16xf32>
        %bitcast_convert_type3A_700 = tpu.bitcast %add3A_699 : vector<16xf32> -> vector<16xi32>
        %shift_right_logical3A_701 = arith.constant 1 : i32
        %shift_right_logical3A_702 = vector.broadcast %shift_right_logical3A_701 : i32 to vector<16xi32>
        %shift_right_logical3A_703 = arith.shrui %bitcast_convert_type3A_700, %shift_right_logical3A_702 : vector<16xi32>
        %sub3A_704 = arith.constant 1597463007 : i32
        %sub3A_705 = vector.broadcast %sub3A_704 : i32 to vector<16xi32>
        %sub3A_706 = arith.subi %sub3A_705, %shift_right_logical3A_703 : vector<16xi32>
        %bitcast_convert_type3A_707 = tpu.bitcast %sub3A_706 : vector<16xi32> -> vector<16xf32>
        %mul3A_708 = arith.constant 5.000000e-01 : f32
        %mul3A_709 = vector.broadcast %mul3A_708 : f32 to vector<16xf32>
        %mul3A_710 = arith.mulf %add3A_699, %mul3A_709 : vector<16xf32>
        %mul3A_711 = arith.mulf %mul3A_710, %bitcast_convert_type3A_707 : vector<16xf32>
        %mul3A_712 = arith.mulf %mul3A_711, %bitcast_convert_type3A_707 : vector<16xf32>
        %sub3A_713 = arith.constant 1.500000e+00 : f32
        %sub3A_714 = vector.broadcast %sub3A_713 : f32 to vector<16xf32>
        %sub3A_715 = arith.subf %sub3A_714, %mul3A_712 : vector<16xf32>
        %mul3A_716 = arith.mulf %bitcast_convert_type3A_707, %sub3A_715 : vector<16xf32>
        %mul3A_717 = arith.mulf %mul3A_710, %mul3A_716 : vector<16xf32>
        %mul3A_718 = arith.mulf %mul3A_717, %mul3A_716 : vector<16xf32>
        %sub3A_719 = arith.constant 1.500000e+00 : f32
        %sub3A_720 = vector.broadcast %sub3A_719 : f32 to vector<16xf32>
        %sub3A_721 = arith.subf %sub3A_720, %mul3A_718 : vector<16xf32>
        %mul3A_722 = arith.mulf %mul3A_716, %sub3A_721 : vector<16xf32>
        %mul3A_723 = arith.mulf %mul3A_581, %mul3A_722 : vector<16xf32>
        %swap3A_724 = arith.constant 0 : i32
        %swap3A_725 = arith.index_cast %swap3A_724 : i32 to index
        %swap3A_726 = arith.index_cast %add3A_556 : i32 to index
        %swap3A_727 = arith.constant 0 : index
        %swap3A_728 = tpu.vector_load %arg13[%swap3A_725, %swap3A_726, %swap3A_727] {strides = array<i32>} : memref<2x128x128xf32, #tpu.memory_space<vmem>>, vector<1x1x16xf32>,
        %swap3A_729 = vector.shape_cast %swap3A_728 : vector<1x1x16xf32> to vector<16xf32>
        %swap3A_730 = vector.shape_cast %mul3A_723 : vector<16xf32> to vector<1x1x16xf32>
        tpu.vector_store %arg13[%swap3A_725, %swap3A_726, %swap3A_727], %swap3A_730 {strides = array<i32>} : memref<2x128x128xf32, #tpu.memory_space<vmem>>, vector<1x1x16xf32>,
        %mul3A_731 = arith.mulf %mul3A_582, %mul3A_722 : vector<16xf32>
        %swap3A_732 = arith.constant 0 : i32
        %swap3A_733 = arith.index_cast %swap3A_732 : i32 to index
        %swap3A_734 = arith.index_cast %add3A_556 : i32 to index
        %swap3A_735 = arith.constant 16 : index
        %swap3A_736 = tpu.vector_load %arg13[%swap3A_733, %swap3A_734, %swap3A_735] {strides = array<i32>} : memref<2x128x128xf32, #tpu.memory_space<vmem>>, vector<1x1x16xf32>,
        %swap3A_737 = vector.shape_cast %swap3A_736 : vector<1x1x16xf32> to vector<16xf32>
        %swap3A_738 = vector.shape_cast %mul3A_731 : vector<16xf32> to vector<1x1x16xf32>
        tpu.vector_store %arg13[%swap3A_733, %swap3A_734, %swap3A_735], %swap3A_738 {strides = array<i32>} : memref<2x128x128xf32, #tpu.memory_space<vmem>>, vector<1x1x16xf32>,
        %mul3A_739 = arith.mulf %mul3A_609, %mul3A_722 : vector<16xf32>
        %swap3A_740 = arith.constant 0 : i32
        %swap3A_741 = arith.index_cast %swap3A_740 : i32 to index
        %swap3A_742 = arith.index_cast %add3A_556 : i32 to index
        %swap3A_743 = arith.constant 32 : index
        %swap3A_744 = tpu.vector_load %arg13[%swap3A_741, %swap3A_742, %swap3A_743] {strides = array<i32>} : memref<2x128x128xf32, #tpu.memory_space<vmem>>, vector<1x1x16xf32>,
        %swap3A_745 = vector.shape_cast %swap3A_744 : vector<1x1x16xf32> to vector<16xf32>
        %swap3A_746 = vector.shape_cast %mul3A_739 : vector<16xf32> to vector<1x1x16xf32>
        tpu.vector_store %arg13[%swap3A_741, %swap3A_742, %swap3A_743], %swap3A_746 {strides = array<i32>} : memref<2x128x128xf32, #tpu.memory_space<vmem>>, vector<1x1x16xf32>,
        %mul3A_747 = arith.mulf %mul3A_610, %mul3A_722 : vector<16xf32>
        %swap3A_748 = arith.constant 0 : i32
        %swap3A_749 = arith.index_cast %swap3A_748 : i32 to index
        %swap3A_750 = arith.index_cast %add3A_556 : i32 to index
        %swap3A_751 = arith.constant 48 : index
        %swap3A_752 = tpu.vector_load %arg13[%swap3A_749, %swap3A_750, %swap3A_751] {strides = array<i32>} : memref<2x128x128xf32, #tpu.memory_space<vmem>>, vector<1x1x16xf32>,
        %swap3A_753 = vector.shape_cast %swap3A_752 : vector<1x1x16xf32> to vector<16xf32>
        %swap3A_754 = vector.shape_cast %mul3A_747 : vector<16xf32> to vector<1x1x16xf32>
        tpu.vector_store %arg13[%swap3A_749, %swap3A_750, %swap3A_751], %swap3A_754 {strides = array<i32>} : memref<2x128x128xf32, #tpu.memory_space<vmem>>, vector<1x1x16xf32>,
        %mul3A_755 = arith.mulf %mul3A_637, %mul3A_722 : vector<16xf32>
        %swap3A_756 = arith.constant 0 : i32
        %swap3A_757 = arith.index_cast %swap3A_756 : i32 to index
        %swap3A_758 = arith.index_cast %add3A_556 : i32 to index
        %swap3A_759 = arith.constant 64 : index
        %swap3A_760 = tpu.vector_load %arg13[%swap3A_757, %swap3A_758, %swap3A_759] {strides = array<i32>} : memref<2x128x128xf32, #tpu.memory_space<vmem>>, vector<1x1x16xf32>,
        %swap3A_761 = vector.shape_cast %swap3A_760 : vector<1x1x16xf32> to vector<16xf32>
        %swap3A_762 = vector.shape_cast %mul3A_755 : vector<16xf32> to vector<1x1x16xf32>
        tpu.vector_store %arg13[%swap3A_757, %swap3A_758, %swap3A_759], %swap3A_762 {strides = array<i32>} : memref<2x128x128xf32, #tpu.memory_space<vmem>>, vector<1x1x16xf32>,
        %mul3A_763 = arith.mulf %mul3A_638, %mul3A_722 : vector<16xf32>
        %swap3A_764 = arith.constant 0 : i32
        %swap3A_765 = arith.index_cast %swap3A_764 : i32 to index
        %swap3A_766 = arith.index_cast %add3A_556 : i32 to index
        %swap3A_767 = arith.constant 80 : index
        %swap3A_768 = tpu.vector_load %arg13[%swap3A_765, %swap3A_766, %swap3A_767] {strides = array<i32>} : memref<2x128x128xf32, #tpu.memory_space<vmem>>, vector<1x1x16xf32>,
        %swap3A_769 = vector.shape_cast %swap3A_768 : vector<1x1x16xf32> to vector<16xf32>
        %swap3A_770 = vector.shape_cast %mul3A_763 : vector<16xf32> to vector<1x1x16xf32>
        tpu.vector_store %arg13[%swap3A_765, %swap3A_766, %swap3A_767], %swap3A_770 {strides = array<i32>} : memref<2x128x128xf32, #tpu.memory_space<vmem>>, vector<1x1x16xf32>,
        %mul3A_771 = arith.mulf %mul3A_665, %mul3A_722 : vector<16xf32>
        %swap3A_772 = arith.constant 0 : i32
        %swap3A_773 = arith.index_cast %swap3A_772 : i32 to index
        %swap3A_774 = arith.index_cast %add3A_556 : i32 to index
        %swap3A_775 = arith.constant 96 : index
        %swap3A_776 = tpu.vector_load %arg13[%swap3A_773, %swap3A_774, %swap3A_775] {strides = array<i32>} : memref<2x128x128xf32, #tpu.memory_space<vmem>>, vector<1x1x16xf32>,
        %swap3A_777 = vector.shape_cast %swap3A_776 : vector<1x1x16xf32> to vector<16xf32>
        %swap3A_778 = vector.shape_cast %mul3A_771 : vector<16xf32> to vector<1x1x16xf32>
        tpu.vector_store %arg13[%swap3A_773, %swap3A_774, %swap3A_775], %swap3A_778 {strides = array<i32>} : memref<2x128x128xf32, #tpu.memory_space<vmem>>, vector<1x1x16xf32>,
        %mul3A_779 = arith.mulf %mul3A_666, %mul3A_722 : vector<16xf32>
        %swap3A_780 = arith.constant 0 : i32
        %swap3A_781 = arith.index_cast %swap3A_780 : i32 to index
        %swap3A_782 = arith.index_cast %add3A_556 : i32 to index
        %swap3A_783 = arith.constant 112 : index
        %swap3A_784 = tpu.vector_load %arg13[%swap3A_781, %swap3A_782, %swap3A_783] {strides = array<i32>} : memref<2x128x128xf32, #tpu.memory_space<vmem>>, vector<1x1x16xf32>,
        %swap3A_785 = vector.shape_cast %swap3A_784 : vector<1x1x16xf32> to vector<16xf32>
        %swap3A_786 = vector.shape_cast %mul3A_779 : vector<16xf32> to vector<1x1x16xf32>
        tpu.vector_store %arg13[%swap3A_781, %swap3A_782, %swap3A_783], %swap3A_786 {strides = array<i32>} : memref<2x128x128xf32, #tpu.memory_space<vmem>>, vector<1x1x16xf32>,
      }
      %scan3A_244 = arith.constant 64 : i32
      %mul3A_245 = arith.constant 128 : i32
      %mul3A_246 = arith.muli %add3A_208, %mul3A_245 : i32
      %add3A_247 = arith.addi %mul3A_2, %mul3A_246 : i32
      %dma_start3A_248 = arith.constant 0 : i32
      %dma_start3A_249 = arith.constant 0 : i32
      %dma_start3A_250 = arith.constant 0 : i32
      %dma_start3A_251 = tpu.memref_slice %arg13[%dma_start3A_248, %dma_start3A_249, %dma_start3A_250] : memref<2x128x128xf32, #tpu.memory_space<vmem>> -> memref<1x128x128xf32, #tpu.memory_space<vmem>>
      %dma_start3A_252 = tpu.memref_squeeze %dma_start3A_251 : memref<1x128x128xf32, #tpu.memory_space<vmem>> -> memref<128x128xf32, #tpu.memory_space<vmem>>
      %dma_start3A_253 = arith.constant 0 : i32
      %dma_start3A_254 = tpu.memref_slice %arg6[%add3A_247, %dma_start3A_253] : memref<262144x128xf32, #tpu.memory_space<hbm>> -> memref<128x128xf32, #tpu.memory_space<hbm>>
      %dma_start3A_255 = arith.constant 0 : i32
      %dma_start3A_256 = tpu.memref_slice %arg6[%add3A_247, %dma_start3A_255] : memref<262144x128xf32, #tpu.memory_space<hbm>> -> memref<128x128xf32, #tpu.memory_space<hbm>>
      %dma_start3A_257 = arith.constant 0 : i32
      %dma_start3A_258 = arith.constant 0 : i32
      %dma_start3A_259 = tpu.memref_slice %arg13[%dma_start3A_248, %dma_start3A_257, %dma_start3A_258] : memref<2x128x128xf32, #tpu.memory_space<vmem>> -> memref<1x128x128xf32, #tpu.memory_space<vmem>>
      %dma_start3A_260 = tpu.memref_squeeze %dma_start3A_259 : memref<1x128x128xf32, #tpu.memory_space<vmem>> -> memref<128x128xf32, #tpu.memory_space<vmem>>
      tpu.enqueue_dma source(%dma_start3A_260 : memref<128x128xf32, #tpu.memory_space<vmem>>) target(%dma_start3A_256 : memref<128x128xf32, #tpu.memory_space<hbm>>) target_semaphore(%arg16 : memref<!tpu.dma_semaphore, #tpu.memory_space<semaphore_mem>>)
      %lt3A_261 = arith.constant 31 : i32
      %lt3A_262 = arith.cmpi slt, %scan3A_204, %lt3A_261 : i32
      %convert_element_type3A_263 = arith.extui %lt3A_262 : i1 to i32
      %cond3A_264 = arith.constant 0 : i32
      %cond3A_265 = arith.cmpi ne, %convert_element_type3A_263, %cond3A_264 : i32
      scf.if %cond3A_265 {
        %add3A_331 = arith.constant 2 : i32
        %add3A_332 = arith.addi %add3A_208, %add3A_331 : i32
        %dma_wait3A_333 = arith.constant 0 : i32
        %dma_wait3A_334 = arith.constant 0 : i32
        %dma_wait3A_335 = tpu.memref_slice %arg9[%dma_wait3A_333, %dma_wait3A_334] : memref<2x128xi32, #tpu.memory_space<vmem>> -> memref<1x128xi32, #tpu.memory_space<vmem>>
        %dma_wait3A_336 = tpu.memref_squeeze %dma_wait3A_335 : memref<1x128xi32, #tpu.memory_space<vmem>> -> memref<128xi32, #tpu.memory_space<vmem>>
        %dma_wait3A_337 = arith.constant 0 : i32
        %dma_wait3A_338 = tpu.memref_slice %arg4[%add3A, %add3A_332, %dma_wait3A_337] : memref<32x64x128xi32, #tpu.memory_space<hbm>> -> memref<1x1x128xi32, #tpu.memory_space<hbm>>
        %dma_wait3A_339 = tpu.memref_squeeze %dma_wait3A_338 : memref<1x1x128xi32, #tpu.memory_space<hbm>> -> memref<128xi32, #tpu.memory_space<hbm>>
        %dma_wait3A_340 = arith.constant 0 : i32
        %dma_wait3A_341 = tpu.memref_slice %arg9[%dma_wait3A_333, %dma_wait3A_340] : memref<2x128xi32, #tpu.memory_space<vmem>> -> memref<1x128xi32, #tpu.memory_space<vmem>>
        %dma_wait3A_342 = tpu.memref_squeeze %dma_wait3A_341 : memref<1x128xi32, #tpu.memory_space<vmem>> -> memref<128xi32, #tpu.memory_space<vmem>>
        %dma_wait3A_343 = arith.constant 0 : i32
        %dma_wait3A_344 = tpu.memref_slice %arg4[%add3A, %add3A_332, %dma_wait3A_343] : memref<32x64x128xi32, #tpu.memory_space<hbm>> -> memref<1x1x128xi32, #tpu.memory_space<hbm>>
        %dma_wait3A_345 = tpu.memref_squeeze %dma_wait3A_344 : memref<1x1x128xi32, #tpu.memory_space<hbm>> -> memref<128xi32, #tpu.memory_space<hbm>>
        tpu.wait_dma2 semaphore(%arg18 : memref<!tpu.dma_semaphore, #tpu.memory_space<semaphore_mem>>) src(%dma_wait3A_345 : memref<128xi32, #tpu.memory_space<hbm>>) dst(%dma_wait3A_342 : memref<128xi32, #tpu.memory_space<vmem>>)
        %dma_wait3A_346 = arith.constant 0 : i32
        %dma_wait3A_347 = arith.constant 0 : i32
        %dma_wait3A_348 = tpu.memref_slice %arg10[%dma_wait3A_346, %dma_wait3A_347] : memref<2x128xi32, #tpu.memory_space<vmem>> -> memref<1x128xi32, #tpu.memory_space<vmem>>
        %dma_wait3A_349 = tpu.memref_squeeze %dma_wait3A_348 : memref<1x128xi32, #tpu.memory_space<vmem>> -> memref<128xi32, #tpu.memory_space<vmem>>
        %dma_wait3A_350 = arith.constant 0 : i32
        %dma_wait3A_351 = tpu.memref_slice %arg5[%add3A, %add3A_332, %dma_wait3A_350] : memref<32x64x128xi32, #tpu.memory_space<hbm>> -> memref<1x1x128xi32, #tpu.memory_space<hbm>>
        %dma_wait3A_352 = tpu.memref_squeeze %dma_wait3A_351 : memref<1x1x128xi32, #tpu.memory_space<hbm>> -> memref<128xi32, #tpu.memory_space<hbm>>
        %dma_wait3A_353 = arith.constant 0 : i32
        %dma_wait3A_354 = tpu.memref_slice %arg10[%dma_wait3A_346, %dma_wait3A_353] : memref<2x128xi32, #tpu.memory_space<vmem>> -> memref<1x128xi32, #tpu.memory_space<vmem>>
        %dma_wait3A_355 = tpu.memref_squeeze %dma_wait3A_354 : memref<1x128xi32, #tpu.memory_space<vmem>> -> memref<128xi32, #tpu.memory_space<vmem>>
        %dma_wait3A_356 = arith.constant 0 : i32
        %dma_wait3A_357 = tpu.memref_slice %arg5[%add3A, %add3A_332, %dma_wait3A_356] : memref<32x64x128xi32, #tpu.memory_space<hbm>> -> memref<1x1x128xi32, #tpu.memory_space<hbm>>
        %dma_wait3A_358 = tpu.memref_squeeze %dma_wait3A_357 : memref<1x1x128xi32, #tpu.memory_space<hbm>> -> memref<128xi32, #tpu.memory_space<hbm>>
        tpu.wait_dma2 semaphore(%arg18 : memref<!tpu.dma_semaphore, #tpu.memory_space<semaphore_mem>>) src(%dma_wait3A_358 : memref<128xi32, #tpu.memory_space<hbm>>) dst(%dma_wait3A_355 : memref<128xi32, #tpu.memory_space<vmem>>)
        %dma_start3A_359 = arith.constant 0 : i32
        %dma_start3A_360 = arith.constant 0 : i32
        %dma_start3A_361 = arith.constant 0 : i32
        %dma_start3A_362 = arith.constant 0 : i32
        %dma_start3A_363 = tpu.memref_slice %arg11[%dma_start3A_360, %dma_start3A_361, %dma_start3A_362] : memref<2x128x64xi32, #tpu.memory_space<vmem>> -> memref<1x128x64xi32, #tpu.memory_space<vmem>>
        %dma_start3A_364 = tpu.memref_squeeze %dma_start3A_363 : memref<1x128x64xi32, #tpu.memory_space<vmem>> -> memref<128x64xi32, #tpu.memory_space<vmem>>
        %dma_start3A_365 = arith.constant 0 : i32
        %dma_start3A_366 = tpu.memref_slice %arg9[%dma_start3A_359, %dma_start3A_365] : memref<2x128xi32, #tpu.memory_space<vmem>> -> memref<1x128xi32, #tpu.memory_space<vmem>>
        %dma_start3A_367 = tpu.memref_squeeze %dma_start3A_366 : memref<1x128xi32, #tpu.memory_space<vmem>> -> memref<128xi32, #tpu.memory_space<vmem>>
        %dma_start3A_368 = arith.constant 0 : i32
        %dma_start3A_369 = arith.constant 0 : i32
        %dma_start3A_370 = tpu.memref_slice %arg7[%dma_start3A_368, %dma_start3A_369] : memref<1536x64xi32, #tpu.memory_space<vmem_shared>> -> memref<1536x64xi32, #tpu.memory_space<vmem_shared>>
        tpu.enqueue_indirect_dma source(%dma_start3A_370 : memref<1536x64xi32, #tpu.memory_space<vmem_shared>>) target(%dma_start3A_364 : memref<128x64xi32, #tpu.memory_space<vmem>>) offsets(%dma_start3A_367 : memref<128xi32, #tpu.memory_space<vmem>>) semaphore(%arg14 : memref<!tpu.dma_semaphore, #tpu.memory_space<semaphore_mem>>)
        %dma_start3A_371 = arith.constant 0 : i32
        %dma_start3A_372 = arith.constant 0 : i32
        %dma_start3A_373 = arith.constant 0 : i32
        %dma_start3A_374 = arith.constant 0 : i32
        %dma_start3A_375 = tpu.memref_slice %arg12[%dma_start3A_372, %dma_start3A_373, %dma_start3A_374] : memref<2x128x64xi32, #tpu.memory_space<vmem>> -> memref<1x128x64xi32, #tpu.memory_space<vmem>>
        %dma_start3A_376 = tpu.memref_squeeze %dma_start3A_375 : memref<1x128x64xi32, #tpu.memory_space<vmem>> -> memref<128x64xi32, #tpu.memory_space<vmem>>
        %dma_start3A_377 = arith.constant 0 : i32
        %dma_start3A_378 = tpu.memref_slice %arg10[%dma_start3A_371, %dma_start3A_377] : memref<2x128xi32, #tpu.memory_space<vmem>> -> memref<1x128xi32, #tpu.memory_space<vmem>>
        %dma_start3A_379 = tpu.memref_squeeze %dma_start3A_378 : memref<1x128xi32, #tpu.memory_space<vmem>> -> memref<128xi32, #tpu.memory_space<vmem>>
        %dma_start3A_380 = arith.constant 0 : i32
        %dma_start3A_381 = arith.constant 0 : i32
        %dma_start3A_382 = tpu.memref_slice %arg8[%dma_start3A_380, %dma_start3A_381] : memref<1536x64xi32, #tpu.memory_space<vmem_shared>> -> memref<1536x64xi32, #tpu.memory_space<vmem_shared>>
        tpu.enqueue_indirect_dma source(%dma_start3A_382 : memref<1536x64xi32, #tpu.memory_space<vmem_shared>>) target(%dma_start3A_376 : memref<128x64xi32, #tpu.memory_space<vmem>>) offsets(%dma_start3A_379 : memref<128xi32, #tpu.memory_space<vmem>>) semaphore(%arg14 : memref<!tpu.dma_semaphore, #tpu.memory_space<semaphore_mem>>)
      } else {
      }
      %mul3A_266 = arith.constant 2 : i32
      %mul3A_267 = arith.muli %mul3A_266, %scan3A_204 : i32
      %add3A_268 = arith.constant 1 : i32
      %add3A_269 = arith.addi %mul3A_267, %add3A_268 : i32
      %dma_wait3A_270 = arith.constant 1 : i32
      %dma_wait3A_271 = arith.constant 1 : i32
      %dma_wait3A_272 = arith.constant 0 : i32
      %dma_wait3A_273 = arith.constant 0 : i32
      %dma_wait3A_274 = tpu.memref_slice %arg11[%dma_wait3A_271, %dma_wait3A_272, %dma_wait3A_273] : memref<2x128x64xi32, #tpu.memory_space<vmem>> -> memref<1x128x64xi32, #tpu.memory_space<vmem>>
      %dma_wait3A_275 = tpu.memref_squeeze %dma_wait3A_274 : memref<1x128x64xi32, #tpu.memory_space<vmem>> -> memref<128x64xi32, #tpu.memory_space<vmem>>
      %dma_wait3A_276 = arith.constant 0 : i32
      %dma_wait3A_277 = tpu.memref_slice %arg9[%dma_wait3A_270, %dma_wait3A_276] : memref<2x128xi32, #tpu.memory_space<vmem>> -> memref<1x128xi32, #tpu.memory_space<vmem>>
      %dma_wait3A_278 = tpu.memref_squeeze %dma_wait3A_277 : memref<1x128xi32, #tpu.memory_space<vmem>> -> memref<128xi32, #tpu.memory_space<vmem>>
      %dma_wait3A_279 = arith.constant 0 : i32
      %dma_wait3A_280 = arith.constant 0 : i32
      %dma_wait3A_281 = tpu.memref_slice %arg7[%dma_wait3A_279, %dma_wait3A_280] : memref<1536x64xi32, #tpu.memory_space<vmem_shared>> -> memref<1536x64xi32, #tpu.memory_space<vmem_shared>>
      tpu.wait_indirect_dma semaphore(%arg15 : memref<!tpu.dma_semaphore, #tpu.memory_space<semaphore_mem>>) src(%dma_wait3A_281 : memref<1536x64xi32, #tpu.memory_space<vmem_shared>>) dst(%dma_wait3A_275 : memref<128x64xi32, #tpu.memory_space<vmem>>)
      %dma_wait3A_282 = arith.constant 1 : i32
      %dma_wait3A_283 = arith.constant 1 : i32
      %dma_wait3A_284 = arith.constant 0 : i32
      %dma_wait3A_285 = arith.constant 0 : i32
      %dma_wait3A_286 = tpu.memref_slice %arg12[%dma_wait3A_283, %dma_wait3A_284, %dma_wait3A_285] : memref<2x128x64xi32, #tpu.memory_space<vmem>> -> memref<1x128x64xi32, #tpu.memory_space<vmem>>
      %dma_wait3A_287 = tpu.memref_squeeze %dma_wait3A_286 : memref<1x128x64xi32, #tpu.memory_space<vmem>> -> memref<128x64xi32, #tpu.memory_space<vmem>>
      %dma_wait3A_288 = arith.constant 0 : i32
      %dma_wait3A_289 = tpu.memref_slice %arg10[%dma_wait3A_282, %dma_wait3A_288] : memref<2x128xi32, #tpu.memory_space<vmem>> -> memref<1x128xi32, #tpu.memory_space<vmem>>
      %dma_wait3A_290 = tpu.memref_squeeze %dma_wait3A_289 : memref<1x128xi32, #tpu.memory_space<vmem>> -> memref<128xi32, #tpu.memory_space<vmem>>
      %dma_wait3A_291 = arith.constant 0 : i32
      %dma_wait3A_292 = arith.constant 0 : i32
      %dma_wait3A_293 = tpu.memref_slice %arg8[%dma_wait3A_291, %dma_wait3A_292] : memref<1536x64xi32, #tpu.memory_space<vmem_shared>> -> memref<1536x64xi32, #tpu.memory_space<vmem_shared>>
      tpu.wait_indirect_dma semaphore(%arg15 : memref<!tpu.dma_semaphore, #tpu.memory_space<semaphore_mem>>) src(%dma_wait3A_293 : memref<1536x64xi32, #tpu.memory_space<vmem_shared>>) dst(%dma_wait3A_287 : memref<128x64xi32, #tpu.memory_space<vmem>>)
      %lt3A_294 = arith.constant 31 : i32
      %lt3A_295 = arith.cmpi slt, %scan3A_204, %lt3A_294 : i32
      %convert_element_type3A_296 = arith.extui %lt3A_295 : i1 to i32
      %cond3A_297 = arith.constant 0 : i32
      %cond3A_298 = arith.cmpi ne, %convert_element_type3A_296, %cond3A_297 : i32
      scf.if %cond3A_298 {
        %add3A_331 = arith.constant 2 : i32
        %add3A_332 = arith.addi %add3A_269, %add3A_331 : i32
        %dma_start3A_333 = arith.constant 1 : i32
        %dma_start3A_334 = arith.constant 0 : i32
        %dma_start3A_335 = tpu.memref_slice %arg9[%dma_start3A_333, %dma_start3A_334] : memref<2x128xi32, #tpu.memory_space<vmem>> -> memref<1x128xi32, #tpu.memory_space<vmem>>
        %dma_start3A_336 = tpu.memref_squeeze %dma_start3A_335 : memref<1x128xi32, #tpu.memory_space<vmem>> -> memref<128xi32, #tpu.memory_space<vmem>>
        %dma_start3A_337 = arith.constant 0 : i32
        %dma_start3A_338 = tpu.memref_slice %arg4[%add3A, %add3A_332, %dma_start3A_337] : memref<32x64x128xi32, #tpu.memory_space<hbm>> -> memref<1x1x128xi32, #tpu.memory_space<hbm>>
        %dma_start3A_339 = tpu.memref_squeeze %dma_start3A_338 : memref<1x1x128xi32, #tpu.memory_space<hbm>> -> memref<128xi32, #tpu.memory_space<hbm>>
        %dma_start3A_340 = arith.constant 0 : i32
        %dma_start3A_341 = tpu.memref_slice %arg9[%dma_start3A_333, %dma_start3A_340] : memref<2x128xi32, #tpu.memory_space<vmem>> -> memref<1x128xi32, #tpu.memory_space<vmem>>
        %dma_start3A_342 = tpu.memref_squeeze %dma_start3A_341 : memref<1x128xi32, #tpu.memory_space<vmem>> -> memref<128xi32, #tpu.memory_space<vmem>>
        %dma_start3A_343 = arith.constant 0 : i32
        %dma_start3A_344 = tpu.memref_slice %arg4[%add3A, %add3A_332, %dma_start3A_343] : memref<32x64x128xi32, #tpu.memory_space<hbm>> -> memref<1x1x128xi32, #tpu.memory_space<hbm>>
        %dma_start3A_345 = tpu.memref_squeeze %dma_start3A_344 : memref<1x1x128xi32, #tpu.memory_space<hbm>> -> memref<128xi32, #tpu.memory_space<hbm>>
        tpu.enqueue_dma source(%dma_start3A_345 : memref<128xi32, #tpu.memory_space<hbm>>) target(%dma_start3A_342 : memref<128xi32, #tpu.memory_space<vmem>>) target_semaphore(%arg19 : memref<!tpu.dma_semaphore, #tpu.memory_space<semaphore_mem>>)
        %dma_start3A_346 = arith.constant 1 : i32
        %dma_start3A_347 = arith.constant 0 : i32
        %dma_start3A_348 = tpu.memref_slice %arg10[%dma_start3A_346, %dma_start3A_347] : memref<2x128xi32, #tpu.memory_space<vmem>> -> memref<1x128xi32, #tpu.memory_space<vmem>>
        %dma_start3A_349 = tpu.memref_squeeze %dma_start3A_348 : memref<1x128xi32, #tpu.memory_space<vmem>> -> memref<128xi32, #tpu.memory_space<vmem>>
        %dma_start3A_350 = arith.constant 0 : i32
        %dma_start3A_351 = tpu.memref_slice %arg5[%add3A, %add3A_332, %dma_start3A_350] : memref<32x64x128xi32, #tpu.memory_space<hbm>> -> memref<1x1x128xi32, #tpu.memory_space<hbm>>
        %dma_start3A_352 = tpu.memref_squeeze %dma_start3A_351 : memref<1x1x128xi32, #tpu.memory_space<hbm>> -> memref<128xi32, #tpu.memory_space<hbm>>
        %dma_start3A_353 = arith.constant 0 : i32
        %dma_start3A_354 = tpu.memref_slice %arg10[%dma_start3A_346, %dma_start3A_353] : memref<2x128xi32, #tpu.memory_space<vmem>> -> memref<1x128xi32, #tpu.memory_space<vmem>>
        %dma_start3A_355 = tpu.memref_squeeze %dma_start3A_354 : memref<1x128xi32, #tpu.memory_space<vmem>> -> memref<128xi32, #tpu.memory_space<vmem>>
        %dma_start3A_356 = arith.constant 0 : i32
        %dma_start3A_357 = tpu.memref_slice %arg5[%add3A, %add3A_332, %dma_start3A_356] : memref<32x64x128xi32, #tpu.memory_space<hbm>> -> memref<1x1x128xi32, #tpu.memory_space<hbm>>
        %dma_start3A_358 = tpu.memref_squeeze %dma_start3A_357 : memref<1x1x128xi32, #tpu.memory_space<hbm>> -> memref<128xi32, #tpu.memory_space<hbm>>
        tpu.enqueue_dma source(%dma_start3A_358 : memref<128xi32, #tpu.memory_space<hbm>>) target(%dma_start3A_355 : memref<128xi32, #tpu.memory_space<vmem>>) target_semaphore(%arg19 : memref<!tpu.dma_semaphore, #tpu.memory_space<semaphore_mem>>)
      } else {
      }
      %gt3A_299 = arith.constant 0 : i32
      %gt3A_300 = arith.cmpi sgt, %scan3A_204, %gt3A_299 : i32
      %convert_element_type3A_301 = arith.extui %gt3A_300 : i1 to i32
      %cond3A_302 = arith.constant 0 : i32
      %cond3A_303 = arith.cmpi ne, %convert_element_type3A_301, %cond3A_302 : i32
      scf.if %cond3A_303 {
        %sub3A = arith.constant 2 : i32
        %sub3A_331 = arith.subi %add3A_269, %sub3A : i32
        %mul3A_332 = arith.constant 128 : i32
        %mul3A_333 = arith.muli %sub3A_331, %mul3A_332 : i32
        %add3A_334 = arith.addi %mul3A_2, %mul3A_333 : i32
        %dma_wait3A_335 = arith.constant 1 : i32
        %dma_wait3A_336 = arith.constant 0 : i32
        %dma_wait3A_337 = arith.constant 0 : i32
        %dma_wait3A_338 = tpu.memref_slice %arg13[%dma_wait3A_335, %dma_wait3A_336, %dma_wait3A_337] : memref<2x128x128xf32, #tpu.memory_space<vmem>> -> memref<1x128x128xf32, #tpu.memory_space<vmem>>
        %dma_wait3A_339 = tpu.memref_squeeze %dma_wait3A_338 : memref<1x128x128xf32, #tpu.memory_space<vmem>> -> memref<128x128xf32, #tpu.memory_space<vmem>>
        %dma_wait3A_340 = arith.constant 0 : i32
        %dma_wait3A_341 = tpu.memref_slice %arg6[%add3A_334, %dma_wait3A_340] : memref<262144x128xf32, #tpu.memory_space<hbm>> -> memref<128x128xf32, #tpu.memory_space<hbm>>
        %dma_wait3A_342 = arith.constant 0 : i32
        %dma_wait3A_343 = tpu.memref_slice %arg6[%add3A_334, %dma_wait3A_342] : memref<262144x128xf32, #tpu.memory_space<hbm>> -> memref<128x128xf32, #tpu.memory_space<hbm>>
        %dma_wait3A_344 = arith.constant 0 : i32
        %dma_wait3A_345 = arith.constant 0 : i32
        %dma_wait3A_346 = tpu.memref_slice %arg13[%dma_wait3A_335, %dma_wait3A_344, %dma_wait3A_345] : memref<2x128x128xf32, #tpu.memory_space<vmem>> -> memref<1x128x128xf32, #tpu.memory_space<vmem>>
        %dma_wait3A_347 = tpu.memref_squeeze %dma_wait3A_346 : memref<1x128x128xf32, #tpu.memory_space<vmem>> -> memref<128x128xf32, #tpu.memory_space<vmem>>
        tpu.wait_dma2 semaphore(%arg17 : memref<!tpu.dma_semaphore, #tpu.memory_space<semaphore_mem>>) src(%dma_wait3A_347 : memref<128x128xf32, #tpu.memory_space<vmem>>) dst(%dma_wait3A_343 : memref<128x128xf32, #tpu.memory_space<hbm>>)
      } else {
      }
      %scan3A_304 = arith.constant 0 : i32
      %scan3A_305 = arith.constant 0 : i32
      %scan3A_306 = arith.constant 64 : i32
      %scan3A_307 = arith.addi %scan3A_305, %scan3A_306 : i32
      %scan3A_308 = arith.constant 1 : i32
      scf.for %scan3A_331 = %scan3A_305 to %scan3A_307 step %scan3A_308  : i32 {
        %mul3A_332 = arith.constant 2 : i32
        %mul3A_333 = arith.muli %mul3A_332, %scan3A_331 : i32
        %broadcast_in_dim3A = arith.constant 0.000000e+00 : f32
        %broadcast_in_dim3A_334 = vector.broadcast %broadcast_in_dim3A : f32 to vector<16xf32>
        %get3A = arith.constant 1 : i32
        %get3A_335 = arith.index_cast %get3A : i32 to index
        %get3A_336 = arith.index_cast %mul3A_333 : i32 to index
        %get3A_337 = arith.constant 0 : index
        %get3A_338 = tpu.vector_load %arg11[%get3A_335, %get3A_336, %get3A_337] {strides = array<i32>} : memref<2x128x64xi32, #tpu.memory_space<vmem>>, vector<1x1x16xi32>,
        %get3A_339 = vector.shape_cast %get3A_338 : vector<1x1x16xi32> to vector<16xi32>
        %shift_left3A = arith.constant 16 : i32
        %shift_left3A_340 = vector.broadcast %shift_left3A : i32 to vector<16xi32>
        %shift_left3A_341 = arith.shli %get3A_339, %shift_left3A_340 : vector<16xi32>
        %bitcast_convert_type3A = tpu.bitcast %shift_left3A_341 : vector<16xi32> -> vector<16xf32>
        %bitcast_convert_type3A_342 = tpu.bitcast %get3A_339 : vector<16xi32> -> vector<16xf32>
        %get3A_343 = arith.constant 1 : i32
        %get3A_344 = arith.index_cast %get3A_343 : i32 to index
        %get3A_345 = arith.index_cast %mul3A_333 : i32 to index
        %get3A_346 = arith.constant 0 : index
        %get3A_347 = tpu.vector_load %arg12[%get3A_344, %get3A_345, %get3A_346] {strides = array<i32>} : memref<2x128x64xi32, #tpu.memory_space<vmem>>, vector<1x1x16xi32>,
        %get3A_348 = vector.shape_cast %get3A_347 : vector<1x1x16xi32> to vector<16xi32>
        %shift_left3A_349 = arith.constant 16 : i32
        %shift_left3A_350 = vector.broadcast %shift_left3A_349 : i32 to vector<16xi32>
        %shift_left3A_351 = arith.shli %get3A_348, %shift_left3A_350 : vector<16xi32>
        %bitcast_convert_type3A_352 = tpu.bitcast %shift_left3A_351 : vector<16xi32> -> vector<16xf32>
        %bitcast_convert_type3A_353 = tpu.bitcast %get3A_348 : vector<16xi32> -> vector<16xf32>
        %mul3A_354 = arith.mulf %bitcast_convert_type3A, %bitcast_convert_type3A_352 : vector<16xf32>
        %mul3A_355 = arith.mulf %bitcast_convert_type3A_342, %bitcast_convert_type3A_353 : vector<16xf32>
        %mul3A_356 = arith.mulf %mul3A_354, %mul3A_354 : vector<16xf32>
        %add3A_357 = arith.addf %broadcast_in_dim3A_334, %mul3A_356 : vector<16xf32>
        %mul3A_358 = arith.mulf %mul3A_355, %mul3A_355 : vector<16xf32>
        %add3A_359 = arith.addf %add3A_357, %mul3A_358 : vector<16xf32>
        %get3A_360 = arith.constant 1 : i32
        %get3A_361 = arith.index_cast %get3A_360 : i32 to index
        %get3A_362 = arith.index_cast %mul3A_333 : i32 to index
        %get3A_363 = arith.constant 16 : index
        %get3A_364 = tpu.vector_load %arg11[%get3A_361, %get3A_362, %get3A_363] {strides = array<i32>} : memref<2x128x64xi32, #tpu.memory_space<vmem>>, vector<1x1x16xi32>,
        %get3A_365 = vector.shape_cast %get3A_364 : vector<1x1x16xi32> to vector<16xi32>
        %shift_left3A_366 = arith.constant 16 : i32
        %shift_left3A_367 = vector.broadcast %shift_left3A_366 : i32 to vector<16xi32>
        %shift_left3A_368 = arith.shli %get3A_365, %shift_left3A_367 : vector<16xi32>
        %bitcast_convert_type3A_369 = tpu.bitcast %shift_left3A_368 : vector<16xi32> -> vector<16xf32>
        %bitcast_convert_type3A_370 = tpu.bitcast %get3A_365 : vector<16xi32> -> vector<16xf32>
        %get3A_371 = arith.constant 1 : i32
        %get3A_372 = arith.index_cast %get3A_371 : i32 to index
        %get3A_373 = arith.index_cast %mul3A_333 : i32 to index
        %get3A_374 = arith.constant 16 : index
        %get3A_375 = tpu.vector_load %arg12[%get3A_372, %get3A_373, %get3A_374] {strides = array<i32>} : memref<2x128x64xi32, #tpu.memory_space<vmem>>, vector<1x1x16xi32>,
        %get3A_376 = vector.shape_cast %get3A_375 : vector<1x1x16xi32> to vector<16xi32>
        %shift_left3A_377 = arith.constant 16 : i32
        %shift_left3A_378 = vector.broadcast %shift_left3A_377 : i32 to vector<16xi32>
        %shift_left3A_379 = arith.shli %get3A_376, %shift_left3A_378 : vector<16xi32>
        %bitcast_convert_type3A_380 = tpu.bitcast %shift_left3A_379 : vector<16xi32> -> vector<16xf32>
        %bitcast_convert_type3A_381 = tpu.bitcast %get3A_376 : vector<16xi32> -> vector<16xf32>
        %mul3A_382 = arith.mulf %bitcast_convert_type3A_369, %bitcast_convert_type3A_380 : vector<16xf32>
        %mul3A_383 = arith.mulf %bitcast_convert_type3A_370, %bitcast_convert_type3A_381 : vector<16xf32>
        %mul3A_384 = arith.mulf %mul3A_382, %mul3A_382 : vector<16xf32>
        %add3A_385 = arith.addf %add3A_359, %mul3A_384 : vector<16xf32>
        %mul3A_386 = arith.mulf %mul3A_383, %mul3A_383 : vector<16xf32>
        %add3A_387 = arith.addf %add3A_385, %mul3A_386 : vector<16xf32>
        %get3A_388 = arith.constant 1 : i32
        %get3A_389 = arith.index_cast %get3A_388 : i32 to index
        %get3A_390 = arith.index_cast %mul3A_333 : i32 to index
        %get3A_391 = arith.constant 32 : index
        %get3A_392 = tpu.vector_load %arg11[%get3A_389, %get3A_390, %get3A_391] {strides = array<i32>} : memref<2x128x64xi32, #tpu.memory_space<vmem>>, vector<1x1x16xi32>,
        %get3A_393 = vector.shape_cast %get3A_392 : vector<1x1x16xi32> to vector<16xi32>
        %shift_left3A_394 = arith.constant 16 : i32
        %shift_left3A_395 = vector.broadcast %shift_left3A_394 : i32 to vector<16xi32>
        %shift_left3A_396 = arith.shli %get3A_393, %shift_left3A_395 : vector<16xi32>
        %bitcast_convert_type3A_397 = tpu.bitcast %shift_left3A_396 : vector<16xi32> -> vector<16xf32>
        %bitcast_convert_type3A_398 = tpu.bitcast %get3A_393 : vector<16xi32> -> vector<16xf32>
        %get3A_399 = arith.constant 1 : i32
        %get3A_400 = arith.index_cast %get3A_399 : i32 to index
        %get3A_401 = arith.index_cast %mul3A_333 : i32 to index
        %get3A_402 = arith.constant 32 : index
        %get3A_403 = tpu.vector_load %arg12[%get3A_400, %get3A_401, %get3A_402] {strides = array<i32>} : memref<2x128x64xi32, #tpu.memory_space<vmem>>, vector<1x1x16xi32>,
        %get3A_404 = vector.shape_cast %get3A_403 : vector<1x1x16xi32> to vector<16xi32>
        %shift_left3A_405 = arith.constant 16 : i32
        %shift_left3A_406 = vector.broadcast %shift_left3A_405 : i32 to vector<16xi32>
        %shift_left3A_407 = arith.shli %get3A_404, %shift_left3A_406 : vector<16xi32>
        %bitcast_convert_type3A_408 = tpu.bitcast %shift_left3A_407 : vector<16xi32> -> vector<16xf32>
        %bitcast_convert_type3A_409 = tpu.bitcast %get3A_404 : vector<16xi32> -> vector<16xf32>
        %mul3A_410 = arith.mulf %bitcast_convert_type3A_397, %bitcast_convert_type3A_408 : vector<16xf32>
        %mul3A_411 = arith.mulf %bitcast_convert_type3A_398, %bitcast_convert_type3A_409 : vector<16xf32>
        %mul3A_412 = arith.mulf %mul3A_410, %mul3A_410 : vector<16xf32>
        %add3A_413 = arith.addf %add3A_387, %mul3A_412 : vector<16xf32>
        %mul3A_414 = arith.mulf %mul3A_411, %mul3A_411 : vector<16xf32>
        %add3A_415 = arith.addf %add3A_413, %mul3A_414 : vector<16xf32>
        %get3A_416 = arith.constant 1 : i32
        %get3A_417 = arith.index_cast %get3A_416 : i32 to index
        %get3A_418 = arith.index_cast %mul3A_333 : i32 to index
        %get3A_419 = arith.constant 48 : index
        %get3A_420 = tpu.vector_load %arg11[%get3A_417, %get3A_418, %get3A_419] {strides = array<i32>} : memref<2x128x64xi32, #tpu.memory_space<vmem>>, vector<1x1x16xi32>,
        %get3A_421 = vector.shape_cast %get3A_420 : vector<1x1x16xi32> to vector<16xi32>
        %shift_left3A_422 = arith.constant 16 : i32
        %shift_left3A_423 = vector.broadcast %shift_left3A_422 : i32 to vector<16xi32>
        %shift_left3A_424 = arith.shli %get3A_421, %shift_left3A_423 : vector<16xi32>
        %bitcast_convert_type3A_425 = tpu.bitcast %shift_left3A_424 : vector<16xi32> -> vector<16xf32>
        %bitcast_convert_type3A_426 = tpu.bitcast %get3A_421 : vector<16xi32> -> vector<16xf32>
        %get3A_427 = arith.constant 1 : i32
        %get3A_428 = arith.index_cast %get3A_427 : i32 to index
        %get3A_429 = arith.index_cast %mul3A_333 : i32 to index
        %get3A_430 = arith.constant 48 : index
        %get3A_431 = tpu.vector_load %arg12[%get3A_428, %get3A_429, %get3A_430] {strides = array<i32>} : memref<2x128x64xi32, #tpu.memory_space<vmem>>, vector<1x1x16xi32>,
        %get3A_432 = vector.shape_cast %get3A_431 : vector<1x1x16xi32> to vector<16xi32>
        %shift_left3A_433 = arith.constant 16 : i32
        %shift_left3A_434 = vector.broadcast %shift_left3A_433 : i32 to vector<16xi32>
        %shift_left3A_435 = arith.shli %get3A_432, %shift_left3A_434 : vector<16xi32>
        %bitcast_convert_type3A_436 = tpu.bitcast %shift_left3A_435 : vector<16xi32> -> vector<16xf32>
        %bitcast_convert_type3A_437 = tpu.bitcast %get3A_432 : vector<16xi32> -> vector<16xf32>
        %mul3A_438 = arith.mulf %bitcast_convert_type3A_425, %bitcast_convert_type3A_436 : vector<16xf32>
        %mul3A_439 = arith.mulf %bitcast_convert_type3A_426, %bitcast_convert_type3A_437 : vector<16xf32>
        %mul3A_440 = arith.mulf %mul3A_438, %mul3A_438 : vector<16xf32>
        %add3A_441 = arith.addf %add3A_415, %mul3A_440 : vector<16xf32>
        %mul3A_442 = arith.mulf %mul3A_439, %mul3A_439 : vector<16xf32>
        %add3A_443 = arith.addf %add3A_441, %mul3A_442 : vector<16xf32>
        %iota3A = tpu.iota {dimensions = array<i32: 0>} : vector<16xi32>
        %xor3A = arith.constant 1 : i32
        %xor3A_444 = vector.broadcast %xor3A : i32 to vector<16xi32>
        %xor3A_445 = arith.xori %iota3A, %xor3A_444 : vector<16xi32>
        %reshape3A = vector.shape_cast %xor3A_445 : vector<16xi32> to vector<16x1xi32>
        %gather3A = vector.shape_cast %reshape3A : vector<16x1xi32> to vector<16xi32>
        %gather3A_446 = tpu.dynamic_gather %add3A_443[%gather3A] in [0] : vector<16xf32>, vector<16xi32> -> vector<16xf32>
        %add3A_447 = arith.addf %add3A_443, %gather3A_446 : vector<16xf32>
        %xor3A_448 = arith.constant 2 : i32
        %xor3A_449 = vector.broadcast %xor3A_448 : i32 to vector<16xi32>
        %xor3A_450 = arith.xori %iota3A, %xor3A_449 : vector<16xi32>
        %reshape3A_451 = vector.shape_cast %xor3A_450 : vector<16xi32> to vector<16x1xi32>
        %gather3A_452 = vector.shape_cast %reshape3A_451 : vector<16x1xi32> to vector<16xi32>
        %gather3A_453 = tpu.dynamic_gather %add3A_447[%gather3A_452] in [0] : vector<16xf32>, vector<16xi32> -> vector<16xf32>
        %add3A_454 = arith.addf %add3A_447, %gather3A_453 : vector<16xf32>
        %xor3A_455 = arith.constant 4 : i32
        %xor3A_456 = vector.broadcast %xor3A_455 : i32 to vector<16xi32>
        %xor3A_457 = arith.xori %iota3A, %xor3A_456 : vector<16xi32>
        %reshape3A_458 = vector.shape_cast %xor3A_457 : vector<16xi32> to vector<16x1xi32>
        %gather3A_459 = vector.shape_cast %reshape3A_458 : vector<16x1xi32> to vector<16xi32>
        %gather3A_460 = tpu.dynamic_gather %add3A_454[%gather3A_459] in [0] : vector<16xf32>, vector<16xi32> -> vector<16xf32>
        %add3A_461 = arith.addf %add3A_454, %gather3A_460 : vector<16xf32>
        %xor3A_462 = arith.constant 8 : i32
        %xor3A_463 = vector.broadcast %xor3A_462 : i32 to vector<16xi32>
        %xor3A_464 = arith.xori %iota3A, %xor3A_463 : vector<16xi32>
        %reshape3A_465 = vector.shape_cast %xor3A_464 : vector<16xi32> to vector<16x1xi32>
        %gather3A_466 = vector.shape_cast %reshape3A_465 : vector<16x1xi32> to vector<16xi32>
        %gather3A_467 = tpu.dynamic_gather %add3A_461[%gather3A_466] in [0] : vector<16xf32>, vector<16xi32> -> vector<16xf32>
        %add3A_468 = arith.addf %add3A_461, %gather3A_467 : vector<16xf32>
        %bitcast_convert_type3A_469 = tpu.bitcast %add3A_468 : vector<16xf32> -> vector<16xi32>
        %shift_right_logical3A = arith.constant 1 : i32
        %shift_right_logical3A_470 = vector.broadcast %shift_right_logical3A : i32 to vector<16xi32>
        %shift_right_logical3A_471 = arith.shrui %bitcast_convert_type3A_469, %shift_right_logical3A_470 : vector<16xi32>
        %sub3A = arith.constant 1597463007 : i32
        %sub3A_472 = vector.broadcast %sub3A : i32 to vector<16xi32>
        %sub3A_473 = arith.subi %sub3A_472, %shift_right_logical3A_471 : vector<16xi32>
        %bitcast_convert_type3A_474 = tpu.bitcast %sub3A_473 : vector<16xi32> -> vector<16xf32>
        %mul3A_475 = arith.constant 5.000000e-01 : f32
        %mul3A_476 = vector.broadcast %mul3A_475 : f32 to vector<16xf32>
        %mul3A_477 = arith.mulf %add3A_468, %mul3A_476 : vector<16xf32>
        %mul3A_478 = arith.mulf %mul3A_477, %bitcast_convert_type3A_474 : vector<16xf32>
        %mul3A_479 = arith.mulf %mul3A_478, %bitcast_convert_type3A_474 : vector<16xf32>
        %sub3A_480 = arith.constant 1.500000e+00 : f32
        %sub3A_481 = vector.broadcast %sub3A_480 : f32 to vector<16xf32>
        %sub3A_482 = arith.subf %sub3A_481, %mul3A_479 : vector<16xf32>
        %mul3A_483 = arith.mulf %bitcast_convert_type3A_474, %sub3A_482 : vector<16xf32>
        %mul3A_484 = arith.mulf %mul3A_477, %mul3A_483 : vector<16xf32>
        %mul3A_485 = arith.mulf %mul3A_484, %mul3A_483 : vector<16xf32>
        %sub3A_486 = arith.constant 1.500000e+00 : f32
        %sub3A_487 = vector.broadcast %sub3A_486 : f32 to vector<16xf32>
        %sub3A_488 = arith.subf %sub3A_487, %mul3A_485 : vector<16xf32>
        %mul3A_489 = arith.mulf %mul3A_483, %sub3A_488 : vector<16xf32>
        %mul3A_490 = arith.mulf %mul3A_354, %mul3A_489 : vector<16xf32>
        %swap3A = arith.constant 1 : i32
        %swap3A_491 = arith.index_cast %swap3A : i32 to index
        %swap3A_492 = arith.index_cast %mul3A_333 : i32 to index
        %swap3A_493 = arith.constant 0 : index
        %swap3A_494 = tpu.vector_load %arg13[%swap3A_491, %swap3A_492, %swap3A_493] {strides = array<i32>} : memref<2x128x128xf32, #tpu.memory_space<vmem>>, vector<1x1x16xf32>,
        %swap3A_495 = vector.shape_cast %swap3A_494 : vector<1x1x16xf32> to vector<16xf32>
        %swap3A_496 = vector.shape_cast %mul3A_490 : vector<16xf32> to vector<1x1x16xf32>
        tpu.vector_store %arg13[%swap3A_491, %swap3A_492, %swap3A_493], %swap3A_496 {strides = array<i32>} : memref<2x128x128xf32, #tpu.memory_space<vmem>>, vector<1x1x16xf32>,
        %mul3A_497 = arith.mulf %mul3A_355, %mul3A_489 : vector<16xf32>
        %swap3A_498 = arith.constant 1 : i32
        %swap3A_499 = arith.index_cast %swap3A_498 : i32 to index
        %swap3A_500 = arith.index_cast %mul3A_333 : i32 to index
        %swap3A_501 = arith.constant 16 : index
        %swap3A_502 = tpu.vector_load %arg13[%swap3A_499, %swap3A_500, %swap3A_501] {strides = array<i32>} : memref<2x128x128xf32, #tpu.memory_space<vmem>>, vector<1x1x16xf32>,
        %swap3A_503 = vector.shape_cast %swap3A_502 : vector<1x1x16xf32> to vector<16xf32>
        %swap3A_504 = vector.shape_cast %mul3A_497 : vector<16xf32> to vector<1x1x16xf32>
        tpu.vector_store %arg13[%swap3A_499, %swap3A_500, %swap3A_501], %swap3A_504 {strides = array<i32>} : memref<2x128x128xf32, #tpu.memory_space<vmem>>, vector<1x1x16xf32>,
        %mul3A_505 = arith.mulf %mul3A_382, %mul3A_489 : vector<16xf32>
        %swap3A_506 = arith.constant 1 : i32
        %swap3A_507 = arith.index_cast %swap3A_506 : i32 to index
        %swap3A_508 = arith.index_cast %mul3A_333 : i32 to index
        %swap3A_509 = arith.constant 32 : index
        %swap3A_510 = tpu.vector_load %arg13[%swap3A_507, %swap3A_508, %swap3A_509] {strides = array<i32>} : memref<2x128x128xf32, #tpu.memory_space<vmem>>, vector<1x1x16xf32>,
        %swap3A_511 = vector.shape_cast %swap3A_510 : vector<1x1x16xf32> to vector<16xf32>
        %swap3A_512 = vector.shape_cast %mul3A_505 : vector<16xf32> to vector<1x1x16xf32>
        tpu.vector_store %arg13[%swap3A_507, %swap3A_508, %swap3A_509], %swap3A_512 {strides = array<i32>} : memref<2x128x128xf32, #tpu.memory_space<vmem>>, vector<1x1x16xf32>,
        %mul3A_513 = arith.mulf %mul3A_383, %mul3A_489 : vector<16xf32>
        %swap3A_514 = arith.constant 1 : i32
        %swap3A_515 = arith.index_cast %swap3A_514 : i32 to index
        %swap3A_516 = arith.index_cast %mul3A_333 : i32 to index
        %swap3A_517 = arith.constant 48 : index
        %swap3A_518 = tpu.vector_load %arg13[%swap3A_515, %swap3A_516, %swap3A_517] {strides = array<i32>} : memref<2x128x128xf32, #tpu.memory_space<vmem>>, vector<1x1x16xf32>,
        %swap3A_519 = vector.shape_cast %swap3A_518 : vector<1x1x16xf32> to vector<16xf32>
        %swap3A_520 = vector.shape_cast %mul3A_513 : vector<16xf32> to vector<1x1x16xf32>
        tpu.vector_store %arg13[%swap3A_515, %swap3A_516, %swap3A_517], %swap3A_520 {strides = array<i32>} : memref<2x128x128xf32, #tpu.memory_space<vmem>>, vector<1x1x16xf32>,
        %mul3A_521 = arith.mulf %mul3A_410, %mul3A_489 : vector<16xf32>
        %swap3A_522 = arith.constant 1 : i32
        %swap3A_523 = arith.index_cast %swap3A_522 : i32 to index
        %swap3A_524 = arith.index_cast %mul3A_333 : i32 to index
        %swap3A_525 = arith.constant 64 : index
        %swap3A_526 = tpu.vector_load %arg13[%swap3A_523, %swap3A_524, %swap3A_525] {strides = array<i32>} : memref<2x128x128xf32, #tpu.memory_space<vmem>>, vector<1x1x16xf32>,
        %swap3A_527 = vector.shape_cast %swap3A_526 : vector<1x1x16xf32> to vector<16xf32>
        %swap3A_528 = vector.shape_cast %mul3A_521 : vector<16xf32> to vector<1x1x16xf32>
        tpu.vector_store %arg13[%swap3A_523, %swap3A_524, %swap3A_525], %swap3A_528 {strides = array<i32>} : memref<2x128x128xf32, #tpu.memory_space<vmem>>, vector<1x1x16xf32>,
        %mul3A_529 = arith.mulf %mul3A_411, %mul3A_489 : vector<16xf32>
        %swap3A_530 = arith.constant 1 : i32
        %swap3A_531 = arith.index_cast %swap3A_530 : i32 to index
        %swap3A_532 = arith.index_cast %mul3A_333 : i32 to index
        %swap3A_533 = arith.constant 80 : index
        %swap3A_534 = tpu.vector_load %arg13[%swap3A_531, %swap3A_532, %swap3A_533] {strides = array<i32>} : memref<2x128x128xf32, #tpu.memory_space<vmem>>, vector<1x1x16xf32>,
        %swap3A_535 = vector.shape_cast %swap3A_534 : vector<1x1x16xf32> to vector<16xf32>
        %swap3A_536 = vector.shape_cast %mul3A_529 : vector<16xf32> to vector<1x1x16xf32>
        tpu.vector_store %arg13[%swap3A_531, %swap3A_532, %swap3A_533], %swap3A_536 {strides = array<i32>} : memref<2x128x128xf32, #tpu.memory_space<vmem>>, vector<1x1x16xf32>,
        %mul3A_537 = arith.mulf %mul3A_438, %mul3A_489 : vector<16xf32>
        %swap3A_538 = arith.constant 1 : i32
        %swap3A_539 = arith.index_cast %swap3A_538 : i32 to index
        %swap3A_540 = arith.index_cast %mul3A_333 : i32 to index
        %swap3A_541 = arith.constant 96 : index
        %swap3A_542 = tpu.vector_load %arg13[%swap3A_539, %swap3A_540, %swap3A_541] {strides = array<i32>} : memref<2x128x128xf32, #tpu.memory_space<vmem>>, vector<1x1x16xf32>,
        %swap3A_543 = vector.shape_cast %swap3A_542 : vector<1x1x16xf32> to vector<16xf32>
        %swap3A_544 = vector.shape_cast %mul3A_537 : vector<16xf32> to vector<1x1x16xf32>
        tpu.vector_store %arg13[%swap3A_539, %swap3A_540, %swap3A_541], %swap3A_544 {strides = array<i32>} : memref<2x128x128xf32, #tpu.memory_space<vmem>>, vector<1x1x16xf32>,
        %mul3A_545 = arith.mulf %mul3A_439, %mul3A_489 : vector<16xf32>
        %swap3A_546 = arith.constant 1 : i32
        %swap3A_547 = arith.index_cast %swap3A_546 : i32 to index
        %swap3A_548 = arith.index_cast %mul3A_333 : i32 to index
        %swap3A_549 = arith.constant 112 : index
        %swap3A_550 = tpu.vector_load %arg13[%swap3A_547, %swap3A_548, %swap3A_549] {strides = array<i32>} : memref<2x128x128xf32, #tpu.memory_space<vmem>>, vector<1x1x16xf32>,
        %swap3A_551 = vector.shape_cast %swap3A_550 : vector<1x1x16xf32> to vector<16xf32>
        %swap3A_552 = vector.shape_cast %mul3A_545 : vector<16xf32> to vector<1x1x16xf32>
        tpu.vector_store %arg13[%swap3A_547, %swap3A_548, %swap3A_549], %swap3A_552 {strides = array<i32>} : memref<2x128x128xf32, #tpu.memory_space<vmem>>, vector<1x1x16xf32>,
        %mul3A_553 = arith.constant 2 : i32
        %mul3A_554 = arith.muli %mul3A_553, %scan3A_331 : i32
        %add3A_555 = arith.constant 1 : i32
        %add3A_556 = arith.addi %mul3A_554, %add3A_555 : i32
        %broadcast_in_dim3A_557 = arith.constant 0.000000e+00 : f32
        %broadcast_in_dim3A_558 = vector.broadcast %broadcast_in_dim3A_557 : f32 to vector<16xf32>
        %get3A_559 = arith.constant 1 : i32
        %get3A_560 = arith.index_cast %get3A_559 : i32 to index
        %get3A_561 = arith.index_cast %add3A_556 : i32 to index
        %get3A_562 = arith.constant 0 : index
        %get3A_563 = tpu.vector_load %arg11[%get3A_560, %get3A_561, %get3A_562] {strides = array<i32>} : memref<2x128x64xi32, #tpu.memory_space<vmem>>, vector<1x1x16xi32>,
        %get3A_564 = vector.shape_cast %get3A_563 : vector<1x1x16xi32> to vector<16xi32>
        %shift_left3A_565 = arith.constant 16 : i32
        %shift_left3A_566 = vector.broadcast %shift_left3A_565 : i32 to vector<16xi32>
        %shift_left3A_567 = arith.shli %get3A_564, %shift_left3A_566 : vector<16xi32>
        %bitcast_convert_type3A_568 = tpu.bitcast %shift_left3A_567 : vector<16xi32> -> vector<16xf32>
        %bitcast_convert_type3A_569 = tpu.bitcast %get3A_564 : vector<16xi32> -> vector<16xf32>
        %get3A_570 = arith.constant 1 : i32
        %get3A_571 = arith.index_cast %get3A_570 : i32 to index
        %get3A_572 = arith.index_cast %add3A_556 : i32 to index
        %get3A_573 = arith.constant 0 : index
        %get3A_574 = tpu.vector_load %arg12[%get3A_571, %get3A_572, %get3A_573] {strides = array<i32>} : memref<2x128x64xi32, #tpu.memory_space<vmem>>, vector<1x1x16xi32>,
        %get3A_575 = vector.shape_cast %get3A_574 : vector<1x1x16xi32> to vector<16xi32>
        %shift_left3A_576 = arith.constant 16 : i32
        %shift_left3A_577 = vector.broadcast %shift_left3A_576 : i32 to vector<16xi32>
        %shift_left3A_578 = arith.shli %get3A_575, %shift_left3A_577 : vector<16xi32>
        %bitcast_convert_type3A_579 = tpu.bitcast %shift_left3A_578 : vector<16xi32> -> vector<16xf32>
        %bitcast_convert_type3A_580 = tpu.bitcast %get3A_575 : vector<16xi32> -> vector<16xf32>
        %mul3A_581 = arith.mulf %bitcast_convert_type3A_568, %bitcast_convert_type3A_579 : vector<16xf32>
        %mul3A_582 = arith.mulf %bitcast_convert_type3A_569, %bitcast_convert_type3A_580 : vector<16xf32>
        %mul3A_583 = arith.mulf %mul3A_581, %mul3A_581 : vector<16xf32>
        %add3A_584 = arith.addf %broadcast_in_dim3A_558, %mul3A_583 : vector<16xf32>
        %mul3A_585 = arith.mulf %mul3A_582, %mul3A_582 : vector<16xf32>
        %add3A_586 = arith.addf %add3A_584, %mul3A_585 : vector<16xf32>
        %get3A_587 = arith.constant 1 : i32
        %get3A_588 = arith.index_cast %get3A_587 : i32 to index
        %get3A_589 = arith.index_cast %add3A_556 : i32 to index
        %get3A_590 = arith.constant 16 : index
        %get3A_591 = tpu.vector_load %arg11[%get3A_588, %get3A_589, %get3A_590] {strides = array<i32>} : memref<2x128x64xi32, #tpu.memory_space<vmem>>, vector<1x1x16xi32>,
        %get3A_592 = vector.shape_cast %get3A_591 : vector<1x1x16xi32> to vector<16xi32>
        %shift_left3A_593 = arith.constant 16 : i32
        %shift_left3A_594 = vector.broadcast %shift_left3A_593 : i32 to vector<16xi32>
        %shift_left3A_595 = arith.shli %get3A_592, %shift_left3A_594 : vector<16xi32>
        %bitcast_convert_type3A_596 = tpu.bitcast %shift_left3A_595 : vector<16xi32> -> vector<16xf32>
        %bitcast_convert_type3A_597 = tpu.bitcast %get3A_592 : vector<16xi32> -> vector<16xf32>
        %get3A_598 = arith.constant 1 : i32
        %get3A_599 = arith.index_cast %get3A_598 : i32 to index
        %get3A_600 = arith.index_cast %add3A_556 : i32 to index
        %get3A_601 = arith.constant 16 : index
        %get3A_602 = tpu.vector_load %arg12[%get3A_599, %get3A_600, %get3A_601] {strides = array<i32>} : memref<2x128x64xi32, #tpu.memory_space<vmem>>, vector<1x1x16xi32>,
        %get3A_603 = vector.shape_cast %get3A_602 : vector<1x1x16xi32> to vector<16xi32>
        %shift_left3A_604 = arith.constant 16 : i32
        %shift_left3A_605 = vector.broadcast %shift_left3A_604 : i32 to vector<16xi32>
        %shift_left3A_606 = arith.shli %get3A_603, %shift_left3A_605 : vector<16xi32>
        %bitcast_convert_type3A_607 = tpu.bitcast %shift_left3A_606 : vector<16xi32> -> vector<16xf32>
        %bitcast_convert_type3A_608 = tpu.bitcast %get3A_603 : vector<16xi32> -> vector<16xf32>
        %mul3A_609 = arith.mulf %bitcast_convert_type3A_596, %bitcast_convert_type3A_607 : vector<16xf32>
        %mul3A_610 = arith.mulf %bitcast_convert_type3A_597, %bitcast_convert_type3A_608 : vector<16xf32>
        %mul3A_611 = arith.mulf %mul3A_609, %mul3A_609 : vector<16xf32>
        %add3A_612 = arith.addf %add3A_586, %mul3A_611 : vector<16xf32>
        %mul3A_613 = arith.mulf %mul3A_610, %mul3A_610 : vector<16xf32>
        %add3A_614 = arith.addf %add3A_612, %mul3A_613 : vector<16xf32>
        %get3A_615 = arith.constant 1 : i32
        %get3A_616 = arith.index_cast %get3A_615 : i32 to index
        %get3A_617 = arith.index_cast %add3A_556 : i32 to index
        %get3A_618 = arith.constant 32 : index
        %get3A_619 = tpu.vector_load %arg11[%get3A_616, %get3A_617, %get3A_618] {strides = array<i32>} : memref<2x128x64xi32, #tpu.memory_space<vmem>>, vector<1x1x16xi32>,
        %get3A_620 = vector.shape_cast %get3A_619 : vector<1x1x16xi32> to vector<16xi32>
        %shift_left3A_621 = arith.constant 16 : i32
        %shift_left3A_622 = vector.broadcast %shift_left3A_621 : i32 to vector<16xi32>
        %shift_left3A_623 = arith.shli %get3A_620, %shift_left3A_622 : vector<16xi32>
        %bitcast_convert_type3A_624 = tpu.bitcast %shift_left3A_623 : vector<16xi32> -> vector<16xf32>
        %bitcast_convert_type3A_625 = tpu.bitcast %get3A_620 : vector<16xi32> -> vector<16xf32>
        %get3A_626 = arith.constant 1 : i32
        %get3A_627 = arith.index_cast %get3A_626 : i32 to index
        %get3A_628 = arith.index_cast %add3A_556 : i32 to index
        %get3A_629 = arith.constant 32 : index
        %get3A_630 = tpu.vector_load %arg12[%get3A_627, %get3A_628, %get3A_629] {strides = array<i32>} : memref<2x128x64xi32, #tpu.memory_space<vmem>>, vector<1x1x16xi32>,
        %get3A_631 = vector.shape_cast %get3A_630 : vector<1x1x16xi32> to vector<16xi32>
        %shift_left3A_632 = arith.constant 16 : i32
        %shift_left3A_633 = vector.broadcast %shift_left3A_632 : i32 to vector<16xi32>
        %shift_left3A_634 = arith.shli %get3A_631, %shift_left3A_633 : vector<16xi32>
        %bitcast_convert_type3A_635 = tpu.bitcast %shift_left3A_634 : vector<16xi32> -> vector<16xf32>
        %bitcast_convert_type3A_636 = tpu.bitcast %get3A_631 : vector<16xi32> -> vector<16xf32>
        %mul3A_637 = arith.mulf %bitcast_convert_type3A_624, %bitcast_convert_type3A_635 : vector<16xf32>
        %mul3A_638 = arith.mulf %bitcast_convert_type3A_625, %bitcast_convert_type3A_636 : vector<16xf32>
        %mul3A_639 = arith.mulf %mul3A_637, %mul3A_637 : vector<16xf32>
        %add3A_640 = arith.addf %add3A_614, %mul3A_639 : vector<16xf32>
        %mul3A_641 = arith.mulf %mul3A_638, %mul3A_638 : vector<16xf32>
        %add3A_642 = arith.addf %add3A_640, %mul3A_641 : vector<16xf32>
        %get3A_643 = arith.constant 1 : i32
        %get3A_644 = arith.index_cast %get3A_643 : i32 to index
        %get3A_645 = arith.index_cast %add3A_556 : i32 to index
        %get3A_646 = arith.constant 48 : index
        %get3A_647 = tpu.vector_load %arg11[%get3A_644, %get3A_645, %get3A_646] {strides = array<i32>} : memref<2x128x64xi32, #tpu.memory_space<vmem>>, vector<1x1x16xi32>,
        %get3A_648 = vector.shape_cast %get3A_647 : vector<1x1x16xi32> to vector<16xi32>
        %shift_left3A_649 = arith.constant 16 : i32
        %shift_left3A_650 = vector.broadcast %shift_left3A_649 : i32 to vector<16xi32>
        %shift_left3A_651 = arith.shli %get3A_648, %shift_left3A_650 : vector<16xi32>
        %bitcast_convert_type3A_652 = tpu.bitcast %shift_left3A_651 : vector<16xi32> -> vector<16xf32>
        %bitcast_convert_type3A_653 = tpu.bitcast %get3A_648 : vector<16xi32> -> vector<16xf32>
        %get3A_654 = arith.constant 1 : i32
        %get3A_655 = arith.index_cast %get3A_654 : i32 to index
        %get3A_656 = arith.index_cast %add3A_556 : i32 to index
        %get3A_657 = arith.constant 48 : index
        %get3A_658 = tpu.vector_load %arg12[%get3A_655, %get3A_656, %get3A_657] {strides = array<i32>} : memref<2x128x64xi32, #tpu.memory_space<vmem>>, vector<1x1x16xi32>,
        %get3A_659 = vector.shape_cast %get3A_658 : vector<1x1x16xi32> to vector<16xi32>
        %shift_left3A_660 = arith.constant 16 : i32
        %shift_left3A_661 = vector.broadcast %shift_left3A_660 : i32 to vector<16xi32>
        %shift_left3A_662 = arith.shli %get3A_659, %shift_left3A_661 : vector<16xi32>
        %bitcast_convert_type3A_663 = tpu.bitcast %shift_left3A_662 : vector<16xi32> -> vector<16xf32>
        %bitcast_convert_type3A_664 = tpu.bitcast %get3A_659 : vector<16xi32> -> vector<16xf32>
        %mul3A_665 = arith.mulf %bitcast_convert_type3A_652, %bitcast_convert_type3A_663 : vector<16xf32>
        %mul3A_666 = arith.mulf %bitcast_convert_type3A_653, %bitcast_convert_type3A_664 : vector<16xf32>
        %mul3A_667 = arith.mulf %mul3A_665, %mul3A_665 : vector<16xf32>
        %add3A_668 = arith.addf %add3A_642, %mul3A_667 : vector<16xf32>
        %mul3A_669 = arith.mulf %mul3A_666, %mul3A_666 : vector<16xf32>
        %add3A_670 = arith.addf %add3A_668, %mul3A_669 : vector<16xf32>
        %iota3A_671 = tpu.iota {dimensions = array<i32: 0>} : vector<16xi32>
        %xor3A_672 = arith.constant 1 : i32
        %xor3A_673 = vector.broadcast %xor3A_672 : i32 to vector<16xi32>
        %xor3A_674 = arith.xori %iota3A_671, %xor3A_673 : vector<16xi32>
        %reshape3A_675 = vector.shape_cast %xor3A_674 : vector<16xi32> to vector<16x1xi32>
        %gather3A_676 = vector.shape_cast %reshape3A_675 : vector<16x1xi32> to vector<16xi32>
        %gather3A_677 = tpu.dynamic_gather %add3A_670[%gather3A_676] in [0] : vector<16xf32>, vector<16xi32> -> vector<16xf32>
        %add3A_678 = arith.addf %add3A_670, %gather3A_677 : vector<16xf32>
        %xor3A_679 = arith.constant 2 : i32
        %xor3A_680 = vector.broadcast %xor3A_679 : i32 to vector<16xi32>
        %xor3A_681 = arith.xori %iota3A_671, %xor3A_680 : vector<16xi32>
        %reshape3A_682 = vector.shape_cast %xor3A_681 : vector<16xi32> to vector<16x1xi32>
        %gather3A_683 = vector.shape_cast %reshape3A_682 : vector<16x1xi32> to vector<16xi32>
        %gather3A_684 = tpu.dynamic_gather %add3A_678[%gather3A_683] in [0] : vector<16xf32>, vector<16xi32> -> vector<16xf32>
        %add3A_685 = arith.addf %add3A_678, %gather3A_684 : vector<16xf32>
        %xor3A_686 = arith.constant 4 : i32
        %xor3A_687 = vector.broadcast %xor3A_686 : i32 to vector<16xi32>
        %xor3A_688 = arith.xori %iota3A_671, %xor3A_687 : vector<16xi32>
        %reshape3A_689 = vector.shape_cast %xor3A_688 : vector<16xi32> to vector<16x1xi32>
        %gather3A_690 = vector.shape_cast %reshape3A_689 : vector<16x1xi32> to vector<16xi32>
        %gather3A_691 = tpu.dynamic_gather %add3A_685[%gather3A_690] in [0] : vector<16xf32>, vector<16xi32> -> vector<16xf32>
        %add3A_692 = arith.addf %add3A_685, %gather3A_691 : vector<16xf32>
        %xor3A_693 = arith.constant 8 : i32
        %xor3A_694 = vector.broadcast %xor3A_693 : i32 to vector<16xi32>
        %xor3A_695 = arith.xori %iota3A_671, %xor3A_694 : vector<16xi32>
        %reshape3A_696 = vector.shape_cast %xor3A_695 : vector<16xi32> to vector<16x1xi32>
        %gather3A_697 = vector.shape_cast %reshape3A_696 : vector<16x1xi32> to vector<16xi32>
        %gather3A_698 = tpu.dynamic_gather %add3A_692[%gather3A_697] in [0] : vector<16xf32>, vector<16xi32> -> vector<16xf32>
        %add3A_699 = arith.addf %add3A_692, %gather3A_698 : vector<16xf32>
        %bitcast_convert_type3A_700 = tpu.bitcast %add3A_699 : vector<16xf32> -> vector<16xi32>
        %shift_right_logical3A_701 = arith.constant 1 : i32
        %shift_right_logical3A_702 = vector.broadcast %shift_right_logical3A_701 : i32 to vector<16xi32>
        %shift_right_logical3A_703 = arith.shrui %bitcast_convert_type3A_700, %shift_right_logical3A_702 : vector<16xi32>
        %sub3A_704 = arith.constant 1597463007 : i32
        %sub3A_705 = vector.broadcast %sub3A_704 : i32 to vector<16xi32>
        %sub3A_706 = arith.subi %sub3A_705, %shift_right_logical3A_703 : vector<16xi32>
        %bitcast_convert_type3A_707 = tpu.bitcast %sub3A_706 : vector<16xi32> -> vector<16xf32>
        %mul3A_708 = arith.constant 5.000000e-01 : f32
        %mul3A_709 = vector.broadcast %mul3A_708 : f32 to vector<16xf32>
        %mul3A_710 = arith.mulf %add3A_699, %mul3A_709 : vector<16xf32>
        %mul3A_711 = arith.mulf %mul3A_710, %bitcast_convert_type3A_707 : vector<16xf32>
        %mul3A_712 = arith.mulf %mul3A_711, %bitcast_convert_type3A_707 : vector<16xf32>
        %sub3A_713 = arith.constant 1.500000e+00 : f32
        %sub3A_714 = vector.broadcast %sub3A_713 : f32 to vector<16xf32>
        %sub3A_715 = arith.subf %sub3A_714, %mul3A_712 : vector<16xf32>
        %mul3A_716 = arith.mulf %bitcast_convert_type3A_707, %sub3A_715 : vector<16xf32>
        %mul3A_717 = arith.mulf %mul3A_710, %mul3A_716 : vector<16xf32>
        %mul3A_718 = arith.mulf %mul3A_717, %mul3A_716 : vector<16xf32>
        %sub3A_719 = arith.constant 1.500000e+00 : f32
        %sub3A_720 = vector.broadcast %sub3A_719 : f32 to vector<16xf32>
        %sub3A_721 = arith.subf %sub3A_720, %mul3A_718 : vector<16xf32>
        %mul3A_722 = arith.mulf %mul3A_716, %sub3A_721 : vector<16xf32>
        %mul3A_723 = arith.mulf %mul3A_581, %mul3A_722 : vector<16xf32>
        %swap3A_724 = arith.constant 1 : i32
        %swap3A_725 = arith.index_cast %swap3A_724 : i32 to index
        %swap3A_726 = arith.index_cast %add3A_556 : i32 to index
        %swap3A_727 = arith.constant 0 : index
        %swap3A_728 = tpu.vector_load %arg13[%swap3A_725, %swap3A_726, %swap3A_727] {strides = array<i32>} : memref<2x128x128xf32, #tpu.memory_space<vmem>>, vector<1x1x16xf32>,
        %swap3A_729 = vector.shape_cast %swap3A_728 : vector<1x1x16xf32> to vector<16xf32>
        %swap3A_730 = vector.shape_cast %mul3A_723 : vector<16xf32> to vector<1x1x16xf32>
        tpu.vector_store %arg13[%swap3A_725, %swap3A_726, %swap3A_727], %swap3A_730 {strides = array<i32>} : memref<2x128x128xf32, #tpu.memory_space<vmem>>, vector<1x1x16xf32>,
        %mul3A_731 = arith.mulf %mul3A_582, %mul3A_722 : vector<16xf32>
        %swap3A_732 = arith.constant 1 : i32
        %swap3A_733 = arith.index_cast %swap3A_732 : i32 to index
        %swap3A_734 = arith.index_cast %add3A_556 : i32 to index
        %swap3A_735 = arith.constant 16 : index
        %swap3A_736 = tpu.vector_load %arg13[%swap3A_733, %swap3A_734, %swap3A_735] {strides = array<i32>} : memref<2x128x128xf32, #tpu.memory_space<vmem>>, vector<1x1x16xf32>,
        %swap3A_737 = vector.shape_cast %swap3A_736 : vector<1x1x16xf32> to vector<16xf32>
        %swap3A_738 = vector.shape_cast %mul3A_731 : vector<16xf32> to vector<1x1x16xf32>
        tpu.vector_store %arg13[%swap3A_733, %swap3A_734, %swap3A_735], %swap3A_738 {strides = array<i32>} : memref<2x128x128xf32, #tpu.memory_space<vmem>>, vector<1x1x16xf32>,
        %mul3A_739 = arith.mulf %mul3A_609, %mul3A_722 : vector<16xf32>
        %swap3A_740 = arith.constant 1 : i32
        %swap3A_741 = arith.index_cast %swap3A_740 : i32 to index
        %swap3A_742 = arith.index_cast %add3A_556 : i32 to index
        %swap3A_743 = arith.constant 32 : index
        %swap3A_744 = tpu.vector_load %arg13[%swap3A_741, %swap3A_742, %swap3A_743] {strides = array<i32>} : memref<2x128x128xf32, #tpu.memory_space<vmem>>, vector<1x1x16xf32>,
        %swap3A_745 = vector.shape_cast %swap3A_744 : vector<1x1x16xf32> to vector<16xf32>
        %swap3A_746 = vector.shape_cast %mul3A_739 : vector<16xf32> to vector<1x1x16xf32>
        tpu.vector_store %arg13[%swap3A_741, %swap3A_742, %swap3A_743], %swap3A_746 {strides = array<i32>} : memref<2x128x128xf32, #tpu.memory_space<vmem>>, vector<1x1x16xf32>,
        %mul3A_747 = arith.mulf %mul3A_610, %mul3A_722 : vector<16xf32>
        %swap3A_748 = arith.constant 1 : i32
        %swap3A_749 = arith.index_cast %swap3A_748 : i32 to index
        %swap3A_750 = arith.index_cast %add3A_556 : i32 to index
        %swap3A_751 = arith.constant 48 : index
        %swap3A_752 = tpu.vector_load %arg13[%swap3A_749, %swap3A_750, %swap3A_751] {strides = array<i32>} : memref<2x128x128xf32, #tpu.memory_space<vmem>>, vector<1x1x16xf32>,
        %swap3A_753 = vector.shape_cast %swap3A_752 : vector<1x1x16xf32> to vector<16xf32>
        %swap3A_754 = vector.shape_cast %mul3A_747 : vector<16xf32> to vector<1x1x16xf32>
        tpu.vector_store %arg13[%swap3A_749, %swap3A_750, %swap3A_751], %swap3A_754 {strides = array<i32>} : memref<2x128x128xf32, #tpu.memory_space<vmem>>, vector<1x1x16xf32>,
        %mul3A_755 = arith.mulf %mul3A_637, %mul3A_722 : vector<16xf32>
        %swap3A_756 = arith.constant 1 : i32
        %swap3A_757 = arith.index_cast %swap3A_756 : i32 to index
        %swap3A_758 = arith.index_cast %add3A_556 : i32 to index
        %swap3A_759 = arith.constant 64 : index
        %swap3A_760 = tpu.vector_load %arg13[%swap3A_757, %swap3A_758, %swap3A_759] {strides = array<i32>} : memref<2x128x128xf32, #tpu.memory_space<vmem>>, vector<1x1x16xf32>,
        %swap3A_761 = vector.shape_cast %swap3A_760 : vector<1x1x16xf32> to vector<16xf32>
        %swap3A_762 = vector.shape_cast %mul3A_755 : vector<16xf32> to vector<1x1x16xf32>
        tpu.vector_store %arg13[%swap3A_757, %swap3A_758, %swap3A_759], %swap3A_762 {strides = array<i32>} : memref<2x128x128xf32, #tpu.memory_space<vmem>>, vector<1x1x16xf32>,
        %mul3A_763 = arith.mulf %mul3A_638, %mul3A_722 : vector<16xf32>
        %swap3A_764 = arith.constant 1 : i32
        %swap3A_765 = arith.index_cast %swap3A_764 : i32 to index
        %swap3A_766 = arith.index_cast %add3A_556 : i32 to index
        %swap3A_767 = arith.constant 80 : index
        %swap3A_768 = tpu.vector_load %arg13[%swap3A_765, %swap3A_766, %swap3A_767] {strides = array<i32>} : memref<2x128x128xf32, #tpu.memory_space<vmem>>, vector<1x1x16xf32>,
        %swap3A_769 = vector.shape_cast %swap3A_768 : vector<1x1x16xf32> to vector<16xf32>
        %swap3A_770 = vector.shape_cast %mul3A_763 : vector<16xf32> to vector<1x1x16xf32>
        tpu.vector_store %arg13[%swap3A_765, %swap3A_766, %swap3A_767], %swap3A_770 {strides = array<i32>} : memref<2x128x128xf32, #tpu.memory_space<vmem>>, vector<1x1x16xf32>,
        %mul3A_771 = arith.mulf %mul3A_665, %mul3A_722 : vector<16xf32>
        %swap3A_772 = arith.constant 1 : i32
        %swap3A_773 = arith.index_cast %swap3A_772 : i32 to index
        %swap3A_774 = arith.index_cast %add3A_556 : i32 to index
        %swap3A_775 = arith.constant 96 : index
        %swap3A_776 = tpu.vector_load %arg13[%swap3A_773, %swap3A_774, %swap3A_775] {strides = array<i32>} : memref<2x128x128xf32, #tpu.memory_space<vmem>>, vector<1x1x16xf32>,
        %swap3A_777 = vector.shape_cast %swap3A_776 : vector<1x1x16xf32> to vector<16xf32>
        %swap3A_778 = vector.shape_cast %mul3A_771 : vector<16xf32> to vector<1x1x16xf32>
        tpu.vector_store %arg13[%swap3A_773, %swap3A_774, %swap3A_775], %swap3A_778 {strides = array<i32>} : memref<2x128x128xf32, #tpu.memory_space<vmem>>, vector<1x1x16xf32>,
        %mul3A_779 = arith.mulf %mul3A_666, %mul3A_722 : vector<16xf32>
        %swap3A_780 = arith.constant 1 : i32
        %swap3A_781 = arith.index_cast %swap3A_780 : i32 to index
        %swap3A_782 = arith.index_cast %add3A_556 : i32 to index
        %swap3A_783 = arith.constant 112 : index
        %swap3A_784 = tpu.vector_load %arg13[%swap3A_781, %swap3A_782, %swap3A_783] {strides = array<i32>} : memref<2x128x128xf32, #tpu.memory_space<vmem>>, vector<1x1x16xf32>,
        %swap3A_785 = vector.shape_cast %swap3A_784 : vector<1x1x16xf32> to vector<16xf32>
        %swap3A_786 = vector.shape_cast %mul3A_779 : vector<16xf32> to vector<1x1x16xf32>
        tpu.vector_store %arg13[%swap3A_781, %swap3A_782, %swap3A_783], %swap3A_786 {strides = array<i32>} : memref<2x128x128xf32, #tpu.memory_space<vmem>>, vector<1x1x16xf32>,
      }
      %scan3A_309 = arith.constant 64 : i32
      %mul3A_310 = arith.constant 128 : i32
      %mul3A_311 = arith.muli %add3A_269, %mul3A_310 : i32
      %add3A_312 = arith.addi %mul3A_2, %mul3A_311 : i32
      %dma_start3A_313 = arith.constant 1 : i32
      %dma_start3A_314 = arith.constant 0 : i32
      %dma_start3A_315 = arith.constant 0 : i32
      %dma_start3A_316 = tpu.memref_slice %arg13[%dma_start3A_313, %dma_start3A_314, %dma_start3A_315] : memref<2x128x128xf32, #tpu.memory_space<vmem>> -> memref<1x128x128xf32, #tpu.memory_space<vmem>>
      %dma_start3A_317 = tpu.memref_squeeze %dma_start3A_316 : memref<1x128x128xf32, #tpu.memory_space<vmem>> -> memref<128x128xf32, #tpu.memory_space<vmem>>
      %dma_start3A_318 = arith.constant 0 : i32
      %dma_start3A_319 = tpu.memref_slice %arg6[%add3A_312, %dma_start3A_318] : memref<262144x128xf32, #tpu.memory_space<hbm>> -> memref<128x128xf32, #tpu.memory_space<hbm>>
      %dma_start3A_320 = arith.constant 0 : i32
      %dma_start3A_321 = tpu.memref_slice %arg6[%add3A_312, %dma_start3A_320] : memref<262144x128xf32, #tpu.memory_space<hbm>> -> memref<128x128xf32, #tpu.memory_space<hbm>>
      %dma_start3A_322 = arith.constant 0 : i32
      %dma_start3A_323 = arith.constant 0 : i32
      %dma_start3A_324 = tpu.memref_slice %arg13[%dma_start3A_313, %dma_start3A_322, %dma_start3A_323] : memref<2x128x128xf32, #tpu.memory_space<vmem>> -> memref<1x128x128xf32, #tpu.memory_space<vmem>>
      %dma_start3A_325 = tpu.memref_squeeze %dma_start3A_324 : memref<1x128x128xf32, #tpu.memory_space<vmem>> -> memref<128x128xf32, #tpu.memory_space<vmem>>
      tpu.enqueue_dma source(%dma_start3A_325 : memref<128x128xf32, #tpu.memory_space<vmem>>) target(%dma_start3A_321 : memref<128x128xf32, #tpu.memory_space<hbm>>) target_semaphore(%arg17 : memref<!tpu.dma_semaphore, #tpu.memory_space<semaphore_mem>>)
      %lt3A_326 = arith.constant 31 : i32
      %lt3A_327 = arith.cmpi slt, %scan3A_204, %lt3A_326 : i32
      %convert_element_type3A_328 = arith.extui %lt3A_327 : i1 to i32
      %cond3A_329 = arith.constant 0 : i32
      %cond3A_330 = arith.cmpi ne, %convert_element_type3A_328, %cond3A_329 : i32
      scf.if %cond3A_330 {
        %add3A_331 = arith.constant 2 : i32
        %add3A_332 = arith.addi %add3A_269, %add3A_331 : i32
        %dma_wait3A_333 = arith.constant 1 : i32
        %dma_wait3A_334 = arith.constant 0 : i32
        %dma_wait3A_335 = tpu.memref_slice %arg9[%dma_wait3A_333, %dma_wait3A_334] : memref<2x128xi32, #tpu.memory_space<vmem>> -> memref<1x128xi32, #tpu.memory_space<vmem>>
        %dma_wait3A_336 = tpu.memref_squeeze %dma_wait3A_335 : memref<1x128xi32, #tpu.memory_space<vmem>> -> memref<128xi32, #tpu.memory_space<vmem>>
        %dma_wait3A_337 = arith.constant 0 : i32
        %dma_wait3A_338 = tpu.memref_slice %arg4[%add3A, %add3A_332, %dma_wait3A_337] : memref<32x64x128xi32, #tpu.memory_space<hbm>> -> memref<1x1x128xi32, #tpu.memory_space<hbm>>
        %dma_wait3A_339 = tpu.memref_squeeze %dma_wait3A_338 : memref<1x1x128xi32, #tpu.memory_space<hbm>> -> memref<128xi32, #tpu.memory_space<hbm>>
        %dma_wait3A_340 = arith.constant 0 : i32
        %dma_wait3A_341 = tpu.memref_slice %arg9[%dma_wait3A_333, %dma_wait3A_340] : memref<2x128xi32, #tpu.memory_space<vmem>> -> memref<1x128xi32, #tpu.memory_space<vmem>>
        %dma_wait3A_342 = tpu.memref_squeeze %dma_wait3A_341 : memref<1x128xi32, #tpu.memory_space<vmem>> -> memref<128xi32, #tpu.memory_space<vmem>>
        %dma_wait3A_343 = arith.constant 0 : i32
        %dma_wait3A_344 = tpu.memref_slice %arg4[%add3A, %add3A_332, %dma_wait3A_343] : memref<32x64x128xi32, #tpu.memory_space<hbm>> -> memref<1x1x128xi32, #tpu.memory_space<hbm>>
        %dma_wait3A_345 = tpu.memref_squeeze %dma_wait3A_344 : memref<1x1x128xi32, #tpu.memory_space<hbm>> -> memref<128xi32, #tpu.memory_space<hbm>>
        tpu.wait_dma2 semaphore(%arg19 : memref<!tpu.dma_semaphore, #tpu.memory_space<semaphore_mem>>) src(%dma_wait3A_345 : memref<128xi32, #tpu.memory_space<hbm>>) dst(%dma_wait3A_342 : memref<128xi32, #tpu.memory_space<vmem>>)
        %dma_wait3A_346 = arith.constant 1 : i32
        %dma_wait3A_347 = arith.constant 0 : i32
        %dma_wait3A_348 = tpu.memref_slice %arg10[%dma_wait3A_346, %dma_wait3A_347] : memref<2x128xi32, #tpu.memory_space<vmem>> -> memref<1x128xi32, #tpu.memory_space<vmem>>
        %dma_wait3A_349 = tpu.memref_squeeze %dma_wait3A_348 : memref<1x128xi32, #tpu.memory_space<vmem>> -> memref<128xi32, #tpu.memory_space<vmem>>
        %dma_wait3A_350 = arith.constant 0 : i32
        %dma_wait3A_351 = tpu.memref_slice %arg5[%add3A, %add3A_332, %dma_wait3A_350] : memref<32x64x128xi32, #tpu.memory_space<hbm>> -> memref<1x1x128xi32, #tpu.memory_space<hbm>>
        %dma_wait3A_352 = tpu.memref_squeeze %dma_wait3A_351 : memref<1x1x128xi32, #tpu.memory_space<hbm>> -> memref<128xi32, #tpu.memory_space<hbm>>
        %dma_wait3A_353 = arith.constant 0 : i32
        %dma_wait3A_354 = tpu.memref_slice %arg10[%dma_wait3A_346, %dma_wait3A_353] : memref<2x128xi32, #tpu.memory_space<vmem>> -> memref<1x128xi32, #tpu.memory_space<vmem>>
        %dma_wait3A_355 = tpu.memref_squeeze %dma_wait3A_354 : memref<1x128xi32, #tpu.memory_space<vmem>> -> memref<128xi32, #tpu.memory_space<vmem>>
        %dma_wait3A_356 = arith.constant 0 : i32
        %dma_wait3A_357 = tpu.memref_slice %arg5[%add3A, %add3A_332, %dma_wait3A_356] : memref<32x64x128xi32, #tpu.memory_space<hbm>> -> memref<1x1x128xi32, #tpu.memory_space<hbm>>
        %dma_wait3A_358 = tpu.memref_squeeze %dma_wait3A_357 : memref<1x1x128xi32, #tpu.memory_space<hbm>> -> memref<128xi32, #tpu.memory_space<hbm>>
        tpu.wait_dma2 semaphore(%arg19 : memref<!tpu.dma_semaphore, #tpu.memory_space<semaphore_mem>>) src(%dma_wait3A_358 : memref<128xi32, #tpu.memory_space<hbm>>) dst(%dma_wait3A_355 : memref<128xi32, #tpu.memory_space<vmem>>)
        %dma_start3A_359 = arith.constant 1 : i32
        %dma_start3A_360 = arith.constant 1 : i32
        %dma_start3A_361 = arith.constant 0 : i32
        %dma_start3A_362 = arith.constant 0 : i32
        %dma_start3A_363 = tpu.memref_slice %arg11[%dma_start3A_360, %dma_start3A_361, %dma_start3A_362] : memref<2x128x64xi32, #tpu.memory_space<vmem>> -> memref<1x128x64xi32, #tpu.memory_space<vmem>>
        %dma_start3A_364 = tpu.memref_squeeze %dma_start3A_363 : memref<1x128x64xi32, #tpu.memory_space<vmem>> -> memref<128x64xi32, #tpu.memory_space<vmem>>
        %dma_start3A_365 = arith.constant 0 : i32
        %dma_start3A_366 = tpu.memref_slice %arg9[%dma_start3A_359, %dma_start3A_365] : memref<2x128xi32, #tpu.memory_space<vmem>> -> memref<1x128xi32, #tpu.memory_space<vmem>>
        %dma_start3A_367 = tpu.memref_squeeze %dma_start3A_366 : memref<1x128xi32, #tpu.memory_space<vmem>> -> memref<128xi32, #tpu.memory_space<vmem>>
        %dma_start3A_368 = arith.constant 0 : i32
        %dma_start3A_369 = arith.constant 0 : i32
        %dma_start3A_370 = tpu.memref_slice %arg7[%dma_start3A_368, %dma_start3A_369] : memref<1536x64xi32, #tpu.memory_space<vmem_shared>> -> memref<1536x64xi32, #tpu.memory_space<vmem_shared>>
        tpu.enqueue_indirect_dma source(%dma_start3A_370 : memref<1536x64xi32, #tpu.memory_space<vmem_shared>>) target(%dma_start3A_364 : memref<128x64xi32, #tpu.memory_space<vmem>>) offsets(%dma_start3A_367 : memref<128xi32, #tpu.memory_space<vmem>>) semaphore(%arg15 : memref<!tpu.dma_semaphore, #tpu.memory_space<semaphore_mem>>)
        %dma_start3A_371 = arith.constant 1 : i32
        %dma_start3A_372 = arith.constant 1 : i32
        %dma_start3A_373 = arith.constant 0 : i32
        %dma_start3A_374 = arith.constant 0 : i32
        %dma_start3A_375 = tpu.memref_slice %arg12[%dma_start3A_372, %dma_start3A_373, %dma_start3A_374] : memref<2x128x64xi32, #tpu.memory_space<vmem>> -> memref<1x128x64xi32, #tpu.memory_space<vmem>>
        %dma_start3A_376 = tpu.memref_squeeze %dma_start3A_375 : memref<1x128x64xi32, #tpu.memory_space<vmem>> -> memref<128x64xi32, #tpu.memory_space<vmem>>
        %dma_start3A_377 = arith.constant 0 : i32
        %dma_start3A_378 = tpu.memref_slice %arg10[%dma_start3A_371, %dma_start3A_377] : memref<2x128xi32, #tpu.memory_space<vmem>> -> memref<1x128xi32, #tpu.memory_space<vmem>>
        %dma_start3A_379 = tpu.memref_squeeze %dma_start3A_378 : memref<1x128xi32, #tpu.memory_space<vmem>> -> memref<128xi32, #tpu.memory_space<vmem>>
        %dma_start3A_380 = arith.constant 0 : i32
        %dma_start3A_381 = arith.constant 0 : i32
        %dma_start3A_382 = tpu.memref_slice %arg8[%dma_start3A_380, %dma_start3A_381] : memref<1536x64xi32, #tpu.memory_space<vmem_shared>> -> memref<1536x64xi32, #tpu.memory_space<vmem_shared>>
        tpu.enqueue_indirect_dma source(%dma_start3A_382 : memref<1536x64xi32, #tpu.memory_space<vmem_shared>>) target(%dma_start3A_376 : memref<128x64xi32, #tpu.memory_space<vmem>>) offsets(%dma_start3A_379 : memref<128xi32, #tpu.memory_space<vmem>>) semaphore(%arg15 : memref<!tpu.dma_semaphore, #tpu.memory_space<semaphore_mem>>)
      } else {
      }
    }
    %scan3A_173 = arith.constant 32 : i32
    %add3A_174 = arith.constant 7936 : i32
    %add3A_175 = arith.addi %mul3A_2, %add3A_174 : i32
    %dma_wait3A_176 = arith.constant 0 : i32
    %dma_wait3A_177 = arith.constant 0 : i32
    %dma_wait3A_178 = arith.constant 0 : i32
    %dma_wait3A_179 = tpu.memref_slice %arg13[%dma_wait3A_176, %dma_wait3A_177, %dma_wait3A_178] : memref<2x128x128xf32, #tpu.memory_space<vmem>> -> memref<1x128x128xf32, #tpu.memory_space<vmem>>
    %dma_wait3A_180 = tpu.memref_squeeze %dma_wait3A_179 : memref<1x128x128xf32, #tpu.memory_space<vmem>> -> memref<128x128xf32, #tpu.memory_space<vmem>>
    %dma_wait3A_181 = arith.constant 0 : i32
    %dma_wait3A_182 = tpu.memref_slice %arg6[%add3A_175, %dma_wait3A_181] : memref<262144x128xf32, #tpu.memory_space<hbm>> -> memref<128x128xf32, #tpu.memory_space<hbm>>
    %dma_wait3A_183 = arith.constant 0 : i32
    %dma_wait3A_184 = tpu.memref_slice %arg6[%add3A_175, %dma_wait3A_183] : memref<262144x128xf32, #tpu.memory_space<hbm>> -> memref<128x128xf32, #tpu.memory_space<hbm>>
    %dma_wait3A_185 = arith.constant 0 : i32
    %dma_wait3A_186 = arith.constant 0 : i32
    %dma_wait3A_187 = tpu.memref_slice %arg13[%dma_wait3A_176, %dma_wait3A_185, %dma_wait3A_186] : memref<2x128x128xf32, #tpu.memory_space<vmem>> -> memref<1x128x128xf32, #tpu.memory_space<vmem>>
    %dma_wait3A_188 = tpu.memref_squeeze %dma_wait3A_187 : memref<1x128x128xf32, #tpu.memory_space<vmem>> -> memref<128x128xf32, #tpu.memory_space<vmem>>
    tpu.wait_dma2 semaphore(%arg16 : memref<!tpu.dma_semaphore, #tpu.memory_space<semaphore_mem>>) src(%dma_wait3A_188 : memref<128x128xf32, #tpu.memory_space<vmem>>) dst(%dma_wait3A_184 : memref<128x128xf32, #tpu.memory_space<hbm>>)
    %add3A_189 = arith.constant 8064 : i32
    %add3A_190 = arith.addi %mul3A_2, %add3A_189 : i32
    %dma_wait3A_191 = arith.constant 1 : i32
    %dma_wait3A_192 = arith.constant 0 : i32
    %dma_wait3A_193 = arith.constant 0 : i32
    %dma_wait3A_194 = tpu.memref_slice %arg13[%dma_wait3A_191, %dma_wait3A_192, %dma_wait3A_193] : memref<2x128x128xf32, #tpu.memory_space<vmem>> -> memref<1x128x128xf32, #tpu.memory_space<vmem>>
    %dma_wait3A_195 = tpu.memref_squeeze %dma_wait3A_194 : memref<1x128x128xf32, #tpu.memory_space<vmem>> -> memref<128x128xf32, #tpu.memory_space<vmem>>
    %dma_wait3A_196 = arith.constant 0 : i32
    %dma_wait3A_197 = tpu.memref_slice %arg6[%add3A_190, %dma_wait3A_196] : memref<262144x128xf32, #tpu.memory_space<hbm>> -> memref<128x128xf32, #tpu.memory_space<hbm>>
    %dma_wait3A_198 = arith.constant 0 : i32
    %dma_wait3A_199 = tpu.memref_slice %arg6[%add3A_190, %dma_wait3A_198] : memref<262144x128xf32, #tpu.memory_space<hbm>> -> memref<128x128xf32, #tpu.memory_space<hbm>>
    %dma_wait3A_200 = arith.constant 0 : i32
    %dma_wait3A_201 = arith.constant 0 : i32
    %dma_wait3A_202 = tpu.memref_slice %arg13[%dma_wait3A_191, %dma_wait3A_200, %dma_wait3A_201] : memref<2x128x128xf32, #tpu.memory_space<vmem>> -> memref<1x128x128xf32, #tpu.memory_space<vmem>>
    %dma_wait3A_203 = tpu.memref_squeeze %dma_wait3A_202 : memref<1x128x128xf32, #tpu.memory_space<vmem>> -> memref<128x128xf32, #tpu.memory_space<vmem>>
    tpu.wait_dma2 semaphore(%arg17 : memref<!tpu.dma_semaphore, #tpu.memory_space<semaphore_mem>>) src(%dma_wait3A_203 : memref<128x128xf32, #tpu.memory_space<vmem>>) dst(%dma_wait3A_199 : memref<128x128xf32, #tpu.memory_space<hbm>>)
    return
  }
}

</mosaic_0001>

<sc_bundles>
// kernel: kernel.3.cloned.1.call-start
scs
__scs_entry_jumppad:
0x0: {  	(pc) =	sbr.rel $0x88, $3  }
0x1: {  	(tag) =	ssettag $0x0;
	lr =	simm.s32 $0x1  }
0x2: {  	[smem:$0x3F9E] =	sst lr;
	_ =	strace $0xD0000000  }
0x3: {  	_ = 	snop  }
0x4: {  	_ = 	snop  }
0x5: {  	_ = 	snop  }
0x6: {  	_ = 	snop  }
0x7: {  	_ = 	snop  }
__scs_overlays_trampoline_lowered:
0x8: {  	[smem:$0x3FAD] =	sst s0  }
0x9: {  	[smem:$0x3FAE] =	sst s1  }
0xa: {  	[smem:$0x3FAF] =	sst s2  }
0xb: {  	[smem:$0x3FB0] =	sst s3  }
0xc: {  	[smem:$0x3FB1] =	sst s4  }
0xd: {  	[smem:$0x3FB2] =	sst s5  }
0xe: {  	[smem:$0x3FB3] =	sst s6  }
0xf: {  	[smem:$0x3FB4] =	sst s7  }
0x10: {  	[smem:$0x3FB5] =	sst s8  }
0x11: {  	[smem:$0x3FB6] =	sst s9;
	s0 =	simm.s32 @!p0 $0x0  }
0x12: {  	s1 =	sld [smem:$0x3F9C];
	s0 =	simm.s32 @p0 $0x1  }
0x13: {  	[smem:$0x3FB7] =	sst s0;
	s0 =	simm.s32 @!p1 $0x0  }
0x14: {  	s2 =	sld [smem:$0x3F9B];
	s0 =	simm.s32 @p1 $0x1  }
0x15: {  	[smem:$0x3FB8] =	sst s0;
	s0 =	simm.s32 @!p2 $0x0  }
0x16: {  	s3 =	sld [smem:$0x3FDB];
	s0 =	simm.s32 @p2 $0x1  }
0x17: {  	s4 =	simm.s32 $0x1BF5;
	[smem:$0x3FBA] =	sst s0  }
0x18: {  	s0 =	sld [smem:$0x3F9D];
	_ =	swait.ge [sflag:s4], $0x0  }
0x19: {  	s7 =	sld [smem:$0x3F9E]  }
0x1a: {  	s8 =	sadd.s32 $0xFFFFE003, lr  }
0x1b: {  	s9 =	sadd.s32 $0xFFFFFEF7, lr;
	s5 =	simm.s32 $0xFFFFFFFF;
	p2 =	slt.u32 s8, $0xFFFFF086  }
0x1c: {  	p1 =	slt.u32 s9, $0xF7A;
	s5 =	simm.s32 @!p2 $0x0  }
0x1d: {  	s5 =	simm.s32 @p1 $0x1;
	p0 =	seq.s32 s7, s2  }
0x1e: {  	s7 =	smul.u32 @!p0 $0xF7A, s2;
	p2 =	seq.s32 @!p0 s5, $0x0  }
0x1f: {  	s9 =	smul.u32 $0xF7A, s1;
	s8 =	simm.s32 @!p0 $0x1BF5;
	p2 =	por !p2, p0  }
0x20: {  	[sflag:s8] =	ssyncset.s32 @!p0 $0xFFFFF086;
	s6 =	sadd.s32 @!p0 s3, s7;
	s7 =	simm.s32 @!p0 $0x108  }
0x21: {  	s3 =	sadd.s32 s3, s9;
	s6 =	sadd.s32 @!p0 $0x88, s6;
	s7 =	simm.s32 @p2 $0x1082  }
0x22: {  	[simem:s7], [sflag:s8] =	dma.local @!p0 [hbm:s6], $0xF7A  }
0x23: {  	s9 =	sor.u32 $0xD0000000, s2;
	s6 =	simm.s32 $0x108;
	_ =	swait.ge @!p0 [sflag:s8], $0x0  }
0x24: {  	s3 =	sadd.s32 $0x88, s3;
	s6 =	simm.s32 @!p1 $0x1082;
	[sflag:s4] =	ssyncset.s32 $0xFFFFF086  }
0x25: {  	[simem:s6], [sflag:s4] =	dma.local [hbm:s3], $0xF7A  }
0x26: {  	[smem:$0x3F9E] =	sst s1;
	(tag) =	ssettag s2;
	_ =	strace s9  }
0x27: {  	s1 =	sld [smem:$0x3FAE]  }
0x28: {  	s2 =	sld [smem:$0x3FAF]  }
0x29: {  	s4 =	sld [smem:$0x3FB1]  }
0x2a: {  	p0 =	seq.s32 s5, $0x0;
	s5 =	sld [smem:$0x3FB2]  }
0x2b: {  	s6 =	sld [smem:$0x3FB3]  }
0x2c: {  	s7 =	sld [smem:$0x3FB4]  }
0x2d: {  	s3 =	simm.s32 $0x108;
	s8 =	sld [smem:$0x3FB5]  }
0x2e: {  	s3 =	simm.s32 @!p0 $0x1082;
	s9 =	sld [smem:$0x3FB6]  }
0x2f: {  	lr =	sadd.s32 s0, s3;
	s0 =	sld [smem:$0x3FAD]  }
0x30: {  	s3 =	sld [smem:$0x3FB0]  }
0x31: {  	[smem:$0x3FB9] =	sst s10  }
0x32: {  	s10 =	sld [smem:$0x3FB7];
	_ =	sdelay $0x3  }
0x33: {  	p0 =	seq.s32 s10, $0x1;
	s10 =	sld [smem:$0x3FB9];
	_ =	sdelay $0x3  }
0x34: {  	[smem:$0x3FB9] =	sst s10  }
0x35: {  	s10 =	sld [smem:$0x3FB8];
	_ =	sdelay $0x3  }
0x36: {  	p1 =	seq.s32 s10, $0x1;
	s10 =	sld [smem:$0x3FB9];
	_ =	sdelay $0x3  }
0x37: {  	[smem:$0x3FB9] =	sst s10  }
0x38: {  	s10 =	sld [smem:$0x3FBA]  }
0x39: {  	_ = 	snop;
	(pc) =	sbr.ind lr, $3  }
0x3a: {  	_ = 	snop  }
0x3b: {  	_ = 	snop  }
0x3c: {  	p2 =	seq.s32 s10, $0x1;
	s10 =	sld [smem:$0x3FB9]  }
0x3d: {  	_ =	shalt  }
0x3e: {  	_ =	shalt  }
0x3f: {  	_ =	shalt  }
0x40: {  	_ =	shalt  }
0x41: {  	_ =	shalt  }
0x42: {  	_ =	shalt  }
0x43: {  	_ =	shalt  }
0x44: {  	_ =	shalt  }
0x45: {  	_ =	shalt  }
0x46: {  	_ =	shalt  }
0x47: {  	_ =	shalt  }
0x48: {  	_ =	shalt  }
0x49: {  	_ =	shalt  }
0x4a: {  	_ =	shalt  }
0x4b: {  	_ =	shalt  }
0x4c: {  	_ =	shalt  }
0x4d: {  	_ =	shalt  }
0x4e: {  	_ =	shalt  }
0x4f: {  	_ =	shalt  }
0x50: {  	_ =	shalt  }
0x51: {  	_ =	shalt  }
0x52: {  	_ =	shalt  }
0x53: {  	_ =	shalt  }
0x54: {  	_ =	shalt  }
0x55: {  	_ =	shalt  }
0x56: {  	_ =	shalt  }
0x57: {  	_ =	shalt  }
0x58: {  	_ =	shalt  }
0x59: {  	_ =	shalt  }
0x5a: {  	_ =	shalt  }
0x5b: {  	_ =	shalt  }
0x5c: {  	_ =	shalt  }
0x5d: {  	_ =	shalt  }
0x5e: {  	_ =	shalt  }
0x5f: {  	_ =	shalt  }
0x60: {  	_ =	shalt  }
0x61: {  	_ =	shalt  }
0x62: {  	_ =	shalt  }
0x63: {  	_ =	shalt  }
0x64: {  	_ =	shalt  }
0x65: {  	_ =	shalt  }
0x66: {  	_ =	shalt  }
0x67: {  	_ =	shalt  }
0x68: {  	_ =	shalt  }
0x69: {  	_ =	shalt  }
0x6a: {  	_ =	shalt  }
0x6b: {  	_ =	shalt  }
0x6c: {  	_ =	shalt  }
0x6d: {  	_ =	shalt  }
0x6e: {  	_ =	shalt  }
0x6f: {  	_ =	shalt  }
0x70: {  	_ =	shalt  }
0x71: {  	_ =	shalt  }
0x72: {  	_ =	shalt  }
0x73: {  	_ =	shalt  }
0x74: {  	_ =	shalt  }
0x75: {  	_ =	shalt  }
0x76: {  	_ =	shalt  }
0x77: {  	_ =	shalt  }
0x78: {  	_ =	shalt  }
0x79: {  	_ =	shalt  }
0x7a: {  	_ =	shalt  }
0x7b: {  	_ =	shalt  }
0x7c: {  	_ =	shalt  }
0x7d: {  	_ =	shalt  }
0x7e: {  	_ =	shalt  }
0x7f: {  	_ =	shalt  }
0x80: {  	_ =	shalt  }
0x81: {  	_ =	shalt  }
0x82: {  	_ =	shalt  }
0x83: {  	_ =	shalt  }
0x84: {  	_ =	shalt  }
0x85: {  	_ =	shalt  }
0x86: {  	_ =	shalt  }
0x87: {  	_ =	shalt  }
.Lfunc_end0:
.L_simem_size_0:
called_computation_lowered:
.L_overlay_start_0:
0x88: {  	s2 =	sld [smem:$0x3FD9]  }
0x89: {  	s3 =	sld [smem:$0x3FFE];
	_ =	sdelay $0x1  }
0x8a: {  	s1 =	srdreg.scid  }
0x8b: {  	s0 =	sand.u32 $0x1, s1  }
0x8c: {  	s17 =	sshll.u32 s0, $0xA;
	s2 =	sadd.s32 s3, s2  }
0x8d: {  	s2 =	sadd.s32 s2, s17  }
0x8e: {  	[smem:$0x3FC5] =	sst s2  }
0x8f: {  	_ = 	snop  }
0x90: {  	s2 =	sld [smem:$0x3FD0];
	(tm) =	ssettm $0x1  }
0x91: {  	s18 =	sld [smem:$0x3FFB];
	_ =	sdelay $0x3  }
0x92: {  	_ =	strace s18  }
0x93: {  	s3 =	sld [smem:$0x3FFC];
	_ =	sdelay $0x3  }
0x94: {  	_ =	strace s3  }
0x95: {  	s3 =	sld [smem:$0x3FFD];
	_ =	sdelay $0x3  }
0x96: {  	_ =	strace s3  }
0x97: {  	_ =	strace $0x8FFFFFFF  }
0x98: {  	s19 =	sld [smem:$0x3FDB];
	_ =	sdelay $0x1  }
0x99: {  	s4 =	simm.s32 $_scs_section_size  }
0x9a: {  	s5 =	simm.s32 $_size__tile_overlayer_lowered;
	s6 =	simm.s32 $_tile_overlayer_lowered  }
0x9b: {  	s22 =	simm.s32 $0x1BFF;
	s21 =	sshll.u32 s6, $0x1;
	s3 =	sadd.s32 s4, s19  }
0x9c: {  	s7 =	simm.s32 $0x0;
	s20 =	sshll.u32 s5, $0x1;
	s5 =	sadd.s32 s21, s3  }
0x9d: {  	[timem:s7], [sflag:s22] =	dma.local [hbm:s5], s20  }
0x9e: {  	_ =	swait.ge [sflag:s22], s20  }
0x9f: {  	s4 =	ssub.s32 $0x0, s20;
	[sflag:s22] =	ssyncset.done $0x0  }
0xa0: {  	[sflag:s22] =	ssyncadd.s32 s4;
	_ =	sdelay $0x1  }
0xa1: {  	s23 =	simm.s32 $0x1B8B  }
0xa2: {  	_ =	swait.ge [sflag:s23], $0x1  }
0xa3: {  	[sflag:s23] =	ssyncset.done $0x0  }
0xa4: {  	s25 =	simm.s32 $0x1B8E;
	s24 =	sld [smem:$0x3FFE];
	[sflag:s23] =	ssyncadd.s32 $0xFFFFFFFF  }
0xa5: {  	s26 =	simm.s32 $execute0_lowered;
	[smem:$0x3FD2] =	sst s25  }
0xa6: {  	s5 =	sshll.u32 s26, $0x1;
	_ =	strace $0x80000046;
	[dreg:$0x1] =	wrdreg $0xFFFFFFFF  }
0xa7: {  	s28 =	simm.s32 $_size_execute0_lowered;
	s3 =	sadd.s32 s3, s5;
	[dreg:$0x0] =	wrdreg $0x0  }
0xa8: {  	s5 =	sshll.u32 s28, $0x1;
	[dreg:$0x2] =	wrdreg s3  }
0xa9: {  	[dreg:$0x3] =	wrdreg s5  }
0xaa: {  	[dreg:$0x4] =	wrdreg $0xC0  }
0xab: {  	_ =	task [dreg:s7], $0x5FFFF  }
0xac: {  	[dreg:$0x1] =	wrdreg $0xFFFFFFFF  }
0xad: {  	[dreg:$0x0] =	wrdreg $0x60  }
0xae: {  	[dreg:$0x2] =	wrdreg s24  }
0xaf: {  	[dreg:$0x3] =	wrdreg s2  }
0xb0: {  	[dreg:$0x4] =	wrdreg $0x0  }
0xb1: {  	[dreg:$0x5] =	wrdreg $0x18000  }
0xb2: {  	[dreg:$0x6] =	wrdreg $0x9  }
0xb3: {  	_ =	task.clear_ibuf [dreg:s7], $0x7FFFF;
	_ =	strace $0x90000046  }
0xb4: {  	s29 =	simm.s32 $0x9;
	_ =	strace $0x80000048  }
0xb5: {  	_ =	swait.ge [sflag:s29], $0x1  }
0xb6: {  	[sflag:s29] =	ssyncadd.s32 $0xFFFFFFFF  }
0xb7: {  	_ =	strace $0x90000048  }
0xb8: {  	_ =	sfence  }
0xb9: {  	s30 =	sld [smem:$0x0];
	_ =	sdelay $0x2  }
0xba: {  	s31 =	sshll.u32 s1, $0xD;
	s1 =	sshrl.u32 s1, $0x2  }
0xbb: {  	s3 =	sand.u32 $0x4000, s31;
	s1 =	sadd.s32 s1, s30  }
0xbc: {  	s0 =	sor.u32 s3, s0;
	s1 =	sshll.u32 s1, $0x11  }
0xbd: {  	s0 =	sor.u32 s1, s0  }
0xbe: {  	s0 =	sadd.s32 $0x8F2B, s0  }
0xbf: {  	[sflag:s0] =	ssyncadd.remote.s32 $0x1  }
0xc0: {  	_ =	sfence.sel $0xFFFF  }
0xc1: {  	[dreg:$0x0] =	wrdreg $0xFFFFFFFF;
	(pc) =	sbr.abs _section_cstart, $3  }
0xc2: {  	[dreg:$0x1] =	wrdreg $0xFFFFFFFF  }
0xc3: {  	_ =	task.clear_ibuf [dreg:s7], $0x2FFFF;
	_ =	strace $0x9FFFFFFF  }
0xc4: {  	(tm) =	ssettm $0x7FFFFFFF  }
0xc5: {  	_ =	shalt  }
tec
execute0_lowered:
.L_overlay_start_1:
0x0: {  	(tag) =	ssettag $0x1  }
0x1: {  	s0 =	rddreg [dreg:$0x0]  }
0x2: {  	s4 =	rddreg [dreg:$0x1]  }
0x3: {  	s1 =	rddreg [dreg:$0x2]  }
0x4: {  	s2 =	rddreg [dreg:$0x3];
	s3 =	simm.s32 $0x0;
	s5 =	srdreg.scid  }
0x5: {  	s14 =	stileid.u32;
	s30 =	simm.s32 $0x6;
	s31 =	simm.s32 $0x7200  }
0x6: {  	s28 =	simm.s32 $0x13200;
	s29 =	simm.s32 $0x17200;
	[smem:$0x7FF] =	sst s3  }
0x7: {  	s6 =	sand.u32 $0x1, s5;
	s5 =	sadd.s32 $0x14000, s0;
	s9 =	smul.u32 $0x3000, s14  }
0x8: {  	s10 =	sshll.u32 s14, $0xE;
	s12 =	smul.u32 $0x600, s14;
	s18 =	sshll.u32 s14, $0x6  }
0x9: {  	_ =	strace $0x80000047;
	s7 =	ssub.s32 $0x2, s6;
	s11 =	sshll.u32 s6, $0xD  }
0xa: {  	s6 =	sadd.s32 $0xC000, s0;
	s8 =	sshrl.u32 s7, $0x1;
	s16 =	sadd.s32 s9, s1  }
0xb: {  	v0 =	vimm.s32 $0xEFCDAB89;
	v1 =	vimm.s32 $0x67452301;
	v2 =	vimm.s32 $0xDCFE98BA;
	s9 =	sadd.s32 s9, s2;
	s13 =	ssub.s32 s7, s8;
	s7 =	sor.u32 s11, s10  }
0xc: {  	v3 =	vimm.s32 $0x54761032;
	v4 =	vimm.s32 $0xBA98FEDC;
	s8 =	sadd.s32 s0, s12;
	s10 =	sor.u32 $0x1C07, s18;
	s26 =	sshrl.u32 s16, $0x3  }
0xd: {  	v5 =	vimm.s32 $0x32107654;
	v6 =	vimm.s32 $0xFEDCBA98;
	s19 =	sadd.s32 $0x6000, s8;
	s20 =	sshrl.u32 s7, $0x3;
	s24 =	sshll.u32 s7, $0x4  }
0xe: {  	v7 =	vimm.s32 $0x76543210;
	v0 =	vunpack.c.l.s4.s8 v0;
	v1 =	vunpack.c.l.s4.s8 v1;
	s25 =	smax.u32 s13, $0x1;
	[dreg:$0xb] =	wrdreg s26;
	s26 =	simm.s32 $0x80  }
0xf: {  	v2 =	vunpack.c.l.s4.s8 v2;
	v3 =	vunpack.c.l.s4.s8 v3;
	v4 =	vunpack.c.l.s4.s8 v4;
	[dreg:$0x5] =	wrdreg s19;
	s21 =	sadd.s32 s5, s20;
	s22 =	sor.u32 $0x10, s20  }
0x10: {  	v5 =	vunpack.c.l.s4.s8 v5;
	v6 =	vunpack.c.l.s4.s8 v6;
	v7 =	vunpack.c.l.s4.s8 v7;
	s0 =	sadd.s32 s6, s20;
	s15 =	sadd.s32 s4, s24;
	[dreg:$0xa] =	wrdreg s25  }
0x11: {  	v0 =	vunpack.c.0.s8.s32 v0;
	v1 =	vunpack.c.0.s8.s32 v1;
	v2 =	vunpack.c.0.s8.s32 v2;
	s19 =	simm.s32 $0x7;
	s20 =	sshrl.u32 s9, $0x3;
	s24 =	simm.s32 $0x3180  }
.Ltmp0:
0x12: {  	v3 =	vunpack.c.0.s8.s32 v3;
	v4 =	vunpack.c.0.s8.s32 v4;
	v5 =	vunpack.c.0.s8.s32 v5;
	s25 =	simm.s32 $0x5;
	[dreg:$0x6] =	wrdreg s21;
	(pc) =	sbr.rel .LBB2_1-.Ltmp0, $4  }
0x13: {  	v0 =	vcombine.low v1, v0;
	v1 =	vunpack.c.0.s8.s32 v6;
	s4 =	simm.s32 $0x1;
	s9 =	simm.s32 $0x3;
	[dreg:$0x7] =	wrdreg s0  }
0x14: {  	v2 =	vcombine.low v3, v2;
	v3 =	vcombine.low v5, v4;
	v4 =	vunpack.c.0.s8.s32 v7;
	s23 =	sadd.s32 s5, s22;
	s12 =	sadd.s32 s6, s22;
	s17 =	sadd.s32 $0x800, s15  }
0x15: {  	s0 =	simm.s32 $0xF200;
	v0 =	vand.u32 $0xF, v0;
	v5 =	vand.u32 $0xF, v1;
	s21 =	simm.s32 $0x4;
	[dreg:$0x8] =	wrdreg s23  }
0x16: {  	v1 =	vand.u32 $0xF, v2;
	v2 =	vand.u32 $0xF, v3;
	s22 =	simm.s32 $0x0;
	[dreg:$0x9] =	wrdreg s12;
	s23 =	simm.s32 $0x3080;
	v3 =	vcombine.low v5, v4  }
.LBB2_11:
0x17: {  	_ =	swait.ge [sflag:s9], $0x4000  }
0x18: {  	[sflag:s9] =	ssyncset.done $0x0  }
0x19: {  	[sflag:s9] =	ssyncadd.s32 $0xFFFFC000  }
0x1a: {  	_ =	swait.ge [sflag:s21], $0x4000  }
0x1b: {  	s22 =	sadd.s32 $0x1, s22;
	s11 =	rddreg [dreg:$0xa]  }
0x1c: {  	p0 =	sne.s32 s22, s11  }
.Ltmp1:
0x1d: {  	_ = 	snop;
	(pc) =	sbr.rel @!p0 .LBB2_12-.Ltmp1, $3  }
0x1e: {  	_ =	sdelay $0x1  }
0x1f: {  	[sflag:s21] =	ssyncset.done $0x0  }
0x20: {  	[sflag:s21] =	ssyncadd.s32 $0xFFFFC000  }
.LBB2_1:
0x21: {  	s11 =	rddreg [dreg:$0x5]  }
0x22: {  	s12 =	rddreg [dreg:$0xb]  }
0x23: {  	[spmem:s12], [sflag:s10] =	dma.local [hbm:s11], $0x600  }
0x24: {  	_ =	swait.ge [sflag:s19], $0x600  }
0x25: {  	[sflag:s19] =	ssyncset.done $0x0  }
0x26: {  	[sflag:s19] =	ssyncadd.s32 $0xFFFFFA00  }
0x27: {  	[spmem:s20], [sflag:s10] =	dma.local [hbm:s8], $0x600  }
0x28: {  	_ =	swait.ge [sflag:s19], $0x600  }
0x29: {  	[sflag:s19] =	ssyncset.done $0x0  }
0x2a: {  	[sflag:s19] =	ssyncadd.s32 $0xFFFFFA00  }
0x2b: {  	[bflag:$0x0] =	sbarrier.arrive $0xFFFF  }
0x2c: {  	s12 =	simm.s32 $0x3000;
	s14 =	rddreg [dreg:$0x6]  }
0x2d: {  	[tilespmem:s12], [sflag:$0x5] =	stream.linear.gather [hbm4b:s14+s3], $0x80, $0x38;
	[tilespmem:$0x1B200] =	vst v63  }
0x2e: {  	s13 =	simm.s32 $0x3100;
	s16 =	rddreg [dreg:$0x7]  }
0x2f: {  	[tilespmem:s13], [sflag:$0x5] =	stream.linear.gather [hbm4b:s16+s3], $0x80, $0x38;
	[tilespmem:$0x1B200] =	vst v63  }
0x30: {  	s18 =	rddreg [dreg:$0x8]  }
0x31: {  	[tilespmem:s23], [sflag:$0x6] =	stream.linear.gather [hbm4b:s18+s3], $0x80, $0x38;
	[tilespmem:$0x1B200] =	vst v63  }
0x32: {  	s14 =	rddreg [dreg:$0x9]  }
0x33: {  	[tilespmem:s24], [sflag:$0x6] =	stream.linear.gather [hbm4b:s14+s3], $0x80, $0x38;
	[tilespmem:$0x1B200] =	vst v63  }
0x34: {  	_ =	swait.ge [sflag:s25], $0x80  }
0x35: {  	[sflag:s25] =	ssyncset.done $0x0  }
0x36: {  	[sflag:s25] =	ssyncadd.s32 $0xFFFFFF80  }
0x37: {  	_ =	swait.ge [sflag:s25], $0x80  }
0x38: {  	[sflag:s25] =	ssyncset.done $0x0  }
0x39: {  	s16 =	simm.s32 $0x3200;
	[sflag:s25] =	ssyncadd.s32 $0xFFFFFF80  }
0x3a: {  	[tilespmem:s16], [sflag:$0x1] =	stream.indirect.gather [spmem:s1], $0x40, s12, s26, $0xb8;
	[tilespmem:$0x1B200] =	vst v63  }
0x3b: {  	s18 =	simm.s32 $0xB200  }
0x3c: {  	[tilespmem:s18], [sflag:$0x1] =	stream.indirect.gather [spmem:s2], $0x40, s13, s26, $0xb8;
	[tilespmem:$0x1B200] =	vst v63  }
0x3d: {  	_ =	swait.ge [sflag:s30], $0x80  }
0x3e: {  	[sflag:s30] =	ssyncset.done $0x0  }
0x3f: {  	[sflag:s30] =	ssyncadd.s32 $0xFFFFFF80  }
0x40: {  	_ =	swait.ge [sflag:s30], $0x80  }
0x41: {  	[sflag:s30] =	ssyncset.done $0x0  }
0x42: {  	[sflag:s30] =	ssyncadd.s32 $0xFFFFFF80  }
0x43: {  	[tilespmem:s31], [sflag:$0x2] =	stream.indirect.gather [spmem:s1], $0x40, s23, s26, $0xb8;
	[tilespmem:$0x1B200] =	vst v63  }
0x44: {  	s11 =	simm.s32 $0x0  }
0x45: {  	[tilespmem:s0], [sflag:$0x2] =	stream.indirect.gather [spmem:s2], $0x40, s24, s26, $0xb8;
	[tilespmem:$0x1B200] =	vst v63  }
.LBB2_2:
0x46: {  	s12 =	sshll.u32 s11, $0x8;
	_ =	swait.ge [sflag:s4], $0x2000;
	p0 =	seq.s32 s11, $0x1F  }
0x47: {  	[sflag:s4] =	ssyncset.done $0x0;
	s13 =	sadd.s32 @!p0 $0x100, s12  }
0x48: {  	s16 =	simm.s32 @!p0 $0x0;
	p1 =	seq.s32 @!p0 s11, $0x0;
	s14 =	sand.u32 @!p0 $0x3C00, s13  }
0x49: {  	[sflag:s4] =	ssyncadd.s32 $0xFFFFE000;
	s13 =	sand.u32 @!p0 $0x300, s13;
	s14 =	sadd.s32 @!p0 s7, s14  }
0x4a: {  	p1 =	por p0, !p1;
	_ =	swait.ge [sflag:s4], $0x2000;
	s13 =	sor.u32 @!p0 s13, s14  }
.Ltmp2:
0x4b: {  	[sflag:s4] =	ssyncset.done $0x0;
	s13 =	sshrl.u32 @!p0 s13, $0x3;
	(pc) =	sbr.rel @!p1 .LBB2_3-.Ltmp2, $4  }
0x4c: {  	s18 =	simm.s32 @!p0 $0x3000;
	[sflag:s4] =	ssyncadd.s32 $0xFFFFE000;
	s14 =	sadd.s32 @!p0 s5, s13  }
0x4d: {  	[tilespmem:s18], [sflag:$0x5] =	stream.linear.gather @!p0 [hbm4b:s14+s16], $0x80, $0x38;
	[tilespmem:$0x1B200] =	vst v63  }
0x4e: {  	s13 =	sadd.s32 @!p0 s6, s13;
	s14 =	simm.s32 @!p0 $0x3100  }
0x4f: {  	[tilespmem:s14], [sflag:$0x5] =	stream.linear.gather @!p0 [hbm4b:s13+s16], $0x80, $0x38;
	[tilespmem:$0x1B200] =	vst v63  }
.Ltmp3:
0x50: {  	(pc) =	sbr.rel .LBB2_5-.Ltmp3, $4  }
0x51: {  	_ = 	snop  }
0x52: {  	_ =	swait.ge [sflag:s9], $0x4000  }
0x53: {  	[sflag:s9] =	ssyncset.done $0x0  }
0x54: {  	p1 =	por $0x0, $0x0;
	[sflag:s9] =	ssyncadd.s32 $0xFFFFC000  }
.LBB2_3:
0x55: {  	p1 =	por @!p0 $0x1, $0x1  }
.LBB2_5:
0x56: {  	s13 =	simm.s32 $0x0  }
0x57: {  	v4 =	vld [tilespmem:s13+$0x3290]  }
0x58: {  	v5 =	vld [tilespmem:s13+$0x3280]  }
0x59: {  	v6 =	vld [tilespmem:s13+$0xB280]  }
0x5a: {  	v7 =	vld [tilespmem:s13+$0xB290];
	_ =	sdelay $0x3  }
0x5b: {  	v11 =	vld [tilespmem:s13+$0x32A0];
	v8 =	vshll.u32 v4, $0x10;
	v9 =	vshll.u32 v5, $0x10;
	v10 =	vshll.u32 v6, $0x10  }
0x5c: {  	v30 =	vmul.f32 v6, v5;
	v5 =	vshll.u32 v7, $0x10;
	v6 =	vld [tilespmem:s13+$0xB2A0];
	v32 =	vmul.f32 v10, v9  }
0x5d: {  	v33 =	vmul.f32 v5, v8  }
0x5e: {  	v8 =	vmul.f32 v30, v30;
	v5 =	vmul.f32 v32, v32  }
0x5f: {  	v34 =	vmul.f32 v7, v4;
	v7 =	vld [tilespmem:s13+$0xB2B0]  }
0x60: {  	v9 =	vld [tilespmem:s13+$0x32B0];
	v4 =	vmul.f32 v33, v33;
	v5 =	vadd.f32 v5, v8  }
0x61: {  	v10 =	vshll.u32 v11, $0x10;
	v12 =	vshll.u32 v6, $0x10  }
0x62: {  	v35 =	vmul.f32 v12, v10;
	v4 =	vadd.f32 v4, v5;
	v5 =	vmul.f32 v34, v34  }
0x63: {  	v13 =	vld [tilespmem:s13+$0xB200]  }
0x64: {  	v8 =	vld [tilespmem:s13+$0x3200];
	v22 =	vmul.f32 v6, v11;
	v4 =	vadd.f32 v4, v5;
	v5 =	vmul.f32 v35, v35  }
0x65: {  	v6 =	vld [tilespmem:s13+$0x3210];
	v11 =	vshll.u32 v7, $0x10;
	v10 =	vshll.u32 v9, $0x10  }
0x66: {  	v12 =	vld [tilespmem:s13+$0xB210];
	v23 =	vmul.f32 v11, v10;
	v4 =	vadd.f32 v5, v4;
	v5 =	vmul.f32 v22, v22  }
0x67: {  	v14 =	vld [tilespmem:s13+$0x3220]  }
0x68: {  	v15 =	vld [tilespmem:s13+$0xB220];
	v36 =	vmul.f32 v7, v9;
	v7 =	vmul.f32 v23, v23;
	v4 =	vadd.f32 v4, v5  }
0x69: {  	v11 =	vshll.u32 v13, $0x10;
	v10 =	vshll.u32 v8, $0x10;
	v8 =	vmul.f32 v13, v8  }
0x6a: {  	v5 =	vmul.f32 v11, v10;
	v4 =	vadd.f32 v7, v4;
	v7 =	vmul.f32 v36, v36  }
0x6b: {  	v9 =	vshll.u32 v6, $0x10;
	v16 =	vmul.f32 v8, v8;
	v10 =	vshll.u32 v12, $0x10  }
0x6c: {  	v11 =	vmul.f32 v10, v9;
	v13 =	vmul.f32 v5, v5;
	v4 =	vadd.f32 v4, v7  }
0x6d: {  	v17 =	vld [tilespmem:s13+$0x3230];
	v9 =	vshll.u32 v14, $0x10;
	v10 =	vshll.u32 v15, $0x10;
	v7 =	vmul.f32 v12, v6  }
0x6e: {  	v6 =	vld [tilespmem:s13+$0xB230];
	v12 =	vadd.f32 v13, v16;
	v13 =	vmul.f32 v11, v11;
	v16 =	vperm.xlane v4, v0  }
0x6f: {  	v9 =	vmul.f32 v10, v9  }
0x70: {  	v10 =	vmul.f32 v7, v7;
	v12 =	vadd.f32 v13, v12;
	v13 =	vadd.f32 v4, v16  }
0x71: {  	v4 =	vmul.f32 v15, v14  }
0x72: {  	v14 =	vmul.f32 v9, v9;
	v12 =	vadd.f32 v12, v10;
	v15 =	vperm.xlane v13, v1  }
0x73: {  	v10 =	vshll.u32 v17, $0x10;
	v18 =	vshll.u32 v6, $0x10;
	v16 =	vmul.f32 v4, v4  }
0x74: {  	v10 =	vmul.f32 v18, v10;
	v12 =	vadd.f32 v14, v12;
	v13 =	vadd.f32 v13, v15  }
0x75: {  	v6 =	vmul.f32 v6, v17  }
0x76: {  	v14 =	vmul.f32 v10, v10;
	v12 =	vadd.f32 v12, v16;
	v15 =	vperm.xlane v13, v2;
	_ =	sdelay $0x1  }
0x77: {  	v16 =	vmul.f32 v6, v6;
	v12 =	vadd.f32 v14, v12;
	v13 =	vadd.f32 v13, v15  }
0x78: {  	s14 =	simm.s32 $0x100  }
0x79: {  	v17 =	vld [tilespmem:s14+$0x3290];
	v12 =	vadd.f32 v12, v16;
	v14 =	vperm.xlane v13, v3  }
0x7a: {  	v15 =	vld [tilespmem:s14+$0x3280]  }
0x7b: {  	v16 =	vperm.xlane v12, v0;
	v13 =	vadd.f32 v13, v14;
	v14 =	vld [tilespmem:s14+$0xB280]  }
0x7c: {  	v18 =	vld [tilespmem:s14+$0xB290]  }
0x7d: {  	v12 =	vadd.f32 v12, v16  }
0x7e: {  	v27 =	vld [tilespmem:s14+$0xB200];
	v26 =	vshll.u32 v17, $0x10  }
0x7f: {  	v29 =	vld [tilespmem:s14+$0xB2A0];
	v16 =	vshrl.u32 v13, $0x1;
	v21 =	vmul.f32 $5.000000000e-01, v13;
	v19 =	vperm.xlane v12, v1  }
0x80: {  	v25 =	vld [tilespmem:s14+$0x3200];
	v13 =	vshll.u32 v15, $0x10;
	v24 =	vsub.s32 $0x5F3759DF, v16;
	v16 =	vshll.u32 v14, $0x10  }
0x81: {  	v28 =	vld [tilespmem:s14+$0x32A0];
	v13 =	vmul.f32 v16, v13;
	v16 =	vmul.f32 v14, v15;
	v14 =	vshll.u32 v18, $0x10  }
0x82: {  	v20 =	vmul.f32 v24, v21;
	v31 =	vadd.f32 v12, v19;
	v15 =	vmul.f32 v14, v26  }
0x83: {  	v37 =	vld [tilespmem:s14+$0x3210];
	v40 =	vshll.u32 v27, $0x10;
	v14 =	vmul.f32 v13, v13;
	v19 =	vmul.f32 v16, v16  }
0x84: {  	v39 =	vld [tilespmem:s14+$0x32B0];
	v41 =	vshll.u32 v29, $0x10;
	v12 =	vmul.f32 v24, v20;
	v38 =	vperm.xlane v31, v2  }
0x85: {  	v20 =	vmul.f32 v18, v17;
	v18 =	vld [tilespmem:s14+$0xB2B0];
	v17 =	vmul.f32 v15, v15;
	v14 =	vadd.f32 v14, v19  }
0x86: {  	v26 =	vshll.u32 v25, $0x10;
	v12 =	vsub.f32 $1.500000000e+00, v12;
	v19 =	vshll.u32 v28, $0x10  }
0x87: {  	v42 =	vld [tilespmem:s14+$0xB210];
	v19 =	vmul.f32 v41, v19;
	v14 =	vadd.f32 v17, v14;
	v17 =	vmul.f32 v20, v20  }
0x88: {  	v56 =	vshll.u32 v37, $0x10;
	v55 =	vmul.f32 v24, v12;
	v12 =	vmul.f32 v40, v26  }
0x89: {  	v26 =	vmul.f32 v29, v28;
	v14 =	vadd.f32 v14, v17;
	v17 =	vmul.f32 v19, v19  }
0x8a: {  	v24 =	vshll.u32 v39, $0x10;
	v28 =	vshll.u32 v18, $0x10;
	v21 =	vmul.f32 v55, v21  }
0x8b: {  	v29 =	vld [tilespmem:s14+$0x3220];
	v43 =	vmul.f32 v26, v26;
	v24 =	vmul.f32 v28, v24;
	v17 =	vadd.f32 v17, v14  }
0x8c: {  	v28 =	vld [tilespmem:s14+$0xB220];
	v44 =	vmul.f32 v12, v12;
	v14 =	vmul.f32 v27, v25;
	v27 =	vshll.u32 v42, $0x10  }
0x8d: {  	v25 =	vmul.f32 v18, v39;
	v18 =	vmul.f32 v24, v24;
	v43 =	vadd.f32 v17, v43  }
0x8e: {  	v38 =	vadd.f32 v31, v38;
	v31 =	vmul.f32 v14, v14;
	v17 =	vmul.f32 v27, v56  }
0x8f: {  	v57 =	vld [tilespmem:s14+$0x3230];
	v27 =	vmul.f32 v21, v55;
	v58 =	vmul.f32 v25, v25;
	v18 =	vadd.f32 v18, v43  }
0x90: {  	v59 =	vld [tilespmem:s14+$0xB230];
	v21 =	vmul.f32 v42, v37;
	v31 =	vadd.f32 v44, v31;
	v60 =	vmul.f32 v17, v17  }
0x91: {  	v61 =	vshll.u32 v29, $0x10;
	v62 =	vshll.u32 v28, $0x10;
	v40 =	vadd.f32 v18, v58  }
0x92: {  	v63 =	vmul.f32 v21, v21;
	v18 =	vmul.f32 v62, v61;
	v31 =	vadd.f32 v60, v31  }
0x93: {  	v48 =	vsub.f32 $1.500000000e+00, v27;
	v27 =	vmul.f32 v28, v29;
	v28 =	vperm.xlane v40, v0  }
0x94: {  	v49 =	vshll.u32 v57, $0x10;
	v29 =	vmul.f32 v18, v18;
	v31 =	vadd.f32 v31, v63  }
0x95: {  	v50 =	vshll.u32 v59, $0x10;
	v45 =	vperm.xlane v38, v3;
	v40 =	vadd.f32 v40, v28  }
0x96: {  	v51 =	vmul.f32 v27, v27;
	v28 =	vmul.f32 v50, v49;
	v52 =	vadd.f32 v29, v31  }
0x97: {  	v38 =	vadd.f32 v38, v45;
	v31 =	vmul.f32 v48, v55;
	v53 =	vperm.xlane v40, v1  }
0x98: {  	v29 =	vmul.f32 v59, v57;
	v54 =	vmul.f32 v28, v28;
	v55 =	vadd.f32 v52, v51  }
0x99: {  	v45 =	vmul.f32 $5.000000000e-01, v38;
	v56 =	vshrl.u32 v38, $0x1;
	v37 =	vadd.f32 v40, v53  }
0x9a: {  	v57 =	vmul.f32 v29, v29;
	v39 =	vadd.f32 v54, v55;
	v40 =	vsub.s32 $0x5F3759DF, v56  }
0x9b: {  	v59 =	vmul.f32 v40, v45;
	v58 =	vperm.xlane v37, v2  }
0x9c: {  	v38 =	vadd.f32 v39, v57  }
0x9d: {  	v60 =	vmul.f32 v40, v59;
	v37 =	vadd.f32 v37, v58  }
0x9e: {  	v36 =	vmul.f32 v31, v36;
	v61 =	vperm.xlane v38, v0  }
0x9f: {  	v32 =	vmul.f32 v31, v32;
	v39 =	vsub.f32 $1.500000000e+00, v60;
	v62 =	vperm.xlane v37, v3  }
0xa0: {  	v46 =	vmul.f32 v31, v30;
	v44 =	vmul.f32 v31, v34;
	v41 =	vadd.f32 v38, v61  }
0xa1: {  	s16 =	simm.s32 $0x200;
	v35 =	vmul.f32 v31, v35;
	[tilespmem:s13+$0x132F0] =	vst v36;
	v30 =	vmul.f32 v40, v39;
	v63 =	vadd.f32 v37, v62  }
0xa2: {  	v42 =	vld [tilespmem:s16+$0x3290];
	[tilespmem:s13+$0x13280] =	vst v32;
	v38 =	vmul.f32 v31, v33;
	v43 =	vperm.xlane v41, v1  }
0xa3: {  	s18 =	simm.s32 $0xC00;
	v32 =	vld [tilespmem:s16+$0x3280];
	[tilespmem:s13+$0x13290] =	vst v46;
	v37 =	vmul.f32 v30, v45;
	v34 =	vshrl.u32 v63, $0x1;
	v40 =	vmul.f32 $5.000000000e-01, v63  }
.LBB2_6:
0xa4: {  	p2 =	sne.s32 s18, $0xFC00;
	v33 =	vld [tilespmem:s16+$0xB280];
	v36 =	vadd.f32 v41, v43;
	v39 =	vsub.s32 $0x5F3759DF, v34;
	[tilespmem:s13+$0x132A0] =	vst v38;
	v38 =	vmul.f32 v31, v22;
	v22 =	vmovc v26  }
0xa5: {  	v34 =	vmovc v4;
	v4 =	vmov v27;
	v26 =	vld [tilespmem:s16+$0xB290];
	v41 =	vmul.f32 v39, v40;
	v45 =	vmul.f32 v37, v30;
	[tilespmem:s13+$0x132B0] =	vst v44  }
0xa6: {  	v31 =	vmul.f32 v31, v23;
	v23 =	vmovc v24;
	v27 =	vld [tilespmem:s16+$0x3200];
	v43 =	vperm.xlane v36, v2;
	[tilespmem:s13+$0x132C0] =	vst v35;
	v35 =	vmov v10  }
0xa7: {  	v37 =	vmovc v6;
	v6 =	vmovc v29;
	v10 =	vmov v28;
	v24 =	vld [tilespmem:s16+$0xB200];
	v41 =	vmul.f32 v39, v41;
	v44 =	vsub.f32 $1.500000000e+00, v45;
	[tilespmem:s13+$0x132D0] =	vst v38  }
0xa8: {  	v29 =	vshll.u32 v42, $0x10;
	v28 =	vld [tilespmem:s16+$0x3210];
	v43 =	vadd.f32 v36, v43;
	[tilespmem:s13+$0x132E0] =	vst v31  }
0xa9: {  	v31 =	vshll.u32 v32, $0x10;
	v36 =	vshll.u32 v33, $0x10;
	v45 =	vld [tilespmem:s16+$0x32A0];
	v41 =	vsub.f32 $1.500000000e+00, v41  }
0xaa: {  	v32 =	vmul.f32 v33, v32;
	v38 =	vmul.f32 v36, v31;
	v31 =	vshll.u32 v26, $0x10;
	v46 =	vld [tilespmem:s16+$0xB2A0]  }
0xab: {  	v36 =	vshll.u32 v27, $0x10;
	v47 =	vld [tilespmem:s16+$0xB210];
	v33 =	vmul.f32 v31, v29;
	v29 =	vmul.f32 v39, v41  }
0xac: {  	v48 =	vmul.f32 v32, v32;
	v31 =	vshll.u32 v24, $0x10;
	v41 =	vld [tilespmem:s16+$0x3220];
	v39 =	vmul.f32 v38, v38  }
0xad: {  	v49 =	vmul.f32 v31, v36;
	v50 =	vshll.u32 v28, $0x10;
	v51 =	vld [tilespmem:s16+$0x32B0];
	v31 =	vmul.f32 v29, v40  }
0xae: {  	v36 =	vmul.f32 v26, v42;
	v26 =	vmul.f32 v33, v33;
	v39 =	vadd.f32 v39, v48;
	v40 =	vld [tilespmem:s16+$0xB2B0]  }
0xaf: {  	v48 =	vshll.u32 v45, $0x10;
	v42 =	vld [tilespmem:s16+$0xB220];
	v52 =	vshll.u32 v46, $0x10;
	v31 =	vmul.f32 v31, v29  }
0xb0: {  	v54 =	vmul.f32 v36, v36;
	v53 =	vld [tilespmem:s16+$0x3230];
	v26 =	vadd.f32 v26, v39;
	v39 =	vmul.f32 v52, v48  }
0xb1: {  	v48 =	vmul.f32 v24, v27;
	v27 =	vshll.u32 v47, $0x10;
	v52 =	vld [tilespmem:s16+$0xB230];
	v24 =	vsub.f32 $1.500000000e+00, v31  }
0xb2: {  	v54 =	vadd.f32 v26, v54;
	v26 =	vmul.f32 v46, v45;
	v45 =	vmul.f32 v39, v39  }
0xb3: {  	v46 =	vshll.u32 v51, $0x10;
	v55 =	vshll.u32 v40, $0x10;
	v31 =	vmul.f32 v24, v29  }
0xb4: {  	v29 =	vadd.f32 v45, v54;
	v45 =	vmul.f32 v26, v26;
	v24 =	vmul.f32 v55, v46  }
0xb5: {  	v46 =	vmul.f32 v49, v49;
	v54 =	vshll.u32 v41, $0x10;
	v55 =	vmul.f32 v31, v25  }
0xb6: {  	v25 =	vmul.f32 v40, v51;
	v29 =	vadd.f32 v29, v45;
	v40 =	vmul.f32 v24, v24  }
0xb7: {  	v50 =	vmul.f32 v27, v50;
	v27 =	vshll.u32 v42, $0x10;
	v45 =	vmul.f32 v48, v48;
	[tilespmem:s14+$0x132F0] =	vst v55  }
0xb8: {  	v47 =	vmul.f32 v47, v28;
	v28 =	vadd.f32 v40, v29;
	v29 =	vmul.f32 v25, v25  }
0xb9: {  	v40 =	vadd.f32 v46, v45;
	v45 =	vmul.f32 v50, v50;
	v46 =	vmul.f32 v27, v54  }
0xba: {  	v51 =	vmul.f32 v47, v47;
	v27 =	vmul.f32 v42, v41;
	v41 =	vadd.f32 v28, v29  }
0xbb: {  	v28 =	vadd.f32 v45, v40;
	v40 =	vmul.f32 v46, v46;
	v29 =	vshll.u32 v53, $0x10  }
0xbc: {  	v42 =	vmul.f32 v27, v27;
	v45 =	vshll.u32 v52, $0x10;
	v54 =	vperm.xlane v41, v0  }
0xbd: {  	v51 =	vadd.f32 v28, v51;
	v28 =	vmul.f32 v45, v29;
	v29 =	vmul.f32 v52, v53  }
0xbe: {  	v30 =	vmul.f32 v44, v30;
	v45 =	vperm.xlane v43, v3;
	v41 =	vadd.f32 v41, v54  }
0xbf: {  	v40 =	vadd.f32 v40, v51;
	v44 =	vmul.f32 v28, v28;
	v51 =	vmul.f32 v29, v29  }
0xc0: {  	v43 =	vadd.f32 v43, v45;
	v45 =	vmul.f32 v30, v5;
	v5 =	vmovc v12;
	v52 =	vperm.xlane v41, v1  }
0xc1: {  	v53 =	vmul.f32 v30, v11;
	v12 =	vmovc v49;
	v40 =	vadd.f32 v40, v42;
	v42 =	vmul.f32 v30, v8  }
0xc2: {  	v49 =	vmul.f32 $5.000000000e-01, v43;
	v8 =	vmovc v14;
	v14 =	vmovc v48;
	v41 =	vadd.f32 v41, v52;
	v52 =	vshrl.u32 v43, $0x1;
	[tilespmem:s13+$0x13200] =	vst v45  }
0xc3: {  	v11 =	vmovc v17;
	v40 =	vadd.f32 v44, v40;
	v43 =	vsub.s32 $0x5F3759DF, v52;
	[tilespmem:s13+$0x13210] =	vst v42;
	v42 =	vmul.f32 v30, v7  }
0xc4: {  	v17 =	vmovc v50;
	v7 =	vmov v21;
	v44 =	vperm.xlane v41, v2;
	v45 =	vmul.f32 v43, v49;
	[tilespmem:s13+$0x13220] =	vst v53  }
0xc5: {  	v34 =	vmul.f32 v30, v34;
	v48 =	vmul.f32 v30, v9;
	v40 =	vadd.f32 v40, v51;
	[tilespmem:s13+$0x13230] =	vst v42  }
0xc6: {  	v35 =	vmul.f32 v30, v35;
	v21 =	vmovc v47;
	v42 =	vadd.f32 v41, v44;
	v41 =	vmul.f32 v43, v45  }
0xc7: {  	v37 =	vmul.f32 v30, v37;
	v9 =	vmovc v18;
	v18 =	vmov v46;
	v44 =	vperm.xlane v40, v0;
	[tilespmem:s13+$0x13240] =	vst v48  }
.Ltmp4:
0xc8: {  	v46 =	vmul.f32 v31, v13;
	v13 =	vmovc v38;
	v30 =	vperm.xlane v42, v3;
	v45 =	vsub.f32 $1.500000000e+00, v41;
	[tilespmem:s13+$0x13250] =	vst v34;
	(pc) =	sbr.rel @p2 .LBB2_6-.Ltmp4, $4  }
0xc9: {  	v38 =	vmul.f32 v31, v15;
	v47 =	vmul.f32 v31, v16;
	v41 =	vadd.f32 v40, v44;
	[tilespmem:s13+$0x13260] =	vst v35  }
0xca: {  	v44 =	vmul.f32 v31, v20;
	v40 =	vadd.f32 v42, v30;
	v30 =	vmul.f32 v43, v45;
	[tilespmem:s13+$0x13270] =	vst v37;
	s13 =	smov.u32 s14;
	s14 =	smov.u32 s16;
	s16 =	sshra.s32 s18, $0x2  }
0xcb: {  	v15 =	vmovc v33;
	v16 =	vmov v32;
	v35 =	vmul.f32 v31, v19;
	v43 =	vperm.xlane v41, v1;
	v42 =	vld [tilespmem:s16+$0x3290];
	[tilespmem:s13+$0x13280] =	vst v46  }
0xcc: {  	v20 =	vmovc v36;
	v19 =	vmovc v39;
	s18 =	sadd.s32 $0x400, s18;
	v32 =	vld [tilespmem:s16+$0x3280];
	v34 =	vshrl.u32 v40, $0x1;
	v40 =	vmul.f32 $5.000000000e-01, v40;
	v37 =	vmul.f32 v30, v49;
	[tilespmem:s13+$0x13290] =	vst v47  }
0xcd: {  	v33 =	vld [tilespmem:s16+$0xB280];
	[tilespmem:s13+$0x132A0] =	vst v38  }
0xce: {  	v22 =	vmul.f32 v31, v22;
	v36 =	vld [tilespmem:s16+$0xB290];
	[tilespmem:s13+$0x132B0] =	vst v44  }
0xcf: {  	v23 =	vmul.f32 v31, v23;
	v38 =	vld [tilespmem:s16+$0x3200];
	[tilespmem:s13+$0x132C0] =	vst v35  }
0xd0: {  	v39 =	vld [tilespmem:s16+$0xB200];
	[tilespmem:s13+$0x132D0] =	vst v22  }
0xd1: {  	v44 =	vld [tilespmem:s16+$0x3210];
	[tilespmem:s13+$0x132E0] =	vst v23  }
0xd2: {  	v23 =	vshll.u32 v42, $0x10;
	v22 =	vshll.u32 v32, $0x10;
	v31 =	vshll.u32 v33, $0x10;
	v35 =	vld [tilespmem:s16+$0x32A0]  }
0xd3: {  	v45 =	vld [tilespmem:s16+$0xB2A0];
	v31 =	vmul.f32 v31, v22;
	v22 =	vmul.f32 v33, v32;
	v55 =	vshll.u32 v36, $0x10  }
0xd4: {  	v23 =	vmul.f32 v55, v23  }
0xd5: {  	v56 =	vmul.f32 v31, v31;
	v33 =	vmul.f32 v22, v22  }
0xd6: {  	v46 =	vld [tilespmem:s16+$0x32B0]  }
0xd7: {  	v58 =	vld [tilespmem:s16+$0xB2B0];
	v32 =	vmul.f32 v36, v42;
	v57 =	vmul.f32 v23, v23;
	v33 =	vadd.f32 v56, v33  }
0xd8: {  	v47 =	vshll.u32 v35, $0x10;
	v48 =	vshll.u32 v45, $0x10  }
0xd9: {  	v49 =	vmul.f32 v32, v32;
	v36 =	vadd.f32 v57, v33;
	v33 =	vmul.f32 v48, v47  }
0xda: {  	v47 =	vsub.s32 $0x5F3759DF, v34  }
0xdb: {  	v34 =	vmul.f32 v45, v35;
	v36 =	vadd.f32 v36, v49;
	v59 =	vmul.f32 v33, v33  }
0xdc: {  	v61 =	vshll.u32 v46, $0x10;
	v62 =	vshll.u32 v58, $0x10  }
0xdd: {  	v63 =	vld [tilespmem:s16+$0xB210];
	v35 =	vmul.f32 v62, v61;
	v50 =	vmul.f32 v34, v34;
	v36 =	vadd.f32 v59, v36;
	_ =	sdelay $0x1  }
0xde: {  	v46 =	vmul.f32 v58, v46;
	v56 =	vmul.f32 v35, v35;
	v36 =	vadd.f32 v36, v50  }
0xdf: {  	v58 =	vshll.u32 v39, $0x10;
	v57 =	vshll.u32 v38, $0x10;
	v60 =	vmul.f32 v47, v40  }
0xe0: {  	v51 =	vld [tilespmem:s16+$0x3220];
	v52 =	vmul.f32 v46, v46;
	v49 =	vmul.f32 v37, v30;
	v42 =	vadd.f32 v56, v36  }
0xe1: {  	v37 =	vmul.f32 v39, v38;
	v45 =	vmul.f32 v47, v60;
	v60 =	vshll.u32 v63, $0x10  }
0xe2: {  	v59 =	vshll.u32 v44, $0x10;
	v50 =	vld [tilespmem:s16+$0xB220];
	v36 =	vmul.f32 v58, v57;
	v42 =	vadd.f32 v42, v52  }
0xe3: {  	v62 =	vmul.f32 v37, v37;
	v45 =	vsub.f32 $1.500000000e+00, v45;
	v38 =	vmul.f32 v60, v59  }
0xe4: {  	v61 =	vmul.f32 v36, v36;
	v53 =	vperm.xlane v42, v0  }
0xe5: {  	v54 =	vld [tilespmem:s16+$0x3230];
	v55 =	vshll.u32 v51, $0x10;
	v39 =	vmul.f32 v63, v44;
	v45 =	vmul.f32 v47, v45  }
0xe6: {  	v47 =	vld [tilespmem:s16+$0xB230];
	v57 =	vmul.f32 v38, v38;
	v63 =	vadd.f32 v61, v62;
	v42 =	vadd.f32 v42, v53  }
0xe7: {  	v59 =	vmul.f32 v39, v39;
	v58 =	vmul.f32 v45, v40;
	v56 =	vshll.u32 v50, $0x10  }
0xe8: {  	v40 =	vmul.f32 v56, v55;
	v44 =	vadd.f32 v57, v63;
	v60 =	vperm.xlane v42, v1  }
0xe9: {  	v55 =	vadd.f32 v41, v43;
	v61 =	vmul.f32 v58, v45;
	v41 =	vmul.f32 v50, v51  }
0xea: {  	v62 =	vmul.f32 v40, v40;
	v44 =	vadd.f32 v44, v59;
	v63 =	vadd.f32 v42, v60  }
0xeb: {  	v56 =	vshll.u32 v54, $0x10;
	v51 =	vmul.f32 v41, v41;
	v57 =	vshll.u32 v47, $0x10  }
0xec: {  	v42 =	vmul.f32 v57, v56;
	v44 =	vadd.f32 v62, v44;
	v58 =	vperm.xlane v63, v2  }
0xed: {  	v49 =	vsub.f32 $1.500000000e+00, v49;
	v43 =	vmul.f32 v47, v54;
	v59 =	vperm.xlane v55, v2  }
0xee: {  	v60 =	vmul.f32 v42, v42;
	v44 =	vadd.f32 v44, v51;
	v48 =	vadd.f32 v63, v58  }
0xef: {  	v30 =	vmul.f32 v49, v30;
	v53 =	vsub.f32 $1.500000000e+00, v61;
	v61 =	vadd.f32 v55, v59  }
0xf0: {  	v62 =	vmul.f32 v43, v43;
	v44 =	vadd.f32 v60, v44;
	v63 =	vperm.xlane v48, v3  }
0xf1: {  	v45 =	vmul.f32 v53, v45;
	v52 =	vperm.xlane v61, v3  }
0xf2: {  	v5 =	vmul.f32 v30, v5;
	v44 =	vadd.f32 v44, v62;
	v47 =	vadd.f32 v48, v63  }
0xf3: {  	v8 =	vmul.f32 v30, v8;
	v25 =	vmul.f32 v45, v25;
	v56 =	vadd.f32 v61, v52  }
0xf4: {  	v57 =	vperm.xlane v44, v0;
	v58 =	vshrl.u32 v47, $0x1;
	v47 =	vmul.f32 $5.000000000e-01, v47  }
0xf5: {  	v59 =	vshrl.u32 v56, $0x1;
	v48 =	vmul.f32 $5.000000000e-01, v56;
	v50 =	vsub.s32 $0x5F3759DF, v58  }
0xf6: {  	v51 =	vsub.s32 $0x5F3759DF, v59;
	v44 =	vadd.f32 v44, v57;
	v60 =	vmul.f32 v50, v47  }
0xf7: {  	v11 =	vmul.f32 v30, v11;
	v61 =	vmul.f32 v51, v48  }
0xf8: {  	[tilespmem:s14+$0x132F0] =	vst v25;
	v25 =	vperm.xlane v44, v1;
	v49 =	vmul.f32 v50, v60  }
0xf9: {  	[tilespmem:s13+$0x13200] =	vst v5;
	v5 =	vmul.f32 v30, v7;
	v7 =	vmul.f32 v51, v61  }
0xfa: {  	[tilespmem:s13+$0x13210] =	vst v8;
	v8 =	vmul.f32 v30, v9;
	v9 =	vadd.f32 v44, v25;
	v25 =	vsub.f32 $1.500000000e+00, v49  }
0xfb: {  	v4 =	vmul.f32 v30, v4;
	v10 =	vmul.f32 v30, v10;
	[tilespmem:s13+$0x13220] =	vst v11;
	v7 =	vsub.f32 $1.500000000e+00, v7  }
0xfc: {  	[tilespmem:s13+$0x13230] =	vst v5;
	v5 =	vperm.xlane v9, v2;
	v11 =	vmul.f32 v50, v25  }
0xfd: {  	v6 =	vmul.f32 v30, v6;
	[tilespmem:s13+$0x13250] =	vst v4;
	v7 =	vmul.f32 v51, v7  }
0xfe: {  	[tilespmem:s13+$0x13240] =	vst v8;
	v8 =	vmul.f32 v45, v13;
	v4 =	vadd.f32 v9, v5;
	v5 =	vmul.f32 v11, v47  }
0xff: {  	[tilespmem:s13+$0x13260] =	vst v10;
	v13 =	vmul.f32 v45, v15;
	v10 =	vmul.f32 v7, v48  }
0x100: {  	[tilespmem:s13+$0x13270] =	vst v6;
	v6 =	vperm.xlane v4, v3;
	v5 =	vmul.f32 v5, v11  }
0x101: {  	[tilespmem:s14+$0x13280] =	vst v8;
	v9 =	vmul.f32 v45, v16;
	v8 =	vmul.f32 v10, v7  }
0x102: {  	[tilespmem:s14+$0x132A0] =	vst v13;
	v10 =	vmul.f32 v45, v20;
	v4 =	vadd.f32 v4, v6;
	v5 =	vsub.f32 $1.500000000e+00, v5  }
0x103: {  	[tilespmem:s14+$0x13290] =	vst v9;
	v9 =	vmul.f32 v45, v26;
	v6 =	vmul.f32 v45, v19;
	v8 =	vsub.f32 $1.500000000e+00, v8  }
0x104: {  	[tilespmem:s14+$0x132B0] =	vst v10;
	v10 =	vshrl.u32 v4, $0x1;
	v4 =	vmul.f32 $5.000000000e-01, v4;
	v5 =	vmul.f32 v5, v11  }
0x105: {  	[tilespmem:s14+$0x132C0] =	vst v6;
	v6 =	vmul.f32 v45, v24;
	v7 =	vmul.f32 v8, v7;
	v8 =	vsub.s32 $0x5F3759DF, v10  }
0x106: {  	[tilespmem:s14+$0x132D0] =	vst v9;
	v10 =	vmul.f32 v8, v4;
	v9 =	vmul.f32 v5, v46  }
0x107: {  	[tilespmem:s14+$0x132E0] =	vst v6;
	v6 =	vmul.f32 v7, v12  }
0x108: {  	v10 =	vmul.f32 v8, v10;
	[tilespmem:s16+$0x132F0] =	vst v9;
	v9 =	vmul.f32 v7, v14  }
0x109: {  	v11 =	vmul.f32 v7, v17;
	[tilespmem:s14+$0x13200] =	vst v6  }
0x10a: {  	v6 =	vmul.f32 v7, v21;
	[tilespmem:s14+$0x13210] =	vst v9;
	v9 =	vsub.f32 $1.500000000e+00, v10  }
0x10b: {  	[tilespmem:s14+$0x13220] =	vst v11;
	v10 =	vmul.f32 v7, v18  }
0x10c: {  	[tilespmem:s14+$0x13230] =	vst v6;
	v6 =	vmul.f32 v7, v27;
	v8 =	vmul.f32 v8, v9  }
0x10d: {  	v9 =	vmul.f32 v7, v28;
	[tilespmem:s14+$0x13240] =	vst v10  }
0x10e: {  	v7 =	vmul.f32 v7, v29;
	[tilespmem:s14+$0x13250] =	vst v6;
	v4 =	vmul.f32 v8, v4  }
0x10f: {  	v6 =	vmul.f32 v5, v31;
	[tilespmem:s14+$0x13260] =	vst v9  }
0x110: {  	v9 =	vmul.f32 v5, v22;
	[tilespmem:s14+$0x13270] =	vst v7;
	v4 =	vmul.f32 v4, v8  }
0x111: {  	v7 =	vmul.f32 v5, v23;
	[tilespmem:s16+$0x13280] =	vst v6  }
0x112: {  	v6 =	vmul.f32 v5, v32;
	[tilespmem:s16+$0x13290] =	vst v9;
	v4 =	vsub.f32 $1.500000000e+00, v4  }
0x113: {  	v9 =	vmul.f32 v5, v33;
	[tilespmem:s16+$0x132A0] =	vst v7  }
0x114: {  	v7 =	vmul.f32 v5, v34;
	[tilespmem:s16+$0x132B0] =	vst v6;
	v4 =	vmul.f32 v4, v8  }
0x115: {  	v5 =	vmul.f32 v5, v35;
	[tilespmem:s16+$0x132C0] =	vst v9  }
0x116: {  	[tilespmem:s16+$0x132D0] =	vst v7;
	v6 =	vmul.f32 v4, v36  }
0x117: {  	[tilespmem:s16+$0x132E0] =	vst v5;
	v5 =	vmul.f32 v4, v37  }
0x118: {  	v7 =	vmul.f32 v4, v38;
	[tilespmem:s16+$0x13200] =	vst v6  }
0x119: {  	[tilespmem:s16+$0x13210] =	vst v5;
	v5 =	vmul.f32 v4, v39  }
0x11a: {  	[tilespmem:s16+$0x13220] =	vst v7;
	v6 =	vmul.f32 v4, v40  }
0x11b: {  	v7 =	vmul.f32 v4, v42;
	[tilespmem:s16+$0x13230] =	vst v5  }
0x11c: {  	v5 =	vmul.f32 v4, v41;
	[tilespmem:s16+$0x13240] =	vst v6  }
0x11d: {  	v4 =	vmul.f32 v4, v43;
	[tilespmem:s16+$0x13260] =	vst v7  }
0x11e: {  	s13 =	sshll.u32 s11, $0xC;
	[tilespmem:s16+$0x13250] =	vst v5  }
0x11f: {  	s18 =	sadd.s32 s13, s15;
	s14 =	simm.s32 @p0 $0x2;
	[tilespmem:s16+$0x13270] =	vst v4  }
0x120: {  	[hbm4b:s18+s3] =	stream.linear.scatter [tilespmem:s28], [sflag:$0x3], $0x4000, $0x38;
	[tilespmem:$0x1B200] =	vst v63  }
0x121: {  	_ =	swait.ge @p0 [sflag:s14], $0x2000  }
0x122: {  	[sflag:s14] =	ssyncset.done @p0 $0x0  }
0x123: {  	[sflag:s14] =	ssyncadd.s32 @p0 $0xFFFFE000  }
0x124: {  	_ =	swait.ge @p0 [sflag:s14], $0x2000  }
0x125: {  	[sflag:s14] =	ssyncset.done @p0 $0x0  }
0x126: {  	[sflag:s14] =	ssyncadd.s32 @p0 $0xFFFFE000;
	s14 =	simm.s32 @!p0 $0x5  }
0x127: {  	_ =	swait.ge @!p0 [sflag:s14], $0x80  }
0x128: {  	[sflag:s14] =	ssyncset.done @!p0 $0x0  }
0x129: {  	[sflag:s14] =	ssyncadd.s32 @!p0 $0xFFFFFF80  }
0x12a: {  	_ =	swait.ge @!p0 [sflag:s14], $0x80  }
0x12b: {  	s16 =	simm.s32 @!p0 $0x3000;
	[sflag:s14] =	ssyncset.done @!p0 $0x0  }
0x12c: {  	s18 =	simm.s32 @!p0 $0x3200;
	[sflag:s14] =	ssyncadd.s32 @!p0 $0xFFFFFF80;
	s14 =	simm.s32 @!p0 $0x80  }
0x12d: {  	[tilespmem:s18], [sflag:$0x1] =	stream.indirect.gather @!p0 [spmem:s1], $0x40, s16, s14, $0xb8;
	[tilespmem:$0x1B200] =	vst v63  }
0x12e: {  	s16 =	simm.s32 @!p0 $0x3100;
	s18 =	simm.s32 @!p0 $0xB200  }
0x12f: {  	[tilespmem:s18], [sflag:$0x1] =	stream.indirect.gather @!p0 [spmem:s2], $0x40, s16, s14, $0xb8;
	[tilespmem:$0x1B200] =	vst v63  }
0x130: {  	s14 =	simm.s32 @!p0 $0x2  }
0x131: {  	s12 =	sadd.s32 @!p0 $0x180, s12;
	_ =	swait.ge @!p0 [sflag:s14], $0x2000  }
0x132: {  	s16 =	sand.u32 @!p0 $0x3C00, s12;
	[sflag:s14] =	ssyncset.done @!p0 $0x0  }
0x133: {  	s12 =	sand.u32 @!p0 $0x380, s12;
	s16 =	sadd.s32 @!p0 s7, s16;
	[sflag:s14] =	ssyncadd.s32 @!p0 $0xFFFFE000  }
0x134: {  	s12 =	sor.u32 @!p0 s12, s16;
	_ =	swait.ge @!p0 [sflag:s14], $0x2000  }
0x135: {  	s18 =	simm.s32 @!p0 $0x3080;
	s12 =	sshrl.u32 @!p0 s12, $0x3;
	[sflag:s14] =	ssyncset.done @!p0 $0x0  }
0x136: {  	s16 =	simm.s32 @!p0 $0x0;
	[sflag:s14] =	ssyncadd.s32 @!p0 $0xFFFFE000;
	s14 =	sadd.s32 @!p0 s5, s12  }
0x137: {  	[tilespmem:s18], [sflag:$0x6] =	stream.linear.gather @!p0 [hbm4b:s14+s16], $0x80, $0x38;
	[tilespmem:$0x1B200] =	vst v63  }
0x138: {  	s12 =	sadd.s32 @!p0 s6, s12;
	s14 =	simm.s32 @!p0 $0x3180  }
0x139: {  	[tilespmem:s14], [sflag:$0x6] =	stream.linear.gather @!p0 [hbm4b:s12+s16], $0x80, $0x38;
	[tilespmem:$0x1B200] =	vst v63  }
0x13a: {  	s12 =	simm.s32 @!p1 $0x4  }
0x13b: {  	_ =	swait.ge @!p1 [sflag:s12], $0x4000  }
0x13c: {  	[sflag:s12] =	ssyncset.done @!p1 $0x0  }
0x13d: {  	[sflag:s12] =	ssyncadd.s32 @!p1 $0xFFFFC000;
	s12 =	simm.s32 $0x0  }
0x13e: {  	v4 =	vld [tilespmem:s12+$0x7290]  }
0x13f: {  	v5 =	vld [tilespmem:s12+$0x7280]  }
0x140: {  	v6 =	vld [tilespmem:s12+$0xF280]  }
0x141: {  	v7 =	vld [tilespmem:s12+$0xF290];
	_ =	sdelay $0x3  }
0x142: {  	v11 =	vld [tilespmem:s12+$0x72A0];
	v8 =	vshll.u32 v4, $0x10;
	v9 =	vshll.u32 v5, $0x10;
	v10 =	vshll.u32 v6, $0x10  }
0x143: {  	v30 =	vmul.f32 v6, v5;
	v5 =	vshll.u32 v7, $0x10;
	v6 =	vld [tilespmem:s12+$0xF2A0];
	v32 =	vmul.f32 v10, v9  }
0x144: {  	v33 =	vmul.f32 v5, v8  }
0x145: {  	v8 =	vmul.f32 v30, v30;
	v5 =	vmul.f32 v32, v32  }
0x146: {  	v34 =	vmul.f32 v7, v4;
	v7 =	vld [tilespmem:s12+$0xF2B0]  }
0x147: {  	v9 =	vld [tilespmem:s12+$0x72B0];
	v4 =	vmul.f32 v33, v33;
	v5 =	vadd.f32 v5, v8  }
0x148: {  	v10 =	vshll.u32 v11, $0x10;
	v12 =	vshll.u32 v6, $0x10  }
0x149: {  	v35 =	vmul.f32 v12, v10;
	v4 =	vadd.f32 v4, v5;
	v5 =	vmul.f32 v34, v34  }
0x14a: {  	v13 =	vld [tilespmem:s12+$0xF200]  }
0x14b: {  	v8 =	vld [tilespmem:s12+$0x7200];
	v22 =	vmul.f32 v6, v11;
	v4 =	vadd.f32 v4, v5;
	v5 =	vmul.f32 v35, v35  }
0x14c: {  	v6 =	vld [tilespmem:s12+$0x7210];
	v11 =	vshll.u32 v7, $0x10;
	v10 =	vshll.u32 v9, $0x10  }
0x14d: {  	v12 =	vld [tilespmem:s12+$0xF210];
	v23 =	vmul.f32 v11, v10;
	v4 =	vadd.f32 v5, v4;
	v5 =	vmul.f32 v22, v22  }
0x14e: {  	v14 =	vld [tilespmem:s12+$0x7220]  }
0x14f: {  	v15 =	vld [tilespmem:s12+$0xF220];
	v36 =	vmul.f32 v7, v9;
	v7 =	vmul.f32 v23, v23;
	v4 =	vadd.f32 v4, v5  }
0x150: {  	v11 =	vshll.u32 v13, $0x10;
	v10 =	vshll.u32 v8, $0x10;
	v8 =	vmul.f32 v13, v8  }
0x151: {  	v5 =	vmul.f32 v11, v10;
	v4 =	vadd.f32 v7, v4;
	v7 =	vmul.f32 v36, v36  }
0x152: {  	v9 =	vshll.u32 v6, $0x10;
	v16 =	vmul.f32 v8, v8;
	v10 =	vshll.u32 v12, $0x10  }
0x153: {  	v11 =	vmul.f32 v10, v9;
	v13 =	vmul.f32 v5, v5;
	v4 =	vadd.f32 v4, v7  }
0x154: {  	v17 =	vld [tilespmem:s12+$0x7230];
	v9 =	vshll.u32 v14, $0x10;
	v10 =	vshll.u32 v15, $0x10;
	v7 =	vmul.f32 v12, v6  }
0x155: {  	v6 =	vld [tilespmem:s12+$0xF230];
	v12 =	vadd.f32 v13, v16;
	v13 =	vmul.f32 v11, v11;
	v16 =	vperm.xlane v4, v0  }
0x156: {  	v9 =	vmul.f32 v10, v9  }
0x157: {  	v10 =	vmul.f32 v7, v7;
	v12 =	vadd.f32 v13, v12;
	v13 =	vadd.f32 v4, v16  }
0x158: {  	v4 =	vmul.f32 v15, v14  }
0x159: {  	v14 =	vmul.f32 v9, v9;
	v12 =	vadd.f32 v12, v10;
	v15 =	vperm.xlane v13, v1  }
0x15a: {  	v10 =	vshll.u32 v17, $0x10;
	v18 =	vshll.u32 v6, $0x10;
	v16 =	vmul.f32 v4, v4  }
0x15b: {  	v10 =	vmul.f32 v18, v10;
	v12 =	vadd.f32 v14, v12;
	v13 =	vadd.f32 v13, v15  }
0x15c: {  	v6 =	vmul.f32 v6, v17  }
0x15d: {  	v14 =	vmul.f32 v10, v10;
	v12 =	vadd.f32 v12, v16;
	v15 =	vperm.xlane v13, v2;
	_ =	sdelay $0x1  }
0x15e: {  	v16 =	vmul.f32 v6, v6;
	v12 =	vadd.f32 v14, v12;
	v13 =	vadd.f32 v13, v15  }
0x15f: {  	s14 =	simm.s32 $0x100  }
0x160: {  	v17 =	vld [tilespmem:s14+$0x7290];
	v12 =	vadd.f32 v12, v16;
	v14 =	vperm.xlane v13, v3  }
0x161: {  	v15 =	vld [tilespmem:s14+$0x7280]  }
0x162: {  	v16 =	vperm.xlane v12, v0;
	v13 =	vadd.f32 v13, v14;
	v14 =	vld [tilespmem:s14+$0xF280]  }
0x163: {  	v18 =	vld [tilespmem:s14+$0xF290]  }
0x164: {  	v12 =	vadd.f32 v12, v16  }
0x165: {  	v27 =	vld [tilespmem:s14+$0xF200];
	v26 =	vshll.u32 v17, $0x10  }
0x166: {  	v29 =	vld [tilespmem:s14+$0xF2A0];
	v16 =	vshrl.u32 v13, $0x1;
	v21 =	vmul.f32 $5.000000000e-01, v13;
	v19 =	vperm.xlane v12, v1  }
0x167: {  	v25 =	vld [tilespmem:s14+$0x7200];
	v13 =	vshll.u32 v15, $0x10;
	v24 =	vsub.s32 $0x5F3759DF, v16;
	v16 =	vshll.u32 v14, $0x10  }
0x168: {  	v28 =	vld [tilespmem:s14+$0x72A0];
	v13 =	vmul.f32 v16, v13;
	v16 =	vmul.f32 v14, v15;
	v14 =	vshll.u32 v18, $0x10  }
0x169: {  	v20 =	vmul.f32 v24, v21;
	v31 =	vadd.f32 v12, v19;
	v15 =	vmul.f32 v14, v26  }
0x16a: {  	v62 =	vld [tilespmem:s14+$0x7210];
	v49 =	vshll.u32 v27, $0x10;
	v14 =	vmul.f32 v13, v13;
	v19 =	vmul.f32 v16, v16  }
0x16b: {  	v48 =	vld [tilespmem:s14+$0x72B0];
	v50 =	vshll.u32 v29, $0x10;
	v12 =	vmul.f32 v24, v20;
	v63 =	vperm.xlane v31, v2  }
0x16c: {  	v20 =	vmul.f32 v18, v17;
	v18 =	vld [tilespmem:s14+$0xF2B0];
	v17 =	vmul.f32 v15, v15;
	v14 =	vadd.f32 v14, v19  }
0x16d: {  	v26 =	vshll.u32 v25, $0x10;
	v12 =	vsub.f32 $1.500000000e+00, v12;
	v19 =	vshll.u32 v28, $0x10  }
0x16e: {  	v51 =	vld [tilespmem:s14+$0xF210];
	v19 =	vmul.f32 v50, v19;
	v14 =	vadd.f32 v17, v14;
	v17 =	vmul.f32 v20, v20  }
0x16f: {  	v52 =	vshll.u32 v62, $0x10;
	v41 =	vmul.f32 v24, v12;
	v12 =	vmul.f32 v49, v26  }
0x170: {  	v26 =	vmul.f32 v29, v28;
	v14 =	vadd.f32 v14, v17;
	v17 =	vmul.f32 v19, v19  }
0x171: {  	v24 =	vshll.u32 v48, $0x10;
	v28 =	vshll.u32 v18, $0x10;
	v21 =	vmul.f32 v41, v21  }
0x172: {  	v29 =	vld [tilespmem:s14+$0x7220];
	v53 =	vmul.f32 v26, v26;
	v24 =	vmul.f32 v28, v24;
	v17 =	vadd.f32 v17, v14  }
0x173: {  	v28 =	vld [tilespmem:s14+$0xF220];
	v54 =	vmul.f32 v12, v12;
	v14 =	vmul.f32 v27, v25;
	v27 =	vshll.u32 v51, $0x10  }
0x174: {  	v25 =	vmul.f32 v18, v48;
	v18 =	vmul.f32 v24, v24;
	v43 =	vadd.f32 v17, v53  }
0x175: {  	v38 =	vadd.f32 v31, v63;
	v31 =	vmul.f32 v14, v14;
	v17 =	vmul.f32 v27, v52  }
0x176: {  	v55 =	vld [tilespmem:s14+$0x7230];
	v27 =	vmul.f32 v21, v41;
	v56 =	vmul.f32 v25, v25;
	v18 =	vadd.f32 v18, v43  }
0x177: {  	v57 =	vld [tilespmem:s14+$0xF230];
	v21 =	vmul.f32 v51, v62;
	v31 =	vadd.f32 v54, v31;
	v58 =	vmul.f32 v17, v17  }
0x178: {  	v59 =	vshll.u32 v29, $0x10;
	v60 =	vshll.u32 v28, $0x10;
	v40 =	vadd.f32 v18, v56  }
0x179: {  	v61 =	vmul.f32 v21, v21;
	v18 =	vmul.f32 v60, v59;
	v31 =	vadd.f32 v58, v31  }
0x17a: {  	v62 =	vsub.f32 $1.500000000e+00, v27;
	v27 =	vmul.f32 v28, v29;
	v28 =	vperm.xlane v40, v0  }
0x17b: {  	v63 =	vshll.u32 v55, $0x10;
	v29 =	vmul.f32 v18, v18;
	v31 =	vadd.f32 v31, v61  }
0x17c: {  	v49 =	vperm.xlane v38, v3;
	v48 =	vshll.u32 v57, $0x10;
	v40 =	vadd.f32 v40, v28  }
0x17d: {  	v50 =	vmul.f32 v27, v27;
	v28 =	vmul.f32 v48, v63;
	v51 =	vadd.f32 v29, v31  }
0x17e: {  	v38 =	vadd.f32 v38, v49;
	v52 =	vperm.xlane v40, v1  }
0x17f: {  	v29 =	vmul.f32 v57, v55;
	v53 =	vmul.f32 v28, v28;
	v54 =	vadd.f32 v51, v50  }
0x180: {  	v45 =	vmul.f32 $5.000000000e-01, v38;
	v55 =	vshrl.u32 v38, $0x1;
	v37 =	vadd.f32 v40, v52  }
0x181: {  	v56 =	vmul.f32 v29, v29;
	v39 =	vadd.f32 v53, v54;
	v40 =	vsub.s32 $0x5F3759DF, v55  }
0x182: {  	v58 =	vmul.f32 v40, v45;
	v57 =	vperm.xlane v37, v2  }
0x183: {  	v31 =	vmul.f32 v62, v41;
	v38 =	vadd.f32 v39, v56  }
0x184: {  	v59 =	vmul.f32 v40, v58;
	v37 =	vadd.f32 v37, v57  }
0x185: {  	v36 =	vmul.f32 v31, v36;
	v60 =	vperm.xlane v38, v0  }
0x186: {  	v32 =	vmul.f32 v31, v32;
	v39 =	vsub.f32 $1.500000000e+00, v59;
	v61 =	vperm.xlane v37, v3  }
0x187: {  	v62 =	vmul.f32 v31, v30;
	v44 =	vmul.f32 v31, v34;
	v41 =	vadd.f32 v38, v60  }
0x188: {  	s16 =	simm.s32 $0x200;
	v35 =	vmul.f32 v31, v35;
	[tilespmem:s12+$0x172F0] =	vst v36;
	v30 =	vmul.f32 v40, v39;
	v63 =	vadd.f32 v37, v61  }
0x189: {  	v42 =	vld [tilespmem:s16+$0x7290];
	[tilespmem:s12+$0x17280] =	vst v32;
	v38 =	vmul.f32 v31, v33;
	v43 =	vperm.xlane v41, v1  }
0x18a: {  	s18 =	simm.s32 $0xC00;
	v32 =	vld [tilespmem:s16+$0x7280];
	[tilespmem:s12+$0x17290] =	vst v62;
	v37 =	vmul.f32 v30, v45;
	v34 =	vshrl.u32 v63, $0x1;
	v40 =	vmul.f32 $5.000000000e-01, v63  }
.LBB2_8:
0x18b: {  	p1 =	sne.s32 s18, $0xFC00;
	v33 =	vld [tilespmem:s16+$0xF280];
	v36 =	vadd.f32 v41, v43;
	v39 =	vsub.s32 $0x5F3759DF, v34;
	[tilespmem:s12+$0x172A0] =	vst v38;
	v38 =	vmul.f32 v31, v22;
	v22 =	vmovc v26  }
0x18c: {  	v34 =	vmovc v4;
	v4 =	vmov v27;
	v26 =	vld [tilespmem:s16+$0xF290];
	v41 =	vmul.f32 v39, v40;
	v45 =	vmul.f32 v37, v30;
	[tilespmem:s12+$0x172B0] =	vst v44  }
0x18d: {  	v31 =	vmul.f32 v31, v23;
	v23 =	vmovc v24;
	v27 =	vld [tilespmem:s16+$0x7200];
	v43 =	vperm.xlane v36, v2;
	[tilespmem:s12+$0x172C0] =	vst v35;
	v35 =	vmov v10  }
0x18e: {  	v37 =	vmovc v6;
	v6 =	vmovc v29;
	v10 =	vmov v28;
	v24 =	vld [tilespmem:s16+$0xF200];
	v41 =	vmul.f32 v39, v41;
	v44 =	vsub.f32 $1.500000000e+00, v45;
	[tilespmem:s12+$0x172D0] =	vst v38  }
0x18f: {  	v29 =	vshll.u32 v42, $0x10;
	v28 =	vld [tilespmem:s16+$0x7210];
	v43 =	vadd.f32 v36, v43;
	[tilespmem:s12+$0x172E0] =	vst v31  }
0x190: {  	v31 =	vshll.u32 v32, $0x10;
	v36 =	vshll.u32 v33, $0x10;
	v45 =	vld [tilespmem:s16+$0x72A0];
	v41 =	vsub.f32 $1.500000000e+00, v41  }
0x191: {  	v32 =	vmul.f32 v33, v32;
	v38 =	vmul.f32 v36, v31;
	v31 =	vshll.u32 v26, $0x10;
	v46 =	vld [tilespmem:s16+$0xF2A0]  }
0x192: {  	v36 =	vshll.u32 v27, $0x10;
	v47 =	vld [tilespmem:s16+$0xF210];
	v33 =	vmul.f32 v31, v29;
	v29 =	vmul.f32 v39, v41  }
0x193: {  	v48 =	vmul.f32 v32, v32;
	v31 =	vshll.u32 v24, $0x10;
	v41 =	vld [tilespmem:s16+$0x7220];
	v39 =	vmul.f32 v38, v38  }
0x194: {  	v49 =	vmul.f32 v31, v36;
	v50 =	vshll.u32 v28, $0x10;
	v51 =	vld [tilespmem:s16+$0x72B0];
	v31 =	vmul.f32 v29, v40  }
0x195: {  	v36 =	vmul.f32 v26, v42;
	v26 =	vmul.f32 v33, v33;
	v39 =	vadd.f32 v39, v48;
	v40 =	vld [tilespmem:s16+$0xF2B0]  }
0x196: {  	v48 =	vshll.u32 v45, $0x10;
	v42 =	vld [tilespmem:s16+$0xF220];
	v52 =	vshll.u32 v46, $0x10;
	v31 =	vmul.f32 v31, v29  }
0x197: {  	v54 =	vmul.f32 v36, v36;
	v53 =	vld [tilespmem:s16+$0x7230];
	v26 =	vadd.f32 v26, v39;
	v39 =	vmul.f32 v52, v48  }
0x198: {  	v48 =	vmul.f32 v24, v27;
	v27 =	vshll.u32 v47, $0x10;
	v52 =	vld [tilespmem:s16+$0xF230];
	v24 =	vsub.f32 $1.500000000e+00, v31  }
0x199: {  	v54 =	vadd.f32 v26, v54;
	v26 =	vmul.f32 v46, v45;
	v45 =	vmul.f32 v39, v39  }
0x19a: {  	v46 =	vshll.u32 v51, $0x10;
	v55 =	vshll.u32 v40, $0x10;
	v31 =	vmul.f32 v24, v29  }
0x19b: {  	v29 =	vadd.f32 v45, v54;
	v45 =	vmul.f32 v26, v26;
	v24 =	vmul.f32 v55, v46  }
0x19c: {  	v46 =	vmul.f32 v49, v49;
	v54 =	vshll.u32 v41, $0x10;
	v55 =	vmul.f32 v31, v25  }
0x19d: {  	v25 =	vmul.f32 v40, v51;
	v29 =	vadd.f32 v29, v45;
	v40 =	vmul.f32 v24, v24  }
0x19e: {  	v50 =	vmul.f32 v27, v50;
	v27 =	vshll.u32 v42, $0x10;
	v45 =	vmul.f32 v48, v48;
	[tilespmem:s14+$0x172F0] =	vst v55  }
0x19f: {  	v47 =	vmul.f32 v47, v28;
	v28 =	vadd.f32 v40, v29;
	v29 =	vmul.f32 v25, v25  }
0x1a0: {  	v40 =	vadd.f32 v46, v45;
	v45 =	vmul.f32 v50, v50;
	v46 =	vmul.f32 v27, v54  }
0x1a1: {  	v51 =	vmul.f32 v47, v47;
	v27 =	vmul.f32 v42, v41;
	v41 =	vadd.f32 v28, v29  }
0x1a2: {  	v28 =	vadd.f32 v45, v40;
	v40 =	vmul.f32 v46, v46;
	v29 =	vshll.u32 v53, $0x10  }
0x1a3: {  	v42 =	vmul.f32 v27, v27;
	v45 =	vshll.u32 v52, $0x10;
	v54 =	vperm.xlane v41, v0  }
0x1a4: {  	v51 =	vadd.f32 v28, v51;
	v28 =	vmul.f32 v45, v29;
	v29 =	vmul.f32 v52, v53  }
0x1a5: {  	v30 =	vmul.f32 v44, v30;
	v45 =	vperm.xlane v43, v3;
	v41 =	vadd.f32 v41, v54  }
0x1a6: {  	v40 =	vadd.f32 v40, v51;
	v44 =	vmul.f32 v28, v28;
	v51 =	vmul.f32 v29, v29  }
0x1a7: {  	v43 =	vadd.f32 v43, v45;
	v45 =	vmul.f32 v30, v5;
	v5 =	vmovc v12;
	v52 =	vperm.xlane v41, v1  }
0x1a8: {  	v53 =	vmul.f32 v30, v11;
	v12 =	vmovc v49;
	v40 =	vadd.f32 v40, v42;
	v42 =	vmul.f32 v30, v8  }
0x1a9: {  	v49 =	vmul.f32 $5.000000000e-01, v43;
	v8 =	vmovc v14;
	v14 =	vmovc v48;
	v41 =	vadd.f32 v41, v52;
	v52 =	vshrl.u32 v43, $0x1;
	[tilespmem:s12+$0x17200] =	vst v45  }
0x1aa: {  	v11 =	vmovc v17;
	v40 =	vadd.f32 v44, v40;
	v43 =	vsub.s32 $0x5F3759DF, v52;
	[tilespmem:s12+$0x17210] =	vst v42;
	v42 =	vmul.f32 v30, v7  }
0x1ab: {  	v17 =	vmovc v50;
	v7 =	vmov v21;
	v44 =	vperm.xlane v41, v2;
	v45 =	vmul.f32 v43, v49;
	[tilespmem:s12+$0x17220] =	vst v53  }
0x1ac: {  	v34 =	vmul.f32 v30, v34;
	v48 =	vmul.f32 v30, v9;
	v40 =	vadd.f32 v40, v51;
	[tilespmem:s12+$0x17230] =	vst v42  }
0x1ad: {  	v35 =	vmul.f32 v30, v35;
	v21 =	vmovc v47;
	v42 =	vadd.f32 v41, v44;
	v41 =	vmul.f32 v43, v45  }
0x1ae: {  	v37 =	vmul.f32 v30, v37;
	v9 =	vmovc v18;
	v18 =	vmov v46;
	v44 =	vperm.xlane v40, v0;
	[tilespmem:s12+$0x17240] =	vst v48  }
.Ltmp5:
0x1af: {  	v46 =	vmul.f32 v31, v13;
	v13 =	vmovc v38;
	v30 =	vperm.xlane v42, v3;
	v45 =	vsub.f32 $1.500000000e+00, v41;
	[tilespmem:s12+$0x17250] =	vst v34;
	(pc) =	sbr.rel @p1 .LBB2_8-.Ltmp5, $4  }
0x1b0: {  	v38 =	vmul.f32 v31, v15;
	v47 =	vmul.f32 v31, v16;
	v41 =	vadd.f32 v40, v44;
	[tilespmem:s12+$0x17260] =	vst v35  }
0x1b1: {  	v44 =	vmul.f32 v31, v20;
	v40 =	vadd.f32 v42, v30;
	v30 =	vmul.f32 v43, v45;
	[tilespmem:s12+$0x17270] =	vst v37;
	s12 =	smov.u32 s14;
	s14 =	smov.u32 s16;
	s16 =	sshra.s32 s18, $0x2  }
0x1b2: {  	v15 =	vmovc v33;
	v16 =	vmov v32;
	v35 =	vmul.f32 v31, v19;
	v43 =	vperm.xlane v41, v1;
	v42 =	vld [tilespmem:s16+$0x7290];
	[tilespmem:s12+$0x17280] =	vst v46  }
0x1b3: {  	v20 =	vmovc v36;
	v19 =	vmovc v39;
	s18 =	sadd.s32 $0x400, s18;
	v32 =	vld [tilespmem:s16+$0x7280];
	v34 =	vshrl.u32 v40, $0x1;
	v40 =	vmul.f32 $5.000000000e-01, v40;
	v37 =	vmul.f32 v30, v49;
	[tilespmem:s12+$0x17290] =	vst v47  }
0x1b4: {  	v33 =	vld [tilespmem:s16+$0xF280];
	[tilespmem:s12+$0x172A0] =	vst v38  }
0x1b5: {  	v22 =	vmul.f32 v31, v22;
	v36 =	vld [tilespmem:s16+$0xF290];
	[tilespmem:s12+$0x172B0] =	vst v44  }
0x1b6: {  	v23 =	vmul.f32 v31, v23;
	v38 =	vld [tilespmem:s16+$0x7200];
	[tilespmem:s12+$0x172C0] =	vst v35  }
0x1b7: {  	v39 =	vld [tilespmem:s16+$0xF200];
	[tilespmem:s12+$0x172D0] =	vst v22  }
0x1b8: {  	v44 =	vld [tilespmem:s16+$0x7210];
	[tilespmem:s12+$0x172E0] =	vst v23  }
0x1b9: {  	v56 =	vshll.u32 v42, $0x10;
	v57 =	vshll.u32 v32, $0x10;
	v58 =	vshll.u32 v33, $0x10;
	v35 =	vld [tilespmem:s16+$0x72A0]  }
0x1ba: {  	v22 =	vmul.f32 v33, v32;
	v45 =	vld [tilespmem:s16+$0xF2A0];
	v31 =	vmul.f32 v58, v57;
	v59 =	vshll.u32 v36, $0x10  }
0x1bb: {  	v23 =	vmul.f32 v59, v56  }
0x1bc: {  	v33 =	vmul.f32 v22, v22;
	v60 =	vmul.f32 v31, v31  }
0x1bd: {  	v46 =	vld [tilespmem:s16+$0x72B0]  }
0x1be: {  	v62 =	vld [tilespmem:s16+$0xF2B0];
	v32 =	vmul.f32 v36, v42;
	v61 =	vmul.f32 v23, v23;
	v33 =	vadd.f32 v60, v33  }
0x1bf: {  	v47 =	vshll.u32 v35, $0x10;
	v48 =	vshll.u32 v45, $0x10  }
0x1c0: {  	v49 =	vmul.f32 v32, v32;
	v36 =	vadd.f32 v61, v33;
	v33 =	vmul.f32 v48, v47  }
0x1c1: {  	v63 =	vsub.s32 $0x5F3759DF, v34  }
0x1c2: {  	v34 =	vmul.f32 v45, v35;
	v36 =	vadd.f32 v36, v49;
	v53 =	vmul.f32 v33, v33  }
0x1c3: {  	v54 =	vmul.f32 v63, v40;
	v55 =	vshll.u32 v46, $0x10;
	v56 =	vshll.u32 v62, $0x10  }
0x1c4: {  	v35 =	vmul.f32 v56, v55;
	v50 =	vmul.f32 v34, v34;
	v36 =	vadd.f32 v53, v36  }
0x1c5: {  	v45 =	vmul.f32 v63, v54;
	v48 =	vld [tilespmem:s16+$0xF210]  }
0x1c6: {  	v46 =	vmul.f32 v62, v46;
	v57 =	vmul.f32 v35, v35;
	v36 =	vadd.f32 v36, v50  }
0x1c7: {  	v51 =	vld [tilespmem:s16+$0x7220];
	v58 =	vshll.u32 v38, $0x10;
	v59 =	vshll.u32 v39, $0x10;
	v45 =	vsub.f32 $1.500000000e+00, v45  }
0x1c8: {  	v52 =	vmul.f32 v46, v46;
	v49 =	vmul.f32 v37, v30;
	v42 =	vadd.f32 v57, v36  }
0x1c9: {  	v60 =	vshll.u32 v44, $0x10;
	v37 =	vmul.f32 v39, v38;
	v45 =	vmul.f32 v63, v45  }
0x1ca: {  	v61 =	vshll.u32 v48, $0x10;
	v50 =	vld [tilespmem:s16+$0xF220];
	v36 =	vmul.f32 v59, v58;
	v42 =	vadd.f32 v42, v52  }
0x1cb: {  	v63 =	vmul.f32 v37, v37;
	v38 =	vmul.f32 v61, v60  }
0x1cc: {  	v55 =	vshll.u32 v51, $0x10;
	v62 =	vmul.f32 v36, v36;
	v53 =	vperm.xlane v42, v0  }
0x1cd: {  	v54 =	vld [tilespmem:s16+$0x7230];
	v49 =	vsub.f32 $1.500000000e+00, v49;
	v39 =	vmul.f32 v48, v44;
	v60 =	vmul.f32 v45, v40  }
0x1ce: {  	v47 =	vld [tilespmem:s16+$0xF230];
	v59 =	vmul.f32 v38, v38;
	v57 =	vadd.f32 v62, v63;
	v42 =	vadd.f32 v42, v53  }
0x1cf: {  	v30 =	vmul.f32 v49, v30;
	v61 =	vmul.f32 v39, v39;
	v58 =	vshll.u32 v50, $0x10  }
0x1d0: {  	v40 =	vmul.f32 v58, v55;
	v44 =	vadd.f32 v59, v57;
	v62 =	vperm.xlane v42, v1  }
0x1d1: {  	v55 =	vadd.f32 v41, v43;
	v63 =	vmul.f32 v60, v45;
	v41 =	vmul.f32 v50, v51  }
0x1d2: {  	v56 =	vmul.f32 v40, v40;
	v44 =	vadd.f32 v44, v61;
	v57 =	vadd.f32 v42, v62  }
0x1d3: {  	v58 =	vshll.u32 v54, $0x10;
	v51 =	vmul.f32 v41, v41;
	v59 =	vshll.u32 v47, $0x10  }
0x1d4: {  	v42 =	vmul.f32 v59, v58;
	v44 =	vadd.f32 v56, v44;
	v60 =	vperm.xlane v57, v2  }
0x1d5: {  	v43 =	vmul.f32 v47, v54;
	v61 =	vperm.xlane v55, v2  }
0x1d6: {  	v62 =	vmul.f32 v42, v42;
	v44 =	vadd.f32 v44, v51;
	v48 =	vadd.f32 v57, v60  }
0x1d7: {  	v5 =	vmul.f32 v30, v5;
	v53 =	vsub.f32 $1.500000000e+00, v63;
	v63 =	vadd.f32 v55, v61  }
0x1d8: {  	v56 =	vmul.f32 v43, v43;
	v44 =	vadd.f32 v62, v44;
	v57 =	vperm.xlane v48, v3  }
0x1d9: {  	v45 =	vmul.f32 v53, v45;
	v52 =	vperm.xlane v63, v3  }
0x1da: {  	v8 =	vmul.f32 v30, v8;
	v44 =	vadd.f32 v44, v56;
	v47 =	vadd.f32 v48, v57  }
0x1db: {  	v11 =	vmul.f32 v30, v11;
	v25 =	vmul.f32 v45, v25;
	v58 =	vadd.f32 v63, v52  }
0x1dc: {  	v59 =	vperm.xlane v44, v0;
	v60 =	vshrl.u32 v47, $0x1;
	v47 =	vmul.f32 $5.000000000e-01, v47  }
0x1dd: {  	v61 =	vshrl.u32 v58, $0x1;
	v48 =	vmul.f32 $5.000000000e-01, v58;
	v50 =	vsub.s32 $0x5F3759DF, v60  }
0x1de: {  	v51 =	vsub.s32 $0x5F3759DF, v61;
	v44 =	vadd.f32 v44, v59;
	v62 =	vmul.f32 v50, v47  }
0x1df: {  	v4 =	vmul.f32 v30, v4;
	v63 =	vmul.f32 v51, v48  }
0x1e0: {  	[tilespmem:s14+$0x172F0] =	vst v25;
	v53 =	vperm.xlane v44, v1;
	v49 =	vmul.f32 v50, v62  }
0x1e1: {  	v10 =	vmul.f32 v30, v10;
	[tilespmem:s12+$0x17200] =	vst v5;
	v54 =	vmul.f32 v51, v63  }
0x1e2: {  	v5 =	vmul.f32 v30, v7;
	[tilespmem:s12+$0x17210] =	vst v8;
	v56 =	vadd.f32 v44, v53;
	v57 =	vsub.f32 $1.500000000e+00, v49  }
0x1e3: {  	v6 =	vmul.f32 v30, v6;
	v55 =	vmul.f32 v30, v9;
	[tilespmem:s12+$0x17220] =	vst v11;
	v7 =	vsub.f32 $1.500000000e+00, v54  }
0x1e4: {  	[tilespmem:s12+$0x17230] =	vst v5;
	v5 =	vperm.xlane v56, v2;
	v58 =	vmul.f32 v50, v57  }
0x1e5: {  	v25 =	vmul.f32 v45, v26;
	[tilespmem:s12+$0x17240] =	vst v55;
	v7 =	vmul.f32 v51, v7  }
0x1e6: {  	[tilespmem:s12+$0x17250] =	vst v4;
	v30 =	vmul.f32 v45, v24;
	v4 =	vadd.f32 v56, v5;
	v5 =	vmul.f32 v58, v47  }
0x1e7: {  	[tilespmem:s12+$0x17260] =	vst v10;
	v59 =	vmul.f32 v45, v13;
	v61 =	vmul.f32 v7, v48  }
0x1e8: {  	[tilespmem:s12+$0x17270] =	vst v6;
	v62 =	vperm.xlane v4, v3;
	v5 =	vmul.f32 v5, v58  }
0x1e9: {  	[tilespmem:s14+$0x172D0] =	vst v25;
	v63 =	vmul.f32 v45, v15;
	v15 =	vmul.f32 v61, v7  }
0x1ea: {  	[tilespmem:s14+$0x172E0] =	vst v30;
	v60 =	vmul.f32 v45, v16;
	v4 =	vadd.f32 v4, v62;
	v5 =	vsub.f32 $1.500000000e+00, v5  }
0x1eb: {  	v16 =	vmul.f32 v45, v20;
	v20 =	vmul.f32 v45, v19;
	[tilespmem:s14+$0x17280] =	vst v59;
	v8 =	vsub.f32 $1.500000000e+00, v15  }
0x1ec: {  	[tilespmem:s14+$0x17290] =	vst v60;
	v26 =	vshrl.u32 v4, $0x1;
	v4 =	vmul.f32 $5.000000000e-01, v4;
	v5 =	vmul.f32 v5, v58  }
0x1ed: {  	[tilespmem:s14+$0x172B0] =	vst v16;
	v7 =	vmul.f32 v8, v7;
	v44 =	vsub.s32 $0x5F3759DF, v26  }
0x1ee: {  	[tilespmem:s14+$0x172C0] =	vst v20;
	v10 =	vmul.f32 v44, v4;
	v45 =	vmul.f32 v5, v46  }
0x1ef: {  	[tilespmem:s14+$0x172A0] =	vst v63;
	v46 =	vmul.f32 v7, v12  }
0x1f0: {  	v47 =	vmul.f32 v7, v14;
	v10 =	vmul.f32 v44, v10;
	[tilespmem:s16+$0x172F0] =	vst v45  }
0x1f1: {  	v48 =	vmul.f32 v7, v17;
	[tilespmem:s14+$0x17200] =	vst v46  }
0x1f2: {  	v49 =	vmul.f32 v7, v21;
	v50 =	vsub.f32 $1.500000000e+00, v10;
	[tilespmem:s14+$0x17210] =	vst v47  }
0x1f3: {  	v51 =	vmul.f32 v7, v18;
	[tilespmem:s14+$0x17220] =	vst v48  }
0x1f4: {  	v52 =	vmul.f32 v7, v27;
	[tilespmem:s14+$0x17230] =	vst v49;
	v8 =	vmul.f32 v44, v50  }
0x1f5: {  	v53 =	vmul.f32 v7, v28;
	[tilespmem:s14+$0x17240] =	vst v51  }
0x1f6: {  	v7 =	vmul.f32 v7, v29;
	[tilespmem:s14+$0x17250] =	vst v52;
	v4 =	vmul.f32 v8, v4  }
0x1f7: {  	v54 =	vmul.f32 v5, v31;
	[tilespmem:s14+$0x17260] =	vst v53  }
0x1f8: {  	v55 =	vmul.f32 v5, v22;
	[tilespmem:s14+$0x17270] =	vst v7;
	v4 =	vmul.f32 v4, v8  }
0x1f9: {  	v56 =	vmul.f32 v5, v23;
	[tilespmem:s16+$0x17280] =	vst v54  }
0x1fa: {  	v57 =	vmul.f32 v5, v32;
	[tilespmem:s16+$0x17290] =	vst v55;
	v4 =	vsub.f32 $1.500000000e+00, v4  }
0x1fb: {  	v58 =	vmul.f32 v5, v33;
	[tilespmem:s16+$0x172A0] =	vst v56  }
0x1fc: {  	v59 =	vmul.f32 v5, v34;
	[tilespmem:s16+$0x172B0] =	vst v57;
	v4 =	vmul.f32 v4, v8  }
0x1fd: {  	v5 =	vmul.f32 v5, v35;
	[tilespmem:s16+$0x172C0] =	vst v58  }
0x1fe: {  	[tilespmem:s16+$0x172D0] =	vst v59;
	v60 =	vmul.f32 v4, v36  }
0x1ff: {  	[tilespmem:s16+$0x172E0] =	vst v5;
	v5 =	vmul.f32 v4, v37  }
0x200: {  	v61 =	vmul.f32 v4, v38;
	[tilespmem:s16+$0x17200] =	vst v60  }
0x201: {  	v62 =	vmul.f32 v4, v40;
	[tilespmem:s16+$0x17210] =	vst v5  }
0x202: {  	v5 =	vmul.f32 v4, v39;
	[tilespmem:s16+$0x17220] =	vst v61  }
0x203: {  	v63 =	vmul.f32 v4, v42;
	[tilespmem:s16+$0x17240] =	vst v62  }
.Ltmp6:
0x204: {  	[tilespmem:s16+$0x17230] =	vst v5;
	v5 =	vmul.f32 v4, v41;
	(pc) =	sbr.rel @p0 .LBB2_11-.Ltmp6, $4  }
0x205: {  	[tilespmem:s16+$0x17260] =	vst v63;
	v4 =	vmul.f32 v4, v43  }
0x206: {  	[tilespmem:s16+$0x17250] =	vst v5  }
0x207: {  	s18 =	sadd.s32 s17, s13;
	[tilespmem:s16+$0x17270] =	vst v4  }
0x208: {  	[hbm4b:s18+s3] =	stream.linear.scatter [tilespmem:s29], [sflag:$0x4], $0x4000, $0x38;
	[tilespmem:$0x1B200] =	vst v63  }
0x209: {  	_ =	swait.ge [sflag:s30], $0x80  }
0x20a: {  	[sflag:s30] =	ssyncset.done $0x0  }
0x20b: {  	[sflag:s30] =	ssyncadd.s32 $0xFFFFFF80  }
0x20c: {  	_ =	swait.ge [sflag:s30], $0x80  }
.Ltmp7:
0x20d: {  	[sflag:s30] =	ssyncset.done $0x0;
	(pc) =	sbr.rel .LBB2_2-.Ltmp7, $4  }
0x20e: {  	[sflag:s30] =	ssyncadd.s32 $0xFFFFFF80  }
0x20f: {  	[tilespmem:s31], [sflag:$0x2] =	stream.indirect.gather [spmem:s1], $0x40, s23, s26, $0xb8;
	[tilespmem:$0x1B200] =	vst v63  }
0x210: {  	s11 =	sadd.s32 $0x1, s11  }
0x211: {  	[tilespmem:s0], [sflag:$0x2] =	stream.indirect.gather [spmem:s2], $0x40, s24, s26, $0xb8;
	[tilespmem:$0x1B200] =	vst v63  }
.LBB2_12:
0x212: {  	_ =	sfence.sel $0x180000  }
0x213: {  	[bflag:$0x0] =	sbarrier.arrive $0xFFFF  }
0x214: {  	_ =	strace $0x90000047  }
0x215: {  	s0 =	stileid.u32;
	[bflag:$0x2] =	sbarrier.arrive $0xFFFF  }
0x216: {  	p0 =	sne.s32 s0, $0x0;
	s0 =	rddreg [dreg:$0x4]  }
0x217: {  	s0 =	sadd.s32 @!p0 $0x100000, s0  }
0x218: {  	[sflag:s0] =	ssyncadd.tile.s32 @!p0 $0x1;
	_ =	shalt  }
.Lfunc_end2:
_tile_overlayer_lowered:
.L_overlay_start_2:
0x219: {  	(tag) =	ssettag $0x2  }
0x21a: {  	s0 =	rddreg [dreg:$0x0];
	s2 =	stileid.u32  }
0x21b: {  	s1 =	rddreg [dreg:$0x1];
	p0 =	sne.s32 s2, $0x0  }
0x21c: {  	s3 =	rddreg [dreg:$0x2];
	[bflag:$0x3] =	sbarrier.arrive $0xFFFF;
	s2 =	simm.s32 @!p0 $0x1C07  }
0x21d: {  	[timem:s3], [sflag:s2] =	dma.local @!p0 [hbm:s0], s1  }
0x21e: {  	s0 =	simm.s32 @!p0 $0x7  }
0x21f: {  	_ =	swait.ge @!p0 [sflag:s0], s1  }
0x220: {  	s1 =	ssub.s32 @!p0 $0x0, s1;
	[sflag:s0] =	ssyncset.done @!p0 $0x0  }
0x221: {  	[sflag:s0] =	ssyncadd.s32 @!p0 s1  }
0x222: {  	[bflag:$0x3] =	sbarrier.arrive $0xFFFF  }
0x223: {  	_ =	shalt  }

</sc_bundles>
